<compile_context>
chip_gen: v7x
topology: tpu7x:2x2x1
jax: 0.10.2.dev20260603
libtpu: 0.0.44.dev20260713+nightly
codegen_flags: <defaults>
</compile_context>

<pallas_src>
import functools
import jax
import jax.numpy as jnp
from jax import lax
from jax.experimental import pallas as pl
from jax.experimental.pallas import tpu as pltpu
from jax.experimental.pallas import tpu_sc as plsc

_BLK = 1920
_R_SC = 512
_NW = 32
_RW = _R_SC // _NW
_RU = 4


def _tab_kernel(emb_ref, w2_ref, b_ref, aux_ref):
    tab = jax.lax.dot_general(
        emb_ref[...], w2_ref[...], (((1,), (1,)), ((), ())),
        preferred_element_type=jnp.float32)
    aux_ref[0:1, :] = tab[0:1, :] + b_ref[...]
    aux_ref[1:2, :] = tab[1:2, :] - tab[0:1, :]


def _tc_kernel(x_ref, ids_ref, aux_ref, w1_ref, out_ref):
    m = jax.lax.dot_general(
        x_ref[...], w1_ref[...], (((1,), (0,)), ((), ())),
        preferred_element_type=jnp.float32)
    ids = ids_ref[...].astype(jnp.float32)
    out_ref[...] = m + aux_ref[0:1, :] + ids * aux_ref[1:2, :]


def _sc_body(xf_hbm, wt_hbm, aux_hbm, idsf_hbm, out_hbm,
             xv, wv, auxv, idv, ov, h):
    nc = 16
    wid = lax.axis_index("s") * 2 + lax.axis_index("c")
    base = wid * _RW
    gbase = xf_hbm.shape[0] // h - _R_SC + base
    pltpu.sync_copy(xf_hbm.at[pl.ds(gbase * h, _RW * h)], xv)
    pltpu.sync_copy(wt_hbm, wv)
    pltpu.sync_copy(aux_hbm, auxv)
    pltpu.sync_copy(idsf_hbm.at[pl.ds(gbase, _RW)], idv)
    a0 = auxv[pl.ds(0, 16)]
    a1 = auxv[pl.ds(16, 16)]
    zero = jnp.zeros((16,), jnp.float32)

    def grp_body(g, _):
        r0 = g * 16
        idg = idv[pl.ds(r0, 16)]
        for sb in range(16 // _RU):
            r = r0 + sb * _RU

            def kc_body(kc, accs):
                new = list(accs)
                xcs = [xv[pl.ds((r + t) * h + kc * 16, 16)]
                       for t in range(_RU)]
                for j in range(16):
                    wk = wv[pl.ds((kc * 16 + j) * nc, 16)]
                    for t in range(_RU):
                        new[t] = new[t] + xcs[t][j] * wk
                return tuple(new)

            accs = lax.fori_loop(0, h // 16, kc_body, (zero,) * _RU)
            for t in range(_RU):
                ov[pl.ds((r + t) * nc, 16)] = (
                    accs[t] + a0 + idg[sb * _RU + t] * a1)
        return 0

    lax.fori_loop(0, _RW // 16, grp_body, 0)
    pltpu.sync_copy(ov, out_hbm.at[pl.ds(base * nc, _RW * nc)])


def kernel(input, is_predicate_id, emb_table, W, b):
    B, S, H = input.shape
    NC, HD = W.shape
    R = B * S
    r_tc = R - _R_SC
    x = input.reshape(R, H)
    ids = is_predicate_id.reshape(R)
    ids_tc = ids[:r_tc].reshape(r_tc, 1).astype(jnp.int32)
    idsf = ids.astype(jnp.float32)
    w1t = W[:, :H].T
    w2 = W[:, H:]
    b2 = b.reshape(1, NC)

    aux = pl.pallas_call(
        _tab_kernel,
        out_shape=jax.ShapeDtypeStruct((2, NC), jnp.float32),
    )(emb_table, w2, b2)

    tc_out = pl.pallas_call(
        _tc_kernel,
        grid=(r_tc // _BLK,),
        in_specs=[
            pl.BlockSpec((_BLK, H), lambda i: (i, 0)),
            pl.BlockSpec((_BLK, 1), lambda i: (i, 0)),
            pl.BlockSpec((2, NC), lambda i: (0, 0)),
            pl.BlockSpec((H, NC), lambda i: (0, 0)),
        ],
        out_specs=pl.BlockSpec((_BLK, NC), lambda i: (i, 0)),
        out_shape=jax.ShapeDtypeStruct((r_tc, NC), jnp.float32),
        compiler_params=pltpu.CompilerParams(
            dimension_semantics=("arbitrary",)),
    )(x, ids_tc, aux, w1t)

    sc_fn = pl.kernel(
        functools.partial(_sc_body, h=H),
        mesh=plsc.VectorSubcoreMesh(core_axis_name="c", subcore_axis_name="s"),
        out_type=jax.ShapeDtypeStruct((_R_SC * NC,), jnp.float32),
        scratch_types=[
            pltpu.VMEM((_RW * H,), jnp.float32),
            pltpu.VMEM((H * NC,), jnp.float32),
            pltpu.VMEM((2 * NC,), jnp.float32),
            pltpu.VMEM((_RW,), jnp.float32),
            pltpu.VMEM((_RW * NC,), jnp.float32),
        ],
    )
    sc_out = sc_fn(x.reshape(R * H), w1t.reshape(H * NC),
                   aux.reshape(2 * NC), idsf)

    out = jnp.concatenate([tc_out, sc_out.reshape(_R_SC, NC)], axis=0)
    return out.reshape(B, S, NC)

# --- scband reference (transcript-rebuilt; emitter-appended) ---
"""Pipeline reference for scband-predicate-sense-module-72370198938069 (READ-ONLY COPY).

The authoritative reference and input builder live on the scoring server;
editing this copy changes nothing except your own understanding.
"""

import jax, jax.numpy as jnp
import numpy as np

B, S, H, NC = 4, 2048, 768, 16

def setup_inputs(seed: int = 0) -> dict:
    key = jax.random.key(seed)
    k1, k2, k3, k4 = jax.random.split(key, 4)
    inp = jax.random.normal(k1, (B, S, H), dtype=jnp.float32)
    is_predicate_id = jax.random.randint(k2, (B, S), 0, 2, dtype=jnp.int64)
    emb_table = jax.random.normal(k3, (2, 10), dtype=jnp.float32) * 0.02
    W = jax.random.normal(k4, (NC, H + 10), dtype=jnp.float32) * 0.02
    b = jnp.zeros((NC,), dtype=jnp.float32)
    return {"input": inp, "is_predicate_id": is_predicate_id, "emb_table": emb_table, "W": W, "b": b}

def reference(input, is_predicate_id, emb_table, W, b):
    # predicate_indicator_embedding lookup (gather from 2x10 table)
    pred_embed = jnp.take(emb_table, is_predicate_id, axis=0)  # [B, S, 10]
    cat = jnp.concatenate([input, pred_embed], axis=-1)        # [B, S, H+10]
    logits = jnp.einsum('bsd,nd->bsn', cat, W) + b             # nn.Linear
    return logits

if __name__ == "__main__":
    import jax
    _d = setup_inputs()
    print(jax.jit(kernel)(*tuple(_d.values())))

</pallas_src>

<mosaic_0001>
#map = affine_map<(d0, d1) -> (0)>
module attributes {stable_mosaic.version = 14 : i64} {
  func.func @_sc_body(%arg0: i32, %arg1: i32, %arg2: memref<6291456xf32, #tpu.memory_space<hbm>>, %arg3: memref<12288xf32, #tpu.memory_space<hbm>>, %arg4: memref<32xf32, #tpu.memory_space<hbm>>, %arg5: memref<8192xf32, #tpu.memory_space<hbm>>, %arg6: memref<8192xf32, #tpu.memory_space<hbm>>, %arg7: memref<12288xf32, #tpu.memory_space<vmem>>, %arg8: memref<12288xf32, #tpu.memory_space<vmem>>, %arg9: memref<32xf32, #tpu.memory_space<vmem>>, %arg10: memref<16xf32, #tpu.memory_space<vmem>>, %arg11: memref<256xf32, #tpu.memory_space<vmem>>) attributes {dimension_semantics = [#tpu.dimension_semantics<core_parallel>, #tpu.dimension_semantics<subcore_parallel>], iteration_bounds = array<i64: 2, 16>, scalar_prefetch = 0 : i64, scratch_operands = 5 : i64, tpu.core_type = #tpu.core_type<sc_vector_subcore>, window_params = [{transform_indices = #map}, {transform_indices = #map}, {transform_indices = #map}, {transform_indices = #map}, {transform_indices = #map}]} {
    %mul3A = arith.constant 2 : i32
    %mul3A_0 = arith.muli %arg1, %mul3A : i32
    %add3A = arith.addi %mul3A_0, %arg0 : i32
    %mul3A_1 = arith.constant 16 : i32
    %mul3A_2 = arith.muli %add3A, %mul3A_1 : i32
    %add3A_3 = arith.constant 7680 : i32
    %add3A_4 = arith.addi %add3A_3, %mul3A_2 : i32
    %mul3A_5 = arith.constant 768 : i32
    %mul3A_6 = arith.muli %add3A_4, %mul3A_5 : i32
    "tpu.region"() ({
      %run_scoped3A = tpu.sem_alloc : memref<!tpu.dma_semaphore, #tpu.memory_space<semaphore_mem>>
      %dma_start3A = tpu.memref_slice %arg2[%mul3A_6] : memref<6291456xf32, #tpu.memory_space<hbm>> -> memref<12288xf32, #tpu.memory_space<hbm>>
      %dma_start3A_276 = tpu.memref_slice %arg2[%mul3A_6] : memref<6291456xf32, #tpu.memory_space<hbm>> -> memref<12288xf32, #tpu.memory_space<hbm>>
      tpu.enqueue_dma source(%dma_start3A_276 : memref<12288xf32, #tpu.memory_space<hbm>>) target(%arg7 : memref<12288xf32, #tpu.memory_space<vmem>>) target_semaphore(%run_scoped3A : memref<!tpu.dma_semaphore, #tpu.memory_space<semaphore_mem>>)
      %dma_wait3A = tpu.memref_slice %arg2[%mul3A_6] : memref<6291456xf32, #tpu.memory_space<hbm>> -> memref<12288xf32, #tpu.memory_space<hbm>>
      %dma_wait3A_277 = tpu.memref_slice %arg2[%mul3A_6] : memref<6291456xf32, #tpu.memory_space<hbm>> -> memref<12288xf32, #tpu.memory_space<hbm>>
      tpu.wait_dma2 semaphore(%run_scoped3A : memref<!tpu.dma_semaphore, #tpu.memory_space<semaphore_mem>>) src(%dma_wait3A_277 : memref<12288xf32, #tpu.memory_space<hbm>>) dst(%arg7 : memref<12288xf32, #tpu.memory_space<vmem>>)
      tpu.yield
    }) : () -> ()
    "tpu.region"() ({
      %run_scoped3A = tpu.sem_alloc : memref<!tpu.dma_semaphore, #tpu.memory_space<semaphore_mem>>
      tpu.enqueue_dma source(%arg3 : memref<12288xf32, #tpu.memory_space<hbm>>) target(%arg8 : memref<12288xf32, #tpu.memory_space<vmem>>) target_semaphore(%run_scoped3A : memref<!tpu.dma_semaphore, #tpu.memory_space<semaphore_mem>>)
      tpu.wait_dma2 semaphore(%run_scoped3A : memref<!tpu.dma_semaphore, #tpu.memory_space<semaphore_mem>>) src(%arg3 : memref<12288xf32, #tpu.memory_space<hbm>>) dst(%arg8 : memref<12288xf32, #tpu.memory_space<vmem>>)
      tpu.yield
    }) : () -> ()
    "tpu.region"() ({
      %run_scoped3A = tpu.sem_alloc : memref<!tpu.dma_semaphore, #tpu.memory_space<semaphore_mem>>
      tpu.enqueue_dma source(%arg4 : memref<32xf32, #tpu.memory_space<hbm>>) target(%arg9 : memref<32xf32, #tpu.memory_space<vmem>>) target_semaphore(%run_scoped3A : memref<!tpu.dma_semaphore, #tpu.memory_space<semaphore_mem>>)
      tpu.wait_dma2 semaphore(%run_scoped3A : memref<!tpu.dma_semaphore, #tpu.memory_space<semaphore_mem>>) src(%arg4 : memref<32xf32, #tpu.memory_space<hbm>>) dst(%arg9 : memref<32xf32, #tpu.memory_space<vmem>>)
      tpu.yield
    }) : () -> ()
    "tpu.region"() ({
      %run_scoped3A = tpu.sem_alloc : memref<!tpu.dma_semaphore, #tpu.memory_space<semaphore_mem>>
      %dma_start3A = tpu.memref_slice %arg5[%add3A_4] : memref<8192xf32, #tpu.memory_space<hbm>> -> memref<16xf32, #tpu.memory_space<hbm>>
      %dma_start3A_276 = tpu.memref_slice %arg5[%add3A_4] : memref<8192xf32, #tpu.memory_space<hbm>> -> memref<16xf32, #tpu.memory_space<hbm>>
      tpu.enqueue_dma source(%dma_start3A_276 : memref<16xf32, #tpu.memory_space<hbm>>) target(%arg10 : memref<16xf32, #tpu.memory_space<vmem>>) target_semaphore(%run_scoped3A : memref<!tpu.dma_semaphore, #tpu.memory_space<semaphore_mem>>)
      %dma_wait3A = tpu.memref_slice %arg5[%add3A_4] : memref<8192xf32, #tpu.memory_space<hbm>> -> memref<16xf32, #tpu.memory_space<hbm>>
      %dma_wait3A_277 = tpu.memref_slice %arg5[%add3A_4] : memref<8192xf32, #tpu.memory_space<hbm>> -> memref<16xf32, #tpu.memory_space<hbm>>
      tpu.wait_dma2 semaphore(%run_scoped3A : memref<!tpu.dma_semaphore, #tpu.memory_space<semaphore_mem>>) src(%dma_wait3A_277 : memref<16xf32, #tpu.memory_space<hbm>>) dst(%arg10 : memref<16xf32, #tpu.memory_space<vmem>>)
      tpu.yield
    }) : () -> ()
    %get3A = arith.constant 0 : index
    %get3A_7 = tpu.vector_load %arg9[%get3A] {strides = array<i32>} : memref<32xf32, #tpu.memory_space<vmem>>, vector<16xf32>,
    %get3A_8 = vector.shape_cast %get3A_7 : vector<16xf32> to vector<16xf32>
    %get3A_9 = arith.constant 16 : index
    %get3A_10 = tpu.vector_load %arg9[%get3A_9] {strides = array<i32>} : memref<32xf32, #tpu.memory_space<vmem>>, vector<16xf32>,
    %get3A_11 = vector.shape_cast %get3A_10 : vector<16xf32> to vector<16xf32>
    %broadcast_in_dim3A = arith.constant 0.000000e+00 : f32
    %broadcast_in_dim3A_12 = vector.broadcast %broadcast_in_dim3A : f32 to vector<16xf32>
    %scan3A = arith.constant 0 : i32
    %scan3A_13 = arith.constant 0 : i32
    %mul3A_14 = arith.constant 16 : i32
    %mul3A_15 = arith.muli %scan3A_13, %mul3A_14 : i32
    %get3A_16 = arith.index_cast %mul3A_15 : i32 to index
    %get3A_17 = tpu.vector_load %arg10[%get3A_16] {strides = array<i32>} : memref<16xf32, #tpu.memory_space<vmem>>, vector<16xf32>,
    %get3A_18 = vector.shape_cast %get3A_17 : vector<16xf32> to vector<16xf32>
    %add3A_19 = arith.constant 0 : i32
    %add3A_20 = arith.addi %mul3A_15, %add3A_19 : i32
    %scan3A_21 = arith.constant 0 : i32
    %scan3A_22 = arith.constant 48 : i32
    %scan3A_23 = arith.addi %scan3A_21, %scan3A_22 : i32
    %scan3A_24 = arith.constant 1 : i32
    %scan3A_25:4 = scf.for %scan3A_276 = %scan3A_21 to %scan3A_23 step %scan3A_24 iter_args(%scan3A_277 = %broadcast_in_dim3A_12, %scan3A_278 = %broadcast_in_dim3A_12, %scan3A_279 = %broadcast_in_dim3A_12, %scan3A_280 = %broadcast_in_dim3A_12) -> (vector<16xf32>, vector<16xf32>, vector<16xf32>, vector<16xf32>)  : i32 {
      %add3A_281 = arith.constant 0 : i32
      %add3A_282 = arith.addi %add3A_20, %add3A_281 : i32
      %mul3A_283 = arith.constant 768 : i32
      %mul3A_284 = arith.muli %add3A_282, %mul3A_283 : i32
      %mul3A_285 = arith.constant 16 : i32
      %mul3A_286 = arith.muli %scan3A_276, %mul3A_285 : i32
      %add3A_287 = arith.addi %mul3A_284, %mul3A_286 : i32
      %get3A_288 = arith.index_cast %add3A_287 : i32 to index
      %get3A_289 = tpu.vector_load %arg7[%get3A_288] {strides = array<i32>} : memref<12288xf32, #tpu.memory_space<vmem>>, vector<16xf32>,
      %get3A_290 = vector.shape_cast %get3A_289 : vector<16xf32> to vector<16xf32>
      %add3A_291 = arith.constant 1 : i32
      %add3A_292 = arith.addi %add3A_20, %add3A_291 : i32
      %mul3A_293 = arith.constant 768 : i32
      %mul3A_294 = arith.muli %add3A_292, %mul3A_293 : i32
      %mul3A_295 = arith.constant 16 : i32
      %mul3A_296 = arith.muli %scan3A_276, %mul3A_295 : i32
      %add3A_297 = arith.addi %mul3A_294, %mul3A_296 : i32
      %get3A_298 = arith.index_cast %add3A_297 : i32 to index
      %get3A_299 = tpu.vector_load %arg7[%get3A_298] {strides = array<i32>} : memref<12288xf32, #tpu.memory_space<vmem>>, vector<16xf32>,
      %get3A_300 = vector.shape_cast %get3A_299 : vector<16xf32> to vector<16xf32>
      %add3A_301 = arith.constant 2 : i32
      %add3A_302 = arith.addi %add3A_20, %add3A_301 : i32
      %mul3A_303 = arith.constant 768 : i32
      %mul3A_304 = arith.muli %add3A_302, %mul3A_303 : i32
      %mul3A_305 = arith.constant 16 : i32
      %mul3A_306 = arith.muli %scan3A_276, %mul3A_305 : i32
      %add3A_307 = arith.addi %mul3A_304, %mul3A_306 : i32
      %get3A_308 = arith.index_cast %add3A_307 : i32 to index
      %get3A_309 = tpu.vector_load %arg7[%get3A_308] {strides = array<i32>} : memref<12288xf32, #tpu.memory_space<vmem>>, vector<16xf32>,
      %get3A_310 = vector.shape_cast %get3A_309 : vector<16xf32> to vector<16xf32>
      %add3A_311 = arith.constant 3 : i32
      %add3A_312 = arith.addi %add3A_20, %add3A_311 : i32
      %mul3A_313 = arith.constant 768 : i32
      %mul3A_314 = arith.muli %add3A_312, %mul3A_313 : i32
      %mul3A_315 = arith.constant 16 : i32
      %mul3A_316 = arith.muli %scan3A_276, %mul3A_315 : i32
      %add3A_317 = arith.addi %mul3A_314, %mul3A_316 : i32
      %get3A_318 = arith.index_cast %add3A_317 : i32 to index
      %get3A_319 = tpu.vector_load %arg7[%get3A_318] {strides = array<i32>} : memref<12288xf32, #tpu.memory_space<vmem>>, vector<16xf32>,
      %get3A_320 = vector.shape_cast %get3A_319 : vector<16xf32> to vector<16xf32>
      %mul3A_321 = arith.constant 16 : i32
      %mul3A_322 = arith.muli %scan3A_276, %mul3A_321 : i32
      %add3A_323 = arith.constant 0 : i32
      %add3A_324 = arith.addi %mul3A_322, %add3A_323 : i32
      %mul3A_325 = arith.constant 16 : i32
      %mul3A_326 = arith.muli %add3A_324, %mul3A_325 : i32
      %get3A_327 = arith.index_cast %mul3A_326 : i32 to index
      %get3A_328 = tpu.vector_load %arg8[%get3A_327] {strides = array<i32>} : memref<12288xf32, #tpu.memory_space<vmem>>, vector<16xf32>,
      %get3A_329 = vector.shape_cast %get3A_328 : vector<16xf32> to vector<16xf32>
      %slice3A_330 = vector.extract_strided_slice %get3A_290 {offsets = [0], sizes = [1], strides = [1]} : vector<16xf32> to vector<1xf32>
      %squeeze3A_331 = vector.extract %slice3A_330[0] : f32 from vector<1xf32>
      %mul3A_332 = vector.broadcast %squeeze3A_331 : f32 to vector<16xf32>
      %mul3A_333 = arith.mulf %mul3A_332, %get3A_329 : vector<16xf32>
      %add3A_334 = arith.addf %scan3A_277, %mul3A_333 : vector<16xf32>
      %slice3A_335 = vector.extract_strided_slice %get3A_300 {offsets = [0], sizes = [1], strides = [1]} : vector<16xf32> to vector<1xf32>
      %squeeze3A_336 = vector.extract %slice3A_335[0] : f32 from vector<1xf32>
      %mul3A_337 = vector.broadcast %squeeze3A_336 : f32 to vector<16xf32>
      %mul3A_338 = arith.mulf %mul3A_337, %get3A_329 : vector<16xf32>
      %add3A_339 = arith.addf %scan3A_278, %mul3A_338 : vector<16xf32>
      %slice3A_340 = vector.extract_strided_slice %get3A_310 {offsets = [0], sizes = [1], strides = [1]} : vector<16xf32> to vector<1xf32>
      %squeeze3A_341 = vector.extract %slice3A_340[0] : f32 from vector<1xf32>
      %mul3A_342 = vector.broadcast %squeeze3A_341 : f32 to vector<16xf32>
      %mul3A_343 = arith.mulf %mul3A_342, %get3A_329 : vector<16xf32>
      %add3A_344 = arith.addf %scan3A_279, %mul3A_343 : vector<16xf32>
      %slice3A_345 = vector.extract_strided_slice %get3A_320 {offsets = [0], sizes = [1], strides = [1]} : vector<16xf32> to vector<1xf32>
      %squeeze3A_346 = vector.extract %slice3A_345[0] : f32 from vector<1xf32>
      %mul3A_347 = vector.broadcast %squeeze3A_346 : f32 to vector<16xf32>
      %mul3A_348 = arith.mulf %mul3A_347, %get3A_329 : vector<16xf32>
      %add3A_349 = arith.addf %scan3A_280, %mul3A_348 : vector<16xf32>
      %mul3A_350 = arith.constant 16 : i32
      %mul3A_351 = arith.muli %scan3A_276, %mul3A_350 : i32
      %add3A_352 = arith.constant 1 : i32
      %add3A_353 = arith.addi %mul3A_351, %add3A_352 : i32
      %mul3A_354 = arith.constant 16 : i32
      %mul3A_355 = arith.muli %add3A_353, %mul3A_354 : i32
      %get3A_356 = arith.index_cast %mul3A_355 : i32 to index
      %get3A_357 = tpu.vector_load %arg8[%get3A_356] {strides = array<i32>} : memref<12288xf32, #tpu.memory_space<vmem>>, vector<16xf32>,
      %get3A_358 = vector.shape_cast %get3A_357 : vector<16xf32> to vector<16xf32>
      %slice3A_359 = vector.extract_strided_slice %get3A_290 {offsets = [1], sizes = [1], strides = [1]} : vector<16xf32> to vector<1xf32>
      %squeeze3A_360 = vector.extract %slice3A_359[0] : f32 from vector<1xf32>
      %mul3A_361 = vector.broadcast %squeeze3A_360 : f32 to vector<16xf32>
      %mul3A_362 = arith.mulf %mul3A_361, %get3A_358 : vector<16xf32>
      %add3A_363 = arith.addf %add3A_334, %mul3A_362 : vector<16xf32>
      %slice3A_364 = vector.extract_strided_slice %get3A_300 {offsets = [1], sizes = [1], strides = [1]} : vector<16xf32> to vector<1xf32>
      %squeeze3A_365 = vector.extract %slice3A_364[0] : f32 from vector<1xf32>
      %mul3A_366 = vector.broadcast %squeeze3A_365 : f32 to vector<16xf32>
      %mul3A_367 = arith.mulf %mul3A_366, %get3A_358 : vector<16xf32>
      %add3A_368 = arith.addf %add3A_339, %mul3A_367 : vector<16xf32>
      %slice3A_369 = vector.extract_strided_slice %get3A_310 {offsets = [1], sizes = [1], strides = [1]} : vector<16xf32> to vector<1xf32>
      %squeeze3A_370 = vector.extract %slice3A_369[0] : f32 from vector<1xf32>
      %mul3A_371 = vector.broadcast %squeeze3A_370 : f32 to vector<16xf32>
      %mul3A_372 = arith.mulf %mul3A_371, %get3A_358 : vector<16xf32>
      %add3A_373 = arith.addf %add3A_344, %mul3A_372 : vector<16xf32>
      %slice3A_374 = vector.extract_strided_slice %get3A_320 {offsets = [1], sizes = [1], strides = [1]} : vector<16xf32> to vector<1xf32>
      %squeeze3A_375 = vector.extract %slice3A_374[0] : f32 from vector<1xf32>
      %mul3A_376 = vector.broadcast %squeeze3A_375 : f32 to vector<16xf32>
      %mul3A_377 = arith.mulf %mul3A_376, %get3A_358 : vector<16xf32>
      %add3A_378 = arith.addf %add3A_349, %mul3A_377 : vector<16xf32>
      %mul3A_379 = arith.constant 16 : i32
      %mul3A_380 = arith.muli %scan3A_276, %mul3A_379 : i32
      %add3A_381 = arith.constant 2 : i32
      %add3A_382 = arith.addi %mul3A_380, %add3A_381 : i32
      %mul3A_383 = arith.constant 16 : i32
      %mul3A_384 = arith.muli %add3A_382, %mul3A_383 : i32
      %get3A_385 = arith.index_cast %mul3A_384 : i32 to index
      %get3A_386 = tpu.vector_load %arg8[%get3A_385] {strides = array<i32>} : memref<12288xf32, #tpu.memory_space<vmem>>, vector<16xf32>,
      %get3A_387 = vector.shape_cast %get3A_386 : vector<16xf32> to vector<16xf32>
      %slice3A_388 = vector.extract_strided_slice %get3A_290 {offsets = [2], sizes = [1], strides = [1]} : vector<16xf32> to vector<1xf32>
      %squeeze3A_389 = vector.extract %slice3A_388[0] : f32 from vector<1xf32>
      %mul3A_390 = vector.broadcast %squeeze3A_389 : f32 to vector<16xf32>
      %mul3A_391 = arith.mulf %mul3A_390, %get3A_387 : vector<16xf32>
      %add3A_392 = arith.addf %add3A_363, %mul3A_391 : vector<16xf32>
      %slice3A_393 = vector.extract_strided_slice %get3A_300 {offsets = [2], sizes = [1], strides = [1]} : vector<16xf32> to vector<1xf32>
      %squeeze3A_394 = vector.extract %slice3A_393[0] : f32 from vector<1xf32>
      %mul3A_395 = vector.broadcast %squeeze3A_394 : f32 to vector<16xf32>
      %mul3A_396 = arith.mulf %mul3A_395, %get3A_387 : vector<16xf32>
      %add3A_397 = arith.addf %add3A_368, %mul3A_396 : vector<16xf32>
      %slice3A_398 = vector.extract_strided_slice %get3A_310 {offsets = [2], sizes = [1], strides = [1]} : vector<16xf32> to vector<1xf32>
      %squeeze3A_399 = vector.extract %slice3A_398[0] : f32 from vector<1xf32>
      %mul3A_400 = vector.broadcast %squeeze3A_399 : f32 to vector<16xf32>
      %mul3A_401 = arith.mulf %mul3A_400, %get3A_387 : vector<16xf32>
      %add3A_402 = arith.addf %add3A_373, %mul3A_401 : vector<16xf32>
      %slice3A_403 = vector.extract_strided_slice %get3A_320 {offsets = [2], sizes = [1], strides = [1]} : vector<16xf32> to vector<1xf32>
      %squeeze3A_404 = vector.extract %slice3A_403[0] : f32 from vector<1xf32>
      %mul3A_405 = vector.broadcast %squeeze3A_404 : f32 to vector<16xf32>
      %mul3A_406 = arith.mulf %mul3A_405, %get3A_387 : vector<16xf32>
      %add3A_407 = arith.addf %add3A_378, %mul3A_406 : vector<16xf32>
      %mul3A_408 = arith.constant 16 : i32
      %mul3A_409 = arith.muli %scan3A_276, %mul3A_408 : i32
      %add3A_410 = arith.constant 3 : i32
      %add3A_411 = arith.addi %mul3A_409, %add3A_410 : i32
      %mul3A_412 = arith.constant 16 : i32
      %mul3A_413 = arith.muli %add3A_411, %mul3A_412 : i32
      %get3A_414 = arith.index_cast %mul3A_413 : i32 to index
      %get3A_415 = tpu.vector_load %arg8[%get3A_414] {strides = array<i32>} : memref<12288xf32, #tpu.memory_space<vmem>>, vector<16xf32>,
      %get3A_416 = vector.shape_cast %get3A_415 : vector<16xf32> to vector<16xf32>
      %slice3A_417 = vector.extract_strided_slice %get3A_290 {offsets = [3], sizes = [1], strides = [1]} : vector<16xf32> to vector<1xf32>
      %squeeze3A_418 = vector.extract %slice3A_417[0] : f32 from vector<1xf32>
      %mul3A_419 = vector.broadcast %squeeze3A_418 : f32 to vector<16xf32>
      %mul3A_420 = arith.mulf %mul3A_419, %get3A_416 : vector<16xf32>
      %add3A_421 = arith.addf %add3A_392, %mul3A_420 : vector<16xf32>
      %slice3A_422 = vector.extract_strided_slice %get3A_300 {offsets = [3], sizes = [1], strides = [1]} : vector<16xf32> to vector<1xf32>
      %squeeze3A_423 = vector.extract %slice3A_422[0] : f32 from vector<1xf32>
      %mul3A_424 = vector.broadcast %squeeze3A_423 : f32 to vector<16xf32>
      %mul3A_425 = arith.mulf %mul3A_424, %get3A_416 : vector<16xf32>
      %add3A_426 = arith.addf %add3A_397, %mul3A_425 : vector<16xf32>
      %slice3A_427 = vector.extract_strided_slice %get3A_310 {offsets = [3], sizes = [1], strides = [1]} : vector<16xf32> to vector<1xf32>
      %squeeze3A_428 = vector.extract %slice3A_427[0] : f32 from vector<1xf32>
      %mul3A_429 = vector.broadcast %squeeze3A_428 : f32 to vector<16xf32>
      %mul3A_430 = arith.mulf %mul3A_429, %get3A_416 : vector<16xf32>
      %add3A_431 = arith.addf %add3A_402, %mul3A_430 : vector<16xf32>
      %slice3A_432 = vector.extract_strided_slice %get3A_320 {offsets = [3], sizes = [1], strides = [1]} : vector<16xf32> to vector<1xf32>
      %squeeze3A_433 = vector.extract %slice3A_432[0] : f32 from vector<1xf32>
      %mul3A_434 = vector.broadcast %squeeze3A_433 : f32 to vector<16xf32>
      %mul3A_435 = arith.mulf %mul3A_434, %get3A_416 : vector<16xf32>
      %add3A_436 = arith.addf %add3A_407, %mul3A_435 : vector<16xf32>
      %mul3A_437 = arith.constant 16 : i32
      %mul3A_438 = arith.muli %scan3A_276, %mul3A_437 : i32
      %add3A_439 = arith.constant 4 : i32
      %add3A_440 = arith.addi %mul3A_438, %add3A_439 : i32
      %mul3A_441 = arith.constant 16 : i32
      %mul3A_442 = arith.muli %add3A_440, %mul3A_441 : i32
      %get3A_443 = arith.index_cast %mul3A_442 : i32 to index
      %get3A_444 = tpu.vector_load %arg8[%get3A_443] {strides = array<i32>} : memref<12288xf32, #tpu.memory_space<vmem>>, vector<16xf32>,
      %get3A_445 = vector.shape_cast %get3A_444 : vector<16xf32> to vector<16xf32>
      %slice3A_446 = vector.extract_strided_slice %get3A_290 {offsets = [4], sizes = [1], strides = [1]} : vector<16xf32> to vector<1xf32>
      %squeeze3A_447 = vector.extract %slice3A_446[0] : f32 from vector<1xf32>
      %mul3A_448 = vector.broadcast %squeeze3A_447 : f32 to vector<16xf32>
      %mul3A_449 = arith.mulf %mul3A_448, %get3A_445 : vector<16xf32>
      %add3A_450 = arith.addf %add3A_421, %mul3A_449 : vector<16xf32>
      %slice3A_451 = vector.extract_strided_slice %get3A_300 {offsets = [4], sizes = [1], strides = [1]} : vector<16xf32> to vector<1xf32>
      %squeeze3A_452 = vector.extract %slice3A_451[0] : f32 from vector<1xf32>
      %mul3A_453 = vector.broadcast %squeeze3A_452 : f32 to vector<16xf32>
      %mul3A_454 = arith.mulf %mul3A_453, %get3A_445 : vector<16xf32>
      %add3A_455 = arith.addf %add3A_426, %mul3A_454 : vector<16xf32>
      %slice3A_456 = vector.extract_strided_slice %get3A_310 {offsets = [4], sizes = [1], strides = [1]} : vector<16xf32> to vector<1xf32>
      %squeeze3A_457 = vector.extract %slice3A_456[0] : f32 from vector<1xf32>
      %mul3A_458 = vector.broadcast %squeeze3A_457 : f32 to vector<16xf32>
      %mul3A_459 = arith.mulf %mul3A_458, %get3A_445 : vector<16xf32>
      %add3A_460 = arith.addf %add3A_431, %mul3A_459 : vector<16xf32>
      %slice3A_461 = vector.extract_strided_slice %get3A_320 {offsets = [4], sizes = [1], strides = [1]} : vector<16xf32> to vector<1xf32>
      %squeeze3A_462 = vector.extract %slice3A_461[0] : f32 from vector<1xf32>
      %mul3A_463 = vector.broadcast %squeeze3A_462 : f32 to vector<16xf32>
      %mul3A_464 = arith.mulf %mul3A_463, %get3A_445 : vector<16xf32>
      %add3A_465 = arith.addf %add3A_436, %mul3A_464 : vector<16xf32>
      %mul3A_466 = arith.constant 16 : i32
      %mul3A_467 = arith.muli %scan3A_276, %mul3A_466 : i32
      %add3A_468 = arith.constant 5 : i32
      %add3A_469 = arith.addi %mul3A_467, %add3A_468 : i32
      %mul3A_470 = arith.constant 16 : i32
      %mul3A_471 = arith.muli %add3A_469, %mul3A_470 : i32
      %get3A_472 = arith.index_cast %mul3A_471 : i32 to index
      %get3A_473 = tpu.vector_load %arg8[%get3A_472] {strides = array<i32>} : memref<12288xf32, #tpu.memory_space<vmem>>, vector<16xf32>,
      %get3A_474 = vector.shape_cast %get3A_473 : vector<16xf32> to vector<16xf32>
      %slice3A_475 = vector.extract_strided_slice %get3A_290 {offsets = [5], sizes = [1], strides = [1]} : vector<16xf32> to vector<1xf32>
      %squeeze3A_476 = vector.extract %slice3A_475[0] : f32 from vector<1xf32>
      %mul3A_477 = vector.broadcast %squeeze3A_476 : f32 to vector<16xf32>
      %mul3A_478 = arith.mulf %mul3A_477, %get3A_474 : vector<16xf32>
      %add3A_479 = arith.addf %add3A_450, %mul3A_478 : vector<16xf32>
      %slice3A_480 = vector.extract_strided_slice %get3A_300 {offsets = [5], sizes = [1], strides = [1]} : vector<16xf32> to vector<1xf32>
      %squeeze3A_481 = vector.extract %slice3A_480[0] : f32 from vector<1xf32>
      %mul3A_482 = vector.broadcast %squeeze3A_481 : f32 to vector<16xf32>
      %mul3A_483 = arith.mulf %mul3A_482, %get3A_474 : vector<16xf32>
      %add3A_484 = arith.addf %add3A_455, %mul3A_483 : vector<16xf32>
      %slice3A_485 = vector.extract_strided_slice %get3A_310 {offsets = [5], sizes = [1], strides = [1]} : vector<16xf32> to vector<1xf32>
      %squeeze3A_486 = vector.extract %slice3A_485[0] : f32 from vector<1xf32>
      %mul3A_487 = vector.broadcast %squeeze3A_486 : f32 to vector<16xf32>
      %mul3A_488 = arith.mulf %mul3A_487, %get3A_474 : vector<16xf32>
      %add3A_489 = arith.addf %add3A_460, %mul3A_488 : vector<16xf32>
      %slice3A_490 = vector.extract_strided_slice %get3A_320 {offsets = [5], sizes = [1], strides = [1]} : vector<16xf32> to vector<1xf32>
      %squeeze3A_491 = vector.extract %slice3A_490[0] : f32 from vector<1xf32>
      %mul3A_492 = vector.broadcast %squeeze3A_491 : f32 to vector<16xf32>
      %mul3A_493 = arith.mulf %mul3A_492, %get3A_474 : vector<16xf32>
      %add3A_494 = arith.addf %add3A_465, %mul3A_493 : vector<16xf32>
      %mul3A_495 = arith.constant 16 : i32
      %mul3A_496 = arith.muli %scan3A_276, %mul3A_495 : i32
      %add3A_497 = arith.constant 6 : i32
      %add3A_498 = arith.addi %mul3A_496, %add3A_497 : i32
      %mul3A_499 = arith.constant 16 : i32
      %mul3A_500 = arith.muli %add3A_498, %mul3A_499 : i32
      %get3A_501 = arith.index_cast %mul3A_500 : i32 to index
      %get3A_502 = tpu.vector_load %arg8[%get3A_501] {strides = array<i32>} : memref<12288xf32, #tpu.memory_space<vmem>>, vector<16xf32>,
      %get3A_503 = vector.shape_cast %get3A_502 : vector<16xf32> to vector<16xf32>
      %slice3A_504 = vector.extract_strided_slice %get3A_290 {offsets = [6], sizes = [1], strides = [1]} : vector<16xf32> to vector<1xf32>
      %squeeze3A_505 = vector.extract %slice3A_504[0] : f32 from vector<1xf32>
      %mul3A_506 = vector.broadcast %squeeze3A_505 : f32 to vector<16xf32>
      %mul3A_507 = arith.mulf %mul3A_506, %get3A_503 : vector<16xf32>
      %add3A_508 = arith.addf %add3A_479, %mul3A_507 : vector<16xf32>
      %slice3A_509 = vector.extract_strided_slice %get3A_300 {offsets = [6], sizes = [1], strides = [1]} : vector<16xf32> to vector<1xf32>
      %squeeze3A_510 = vector.extract %slice3A_509[0] : f32 from vector<1xf32>
      %mul3A_511 = vector.broadcast %squeeze3A_510 : f32 to vector<16xf32>
      %mul3A_512 = arith.mulf %mul3A_511, %get3A_503 : vector<16xf32>
      %add3A_513 = arith.addf %add3A_484, %mul3A_512 : vector<16xf32>
      %slice3A_514 = vector.extract_strided_slice %get3A_310 {offsets = [6], sizes = [1], strides = [1]} : vector<16xf32> to vector<1xf32>
      %squeeze3A_515 = vector.extract %slice3A_514[0] : f32 from vector<1xf32>
      %mul3A_516 = vector.broadcast %squeeze3A_515 : f32 to vector<16xf32>
      %mul3A_517 = arith.mulf %mul3A_516, %get3A_503 : vector<16xf32>
      %add3A_518 = arith.addf %add3A_489, %mul3A_517 : vector<16xf32>
      %slice3A_519 = vector.extract_strided_slice %get3A_320 {offsets = [6], sizes = [1], strides = [1]} : vector<16xf32> to vector<1xf32>
      %squeeze3A_520 = vector.extract %slice3A_519[0] : f32 from vector<1xf32>
      %mul3A_521 = vector.broadcast %squeeze3A_520 : f32 to vector<16xf32>
      %mul3A_522 = arith.mulf %mul3A_521, %get3A_503 : vector<16xf32>
      %add3A_523 = arith.addf %add3A_494, %mul3A_522 : vector<16xf32>
      %mul3A_524 = arith.constant 16 : i32
      %mul3A_525 = arith.muli %scan3A_276, %mul3A_524 : i32
      %add3A_526 = arith.constant 7 : i32
      %add3A_527 = arith.addi %mul3A_525, %add3A_526 : i32
      %mul3A_528 = arith.constant 16 : i32
      %mul3A_529 = arith.muli %add3A_527, %mul3A_528 : i32
      %get3A_530 = arith.index_cast %mul3A_529 : i32 to index
      %get3A_531 = tpu.vector_load %arg8[%get3A_530] {strides = array<i32>} : memref<12288xf32, #tpu.memory_space<vmem>>, vector<16xf32>,
      %get3A_532 = vector.shape_cast %get3A_531 : vector<16xf32> to vector<16xf32>
      %slice3A_533 = vector.extract_strided_slice %get3A_290 {offsets = [7], sizes = [1], strides = [1]} : vector<16xf32> to vector<1xf32>
      %squeeze3A_534 = vector.extract %slice3A_533[0] : f32 from vector<1xf32>
      %mul3A_535 = vector.broadcast %squeeze3A_534 : f32 to vector<16xf32>
      %mul3A_536 = arith.mulf %mul3A_535, %get3A_532 : vector<16xf32>
      %add3A_537 = arith.addf %add3A_508, %mul3A_536 : vector<16xf32>
      %slice3A_538 = vector.extract_strided_slice %get3A_300 {offsets = [7], sizes = [1], strides = [1]} : vector<16xf32> to vector<1xf32>
      %squeeze3A_539 = vector.extract %slice3A_538[0] : f32 from vector<1xf32>
      %mul3A_540 = vector.broadcast %squeeze3A_539 : f32 to vector<16xf32>
      %mul3A_541 = arith.mulf %mul3A_540, %get3A_532 : vector<16xf32>
      %add3A_542 = arith.addf %add3A_513, %mul3A_541 : vector<16xf32>
      %slice3A_543 = vector.extract_strided_slice %get3A_310 {offsets = [7], sizes = [1], strides = [1]} : vector<16xf32> to vector<1xf32>
      %squeeze3A_544 = vector.extract %slice3A_543[0] : f32 from vector<1xf32>
      %mul3A_545 = vector.broadcast %squeeze3A_544 : f32 to vector<16xf32>
      %mul3A_546 = arith.mulf %mul3A_545, %get3A_532 : vector<16xf32>
      %add3A_547 = arith.addf %add3A_518, %mul3A_546 : vector<16xf32>
      %slice3A_548 = vector.extract_strided_slice %get3A_320 {offsets = [7], sizes = [1], strides = [1]} : vector<16xf32> to vector<1xf32>
      %squeeze3A_549 = vector.extract %slice3A_548[0] : f32 from vector<1xf32>
      %mul3A_550 = vector.broadcast %squeeze3A_549 : f32 to vector<16xf32>
      %mul3A_551 = arith.mulf %mul3A_550, %get3A_532 : vector<16xf32>
      %add3A_552 = arith.addf %add3A_523, %mul3A_551 : vector<16xf32>
      %mul3A_553 = arith.constant 16 : i32
      %mul3A_554 = arith.muli %scan3A_276, %mul3A_553 : i32
      %add3A_555 = arith.constant 8 : i32
      %add3A_556 = arith.addi %mul3A_554, %add3A_555 : i32
      %mul3A_557 = arith.constant 16 : i32
      %mul3A_558 = arith.muli %add3A_556, %mul3A_557 : i32
      %get3A_559 = arith.index_cast %mul3A_558 : i32 to index
      %get3A_560 = tpu.vector_load %arg8[%get3A_559] {strides = array<i32>} : memref<12288xf32, #tpu.memory_space<vmem>>, vector<16xf32>,
      %get3A_561 = vector.shape_cast %get3A_560 : vector<16xf32> to vector<16xf32>
      %slice3A_562 = vector.extract_strided_slice %get3A_290 {offsets = [8], sizes = [1], strides = [1]} : vector<16xf32> to vector<1xf32>
      %squeeze3A_563 = vector.extract %slice3A_562[0] : f32 from vector<1xf32>
      %mul3A_564 = vector.broadcast %squeeze3A_563 : f32 to vector<16xf32>
      %mul3A_565 = arith.mulf %mul3A_564, %get3A_561 : vector<16xf32>
      %add3A_566 = arith.addf %add3A_537, %mul3A_565 : vector<16xf32>
      %slice3A_567 = vector.extract_strided_slice %get3A_300 {offsets = [8], sizes = [1], strides = [1]} : vector<16xf32> to vector<1xf32>
      %squeeze3A_568 = vector.extract %slice3A_567[0] : f32 from vector<1xf32>
      %mul3A_569 = vector.broadcast %squeeze3A_568 : f32 to vector<16xf32>
      %mul3A_570 = arith.mulf %mul3A_569, %get3A_561 : vector<16xf32>
      %add3A_571 = arith.addf %add3A_542, %mul3A_570 : vector<16xf32>
      %slice3A_572 = vector.extract_strided_slice %get3A_310 {offsets = [8], sizes = [1], strides = [1]} : vector<16xf32> to vector<1xf32>
      %squeeze3A_573 = vector.extract %slice3A_572[0] : f32 from vector<1xf32>
      %mul3A_574 = vector.broadcast %squeeze3A_573 : f32 to vector<16xf32>
      %mul3A_575 = arith.mulf %mul3A_574, %get3A_561 : vector<16xf32>
      %add3A_576 = arith.addf %add3A_547, %mul3A_575 : vector<16xf32>
      %slice3A_577 = vector.extract_strided_slice %get3A_320 {offsets = [8], sizes = [1], strides = [1]} : vector<16xf32> to vector<1xf32>
      %squeeze3A_578 = vector.extract %slice3A_577[0] : f32 from vector<1xf32>
      %mul3A_579 = vector.broadcast %squeeze3A_578 : f32 to vector<16xf32>
      %mul3A_580 = arith.mulf %mul3A_579, %get3A_561 : vector<16xf32>
      %add3A_581 = arith.addf %add3A_552, %mul3A_580 : vector<16xf32>
      %mul3A_582 = arith.constant 16 : i32
      %mul3A_583 = arith.muli %scan3A_276, %mul3A_582 : i32
      %add3A_584 = arith.constant 9 : i32
      %add3A_585 = arith.addi %mul3A_583, %add3A_584 : i32
      %mul3A_586 = arith.constant 16 : i32
      %mul3A_587 = arith.muli %add3A_585, %mul3A_586 : i32
      %get3A_588 = arith.index_cast %mul3A_587 : i32 to index
      %get3A_589 = tpu.vector_load %arg8[%get3A_588] {strides = array<i32>} : memref<12288xf32, #tpu.memory_space<vmem>>, vector<16xf32>,
      %get3A_590 = vector.shape_cast %get3A_589 : vector<16xf32> to vector<16xf32>
      %slice3A_591 = vector.extract_strided_slice %get3A_290 {offsets = [9], sizes = [1], strides = [1]} : vector<16xf32> to vector<1xf32>
      %squeeze3A_592 = vector.extract %slice3A_591[0] : f32 from vector<1xf32>
      %mul3A_593 = vector.broadcast %squeeze3A_592 : f32 to vector<16xf32>
      %mul3A_594 = arith.mulf %mul3A_593, %get3A_590 : vector<16xf32>
      %add3A_595 = arith.addf %add3A_566, %mul3A_594 : vector<16xf32>
      %slice3A_596 = vector.extract_strided_slice %get3A_300 {offsets = [9], sizes = [1], strides = [1]} : vector<16xf32> to vector<1xf32>
      %squeeze3A_597 = vector.extract %slice3A_596[0] : f32 from vector<1xf32>
      %mul3A_598 = vector.broadcast %squeeze3A_597 : f32 to vector<16xf32>
      %mul3A_599 = arith.mulf %mul3A_598, %get3A_590 : vector<16xf32>
      %add3A_600 = arith.addf %add3A_571, %mul3A_599 : vector<16xf32>
      %slice3A_601 = vector.extract_strided_slice %get3A_310 {offsets = [9], sizes = [1], strides = [1]} : vector<16xf32> to vector<1xf32>
      %squeeze3A_602 = vector.extract %slice3A_601[0] : f32 from vector<1xf32>
      %mul3A_603 = vector.broadcast %squeeze3A_602 : f32 to vector<16xf32>
      %mul3A_604 = arith.mulf %mul3A_603, %get3A_590 : vector<16xf32>
      %add3A_605 = arith.addf %add3A_576, %mul3A_604 : vector<16xf32>
      %slice3A_606 = vector.extract_strided_slice %get3A_320 {offsets = [9], sizes = [1], strides = [1]} : vector<16xf32> to vector<1xf32>
      %squeeze3A_607 = vector.extract %slice3A_606[0] : f32 from vector<1xf32>
      %mul3A_608 = vector.broadcast %squeeze3A_607 : f32 to vector<16xf32>
      %mul3A_609 = arith.mulf %mul3A_608, %get3A_590 : vector<16xf32>
      %add3A_610 = arith.addf %add3A_581, %mul3A_609 : vector<16xf32>
      %mul3A_611 = arith.constant 16 : i32
      %mul3A_612 = arith.muli %scan3A_276, %mul3A_611 : i32
      %add3A_613 = arith.constant 10 : i32
      %add3A_614 = arith.addi %mul3A_612, %add3A_613 : i32
      %mul3A_615 = arith.constant 16 : i32
      %mul3A_616 = arith.muli %add3A_614, %mul3A_615 : i32
      %get3A_617 = arith.index_cast %mul3A_616 : i32 to index
      %get3A_618 = tpu.vector_load %arg8[%get3A_617] {strides = array<i32>} : memref<12288xf32, #tpu.memory_space<vmem>>, vector<16xf32>,
      %get3A_619 = vector.shape_cast %get3A_618 : vector<16xf32> to vector<16xf32>
      %slice3A_620 = vector.extract_strided_slice %get3A_290 {offsets = [10], sizes = [1], strides = [1]} : vector<16xf32> to vector<1xf32>
      %squeeze3A_621 = vector.extract %slice3A_620[0] : f32 from vector<1xf32>
      %mul3A_622 = vector.broadcast %squeeze3A_621 : f32 to vector<16xf32>
      %mul3A_623 = arith.mulf %mul3A_622, %get3A_619 : vector<16xf32>
      %add3A_624 = arith.addf %add3A_595, %mul3A_623 : vector<16xf32>
      %slice3A_625 = vector.extract_strided_slice %get3A_300 {offsets = [10], sizes = [1], strides = [1]} : vector<16xf32> to vector<1xf32>
      %squeeze3A_626 = vector.extract %slice3A_625[0] : f32 from vector<1xf32>
      %mul3A_627 = vector.broadcast %squeeze3A_626 : f32 to vector<16xf32>
      %mul3A_628 = arith.mulf %mul3A_627, %get3A_619 : vector<16xf32>
      %add3A_629 = arith.addf %add3A_600, %mul3A_628 : vector<16xf32>
      %slice3A_630 = vector.extract_strided_slice %get3A_310 {offsets = [10], sizes = [1], strides = [1]} : vector<16xf32> to vector<1xf32>
      %squeeze3A_631 = vector.extract %slice3A_630[0] : f32 from vector<1xf32>
      %mul3A_632 = vector.broadcast %squeeze3A_631 : f32 to vector<16xf32>
      %mul3A_633 = arith.mulf %mul3A_632, %get3A_619 : vector<16xf32>
      %add3A_634 = arith.addf %add3A_605, %mul3A_633 : vector<16xf32>
      %slice3A_635 = vector.extract_strided_slice %get3A_320 {offsets = [10], sizes = [1], strides = [1]} : vector<16xf32> to vector<1xf32>
      %squeeze3A_636 = vector.extract %slice3A_635[0] : f32 from vector<1xf32>
      %mul3A_637 = vector.broadcast %squeeze3A_636 : f32 to vector<16xf32>
      %mul3A_638 = arith.mulf %mul3A_637, %get3A_619 : vector<16xf32>
      %add3A_639 = arith.addf %add3A_610, %mul3A_638 : vector<16xf32>
      %mul3A_640 = arith.constant 16 : i32
      %mul3A_641 = arith.muli %scan3A_276, %mul3A_640 : i32
      %add3A_642 = arith.constant 11 : i32
      %add3A_643 = arith.addi %mul3A_641, %add3A_642 : i32
      %mul3A_644 = arith.constant 16 : i32
      %mul3A_645 = arith.muli %add3A_643, %mul3A_644 : i32
      %get3A_646 = arith.index_cast %mul3A_645 : i32 to index
      %get3A_647 = tpu.vector_load %arg8[%get3A_646] {strides = array<i32>} : memref<12288xf32, #tpu.memory_space<vmem>>, vector<16xf32>,
      %get3A_648 = vector.shape_cast %get3A_647 : vector<16xf32> to vector<16xf32>
      %slice3A_649 = vector.extract_strided_slice %get3A_290 {offsets = [11], sizes = [1], strides = [1]} : vector<16xf32> to vector<1xf32>
      %squeeze3A_650 = vector.extract %slice3A_649[0] : f32 from vector<1xf32>
      %mul3A_651 = vector.broadcast %squeeze3A_650 : f32 to vector<16xf32>
      %mul3A_652 = arith.mulf %mul3A_651, %get3A_648 : vector<16xf32>
      %add3A_653 = arith.addf %add3A_624, %mul3A_652 : vector<16xf32>
      %slice3A_654 = vector.extract_strided_slice %get3A_300 {offsets = [11], sizes = [1], strides = [1]} : vector<16xf32> to vector<1xf32>
      %squeeze3A_655 = vector.extract %slice3A_654[0] : f32 from vector<1xf32>
      %mul3A_656 = vector.broadcast %squeeze3A_655 : f32 to vector<16xf32>
      %mul3A_657 = arith.mulf %mul3A_656, %get3A_648 : vector<16xf32>
      %add3A_658 = arith.addf %add3A_629, %mul3A_657 : vector<16xf32>
      %slice3A_659 = vector.extract_strided_slice %get3A_310 {offsets = [11], sizes = [1], strides = [1]} : vector<16xf32> to vector<1xf32>
      %squeeze3A_660 = vector.extract %slice3A_659[0] : f32 from vector<1xf32>
      %mul3A_661 = vector.broadcast %squeeze3A_660 : f32 to vector<16xf32>
      %mul3A_662 = arith.mulf %mul3A_661, %get3A_648 : vector<16xf32>
      %add3A_663 = arith.addf %add3A_634, %mul3A_662 : vector<16xf32>
      %slice3A_664 = vector.extract_strided_slice %get3A_320 {offsets = [11], sizes = [1], strides = [1]} : vector<16xf32> to vector<1xf32>
      %squeeze3A_665 = vector.extract %slice3A_664[0] : f32 from vector<1xf32>
      %mul3A_666 = vector.broadcast %squeeze3A_665 : f32 to vector<16xf32>
      %mul3A_667 = arith.mulf %mul3A_666, %get3A_648 : vector<16xf32>
      %add3A_668 = arith.addf %add3A_639, %mul3A_667 : vector<16xf32>
      %mul3A_669 = arith.constant 16 : i32
      %mul3A_670 = arith.muli %scan3A_276, %mul3A_669 : i32
      %add3A_671 = arith.constant 12 : i32
      %add3A_672 = arith.addi %mul3A_670, %add3A_671 : i32
      %mul3A_673 = arith.constant 16 : i32
      %mul3A_674 = arith.muli %add3A_672, %mul3A_673 : i32
      %get3A_675 = arith.index_cast %mul3A_674 : i32 to index
      %get3A_676 = tpu.vector_load %arg8[%get3A_675] {strides = array<i32>} : memref<12288xf32, #tpu.memory_space<vmem>>, vector<16xf32>,
      %get3A_677 = vector.shape_cast %get3A_676 : vector<16xf32> to vector<16xf32>
      %slice3A_678 = vector.extract_strided_slice %get3A_290 {offsets = [12], sizes = [1], strides = [1]} : vector<16xf32> to vector<1xf32>
      %squeeze3A_679 = vector.extract %slice3A_678[0] : f32 from vector<1xf32>
      %mul3A_680 = vector.broadcast %squeeze3A_679 : f32 to vector<16xf32>
      %mul3A_681 = arith.mulf %mul3A_680, %get3A_677 : vector<16xf32>
      %add3A_682 = arith.addf %add3A_653, %mul3A_681 : vector<16xf32>
      %slice3A_683 = vector.extract_strided_slice %get3A_300 {offsets = [12], sizes = [1], strides = [1]} : vector<16xf32> to vector<1xf32>
      %squeeze3A_684 = vector.extract %slice3A_683[0] : f32 from vector<1xf32>
      %mul3A_685 = vector.broadcast %squeeze3A_684 : f32 to vector<16xf32>
      %mul3A_686 = arith.mulf %mul3A_685, %get3A_677 : vector<16xf32>
      %add3A_687 = arith.addf %add3A_658, %mul3A_686 : vector<16xf32>
      %slice3A_688 = vector.extract_strided_slice %get3A_310 {offsets = [12], sizes = [1], strides = [1]} : vector<16xf32> to vector<1xf32>
      %squeeze3A_689 = vector.extract %slice3A_688[0] : f32 from vector<1xf32>
      %mul3A_690 = vector.broadcast %squeeze3A_689 : f32 to vector<16xf32>
      %mul3A_691 = arith.mulf %mul3A_690, %get3A_677 : vector<16xf32>
      %add3A_692 = arith.addf %add3A_663, %mul3A_691 : vector<16xf32>
      %slice3A_693 = vector.extract_strided_slice %get3A_320 {offsets = [12], sizes = [1], strides = [1]} : vector<16xf32> to vector<1xf32>
      %squeeze3A_694 = vector.extract %slice3A_693[0] : f32 from vector<1xf32>
      %mul3A_695 = vector.broadcast %squeeze3A_694 : f32 to vector<16xf32>
      %mul3A_696 = arith.mulf %mul3A_695, %get3A_677 : vector<16xf32>
      %add3A_697 = arith.addf %add3A_668, %mul3A_696 : vector<16xf32>
      %mul3A_698 = arith.constant 16 : i32
      %mul3A_699 = arith.muli %scan3A_276, %mul3A_698 : i32
      %add3A_700 = arith.constant 13 : i32
      %add3A_701 = arith.addi %mul3A_699, %add3A_700 : i32
      %mul3A_702 = arith.constant 16 : i32
      %mul3A_703 = arith.muli %add3A_701, %mul3A_702 : i32
      %get3A_704 = arith.index_cast %mul3A_703 : i32 to index
      %get3A_705 = tpu.vector_load %arg8[%get3A_704] {strides = array<i32>} : memref<12288xf32, #tpu.memory_space<vmem>>, vector<16xf32>,
      %get3A_706 = vector.shape_cast %get3A_705 : vector<16xf32> to vector<16xf32>
      %slice3A_707 = vector.extract_strided_slice %get3A_290 {offsets = [13], sizes = [1], strides = [1]} : vector<16xf32> to vector<1xf32>
      %squeeze3A_708 = vector.extract %slice3A_707[0] : f32 from vector<1xf32>
      %mul3A_709 = vector.broadcast %squeeze3A_708 : f32 to vector<16xf32>
      %mul3A_710 = arith.mulf %mul3A_709, %get3A_706 : vector<16xf32>
      %add3A_711 = arith.addf %add3A_682, %mul3A_710 : vector<16xf32>
      %slice3A_712 = vector.extract_strided_slice %get3A_300 {offsets = [13], sizes = [1], strides = [1]} : vector<16xf32> to vector<1xf32>
      %squeeze3A_713 = vector.extract %slice3A_712[0] : f32 from vector<1xf32>
      %mul3A_714 = vector.broadcast %squeeze3A_713 : f32 to vector<16xf32>
      %mul3A_715 = arith.mulf %mul3A_714, %get3A_706 : vector<16xf32>
      %add3A_716 = arith.addf %add3A_687, %mul3A_715 : vector<16xf32>
      %slice3A_717 = vector.extract_strided_slice %get3A_310 {offsets = [13], sizes = [1], strides = [1]} : vector<16xf32> to vector<1xf32>
      %squeeze3A_718 = vector.extract %slice3A_717[0] : f32 from vector<1xf32>
      %mul3A_719 = vector.broadcast %squeeze3A_718 : f32 to vector<16xf32>
      %mul3A_720 = arith.mulf %mul3A_719, %get3A_706 : vector<16xf32>
      %add3A_721 = arith.addf %add3A_692, %mul3A_720 : vector<16xf32>
      %slice3A_722 = vector.extract_strided_slice %get3A_320 {offsets = [13], sizes = [1], strides = [1]} : vector<16xf32> to vector<1xf32>
      %squeeze3A_723 = vector.extract %slice3A_722[0] : f32 from vector<1xf32>
      %mul3A_724 = vector.broadcast %squeeze3A_723 : f32 to vector<16xf32>
      %mul3A_725 = arith.mulf %mul3A_724, %get3A_706 : vector<16xf32>
      %add3A_726 = arith.addf %add3A_697, %mul3A_725 : vector<16xf32>
      %mul3A_727 = arith.constant 16 : i32
      %mul3A_728 = arith.muli %scan3A_276, %mul3A_727 : i32
      %add3A_729 = arith.constant 14 : i32
      %add3A_730 = arith.addi %mul3A_728, %add3A_729 : i32
      %mul3A_731 = arith.constant 16 : i32
      %mul3A_732 = arith.muli %add3A_730, %mul3A_731 : i32
      %get3A_733 = arith.index_cast %mul3A_732 : i32 to index
      %get3A_734 = tpu.vector_load %arg8[%get3A_733] {strides = array<i32>} : memref<12288xf32, #tpu.memory_space<vmem>>, vector<16xf32>,
      %get3A_735 = vector.shape_cast %get3A_734 : vector<16xf32> to vector<16xf32>
      %slice3A_736 = vector.extract_strided_slice %get3A_290 {offsets = [14], sizes = [1], strides = [1]} : vector<16xf32> to vector<1xf32>
      %squeeze3A_737 = vector.extract %slice3A_736[0] : f32 from vector<1xf32>
      %mul3A_738 = vector.broadcast %squeeze3A_737 : f32 to vector<16xf32>
      %mul3A_739 = arith.mulf %mul3A_738, %get3A_735 : vector<16xf32>
      %add3A_740 = arith.addf %add3A_711, %mul3A_739 : vector<16xf32>
      %slice3A_741 = vector.extract_strided_slice %get3A_300 {offsets = [14], sizes = [1], strides = [1]} : vector<16xf32> to vector<1xf32>
      %squeeze3A_742 = vector.extract %slice3A_741[0] : f32 from vector<1xf32>
      %mul3A_743 = vector.broadcast %squeeze3A_742 : f32 to vector<16xf32>
      %mul3A_744 = arith.mulf %mul3A_743, %get3A_735 : vector<16xf32>
      %add3A_745 = arith.addf %add3A_716, %mul3A_744 : vector<16xf32>
      %slice3A_746 = vector.extract_strided_slice %get3A_310 {offsets = [14], sizes = [1], strides = [1]} : vector<16xf32> to vector<1xf32>
      %squeeze3A_747 = vector.extract %slice3A_746[0] : f32 from vector<1xf32>
      %mul3A_748 = vector.broadcast %squeeze3A_747 : f32 to vector<16xf32>
      %mul3A_749 = arith.mulf %mul3A_748, %get3A_735 : vector<16xf32>
      %add3A_750 = arith.addf %add3A_721, %mul3A_749 : vector<16xf32>
      %slice3A_751 = vector.extract_strided_slice %get3A_320 {offsets = [14], sizes = [1], strides = [1]} : vector<16xf32> to vector<1xf32>
      %squeeze3A_752 = vector.extract %slice3A_751[0] : f32 from vector<1xf32>
      %mul3A_753 = vector.broadcast %squeeze3A_752 : f32 to vector<16xf32>
      %mul3A_754 = arith.mulf %mul3A_753, %get3A_735 : vector<16xf32>
      %add3A_755 = arith.addf %add3A_726, %mul3A_754 : vector<16xf32>
      %mul3A_756 = arith.constant 16 : i32
      %mul3A_757 = arith.muli %scan3A_276, %mul3A_756 : i32
      %add3A_758 = arith.constant 15 : i32
      %add3A_759 = arith.addi %mul3A_757, %add3A_758 : i32
      %mul3A_760 = arith.constant 16 : i32
      %mul3A_761 = arith.muli %add3A_759, %mul3A_760 : i32
      %get3A_762 = arith.index_cast %mul3A_761 : i32 to index
      %get3A_763 = tpu.vector_load %arg8[%get3A_762] {strides = array<i32>} : memref<12288xf32, #tpu.memory_space<vmem>>, vector<16xf32>,
      %get3A_764 = vector.shape_cast %get3A_763 : vector<16xf32> to vector<16xf32>
      %slice3A_765 = vector.extract_strided_slice %get3A_290 {offsets = [15], sizes = [1], strides = [1]} : vector<16xf32> to vector<1xf32>
      %squeeze3A_766 = vector.extract %slice3A_765[0] : f32 from vector<1xf32>
      %mul3A_767 = vector.broadcast %squeeze3A_766 : f32 to vector<16xf32>
      %mul3A_768 = arith.mulf %mul3A_767, %get3A_764 : vector<16xf32>
      %add3A_769 = arith.addf %add3A_740, %mul3A_768 : vector<16xf32>
      %slice3A_770 = vector.extract_strided_slice %get3A_300 {offsets = [15], sizes = [1], strides = [1]} : vector<16xf32> to vector<1xf32>
      %squeeze3A_771 = vector.extract %slice3A_770[0] : f32 from vector<1xf32>
      %mul3A_772 = vector.broadcast %squeeze3A_771 : f32 to vector<16xf32>
      %mul3A_773 = arith.mulf %mul3A_772, %get3A_764 : vector<16xf32>
      %add3A_774 = arith.addf %add3A_745, %mul3A_773 : vector<16xf32>
      %slice3A_775 = vector.extract_strided_slice %get3A_310 {offsets = [15], sizes = [1], strides = [1]} : vector<16xf32> to vector<1xf32>
      %squeeze3A_776 = vector.extract %slice3A_775[0] : f32 from vector<1xf32>
      %mul3A_777 = vector.broadcast %squeeze3A_776 : f32 to vector<16xf32>
      %mul3A_778 = arith.mulf %mul3A_777, %get3A_764 : vector<16xf32>
      %add3A_779 = arith.addf %add3A_750, %mul3A_778 : vector<16xf32>
      %slice3A_780 = vector.extract_strided_slice %get3A_320 {offsets = [15], sizes = [1], strides = [1]} : vector<16xf32> to vector<1xf32>
      %squeeze3A_781 = vector.extract %slice3A_780[0] : f32 from vector<1xf32>
      %mul3A_782 = vector.broadcast %squeeze3A_781 : f32 to vector<16xf32>
      %mul3A_783 = arith.mulf %mul3A_782, %get3A_764 : vector<16xf32>
      %add3A_784 = arith.addf %add3A_755, %mul3A_783 : vector<16xf32>
      scf.yield %add3A_769, %add3A_774, %add3A_779, %add3A_784 : vector<16xf32>, vector<16xf32>, vector<16xf32>, vector<16xf32>
    }
    %scan3A_26 = arith.constant 48 : i32
    %add3A_27 = arith.addf %scan3A_25#0, %get3A_8 : vector<16xf32>
    %slice3A = vector.extract_strided_slice %get3A_18 {offsets = [0], sizes = [1], strides = [1]} : vector<16xf32> to vector<1xf32>
    %squeeze3A = vector.extract %slice3A[0] : f32 from vector<1xf32>
    %mul3A_28 = vector.broadcast %squeeze3A : f32 to vector<16xf32>
    %mul3A_29 = arith.mulf %mul3A_28, %get3A_11 : vector<16xf32>
    %add3A_30 = arith.addf %add3A_27, %mul3A_29 : vector<16xf32>
    %add3A_31 = arith.constant 0 : i32
    %add3A_32 = arith.addi %add3A_20, %add3A_31 : i32
    %mul3A_33 = arith.constant 16 : i32
    %mul3A_34 = arith.muli %add3A_32, %mul3A_33 : i32
    %swap3A = arith.index_cast %mul3A_34 : i32 to index
    %swap3A_35 = tpu.vector_load %arg11[%swap3A] {strides = array<i32>} : memref<256xf32, #tpu.memory_space<vmem>>, vector<16xf32>,
    %swap3A_36 = vector.shape_cast %swap3A_35 : vector<16xf32> to vector<16xf32>
    %swap3A_37 = vector.shape_cast %add3A_30 : vector<16xf32> to vector<16xf32>
    tpu.vector_store %arg11[%swap3A], %swap3A_37 {strides = array<i32>} : memref<256xf32, #tpu.memory_space<vmem>>, vector<16xf32>,
    %add3A_38 = arith.addf %scan3A_25#1, %get3A_8 : vector<16xf32>
    %slice3A_39 = vector.extract_strided_slice %get3A_18 {offsets = [1], sizes = [1], strides = [1]} : vector<16xf32> to vector<1xf32>
    %squeeze3A_40 = vector.extract %slice3A_39[0] : f32 from vector<1xf32>
    %mul3A_41 = vector.broadcast %squeeze3A_40 : f32 to vector<16xf32>
    %mul3A_42 = arith.mulf %mul3A_41, %get3A_11 : vector<16xf32>
    %add3A_43 = arith.addf %add3A_38, %mul3A_42 : vector<16xf32>
    %add3A_44 = arith.constant 1 : i32
    %add3A_45 = arith.addi %add3A_20, %add3A_44 : i32
    %mul3A_46 = arith.constant 16 : i32
    %mul3A_47 = arith.muli %add3A_45, %mul3A_46 : i32
    %swap3A_48 = arith.index_cast %mul3A_47 : i32 to index
    %swap3A_49 = tpu.vector_load %arg11[%swap3A_48] {strides = array<i32>} : memref<256xf32, #tpu.memory_space<vmem>>, vector<16xf32>,
    %swap3A_50 = vector.shape_cast %swap3A_49 : vector<16xf32> to vector<16xf32>
    %swap3A_51 = vector.shape_cast %add3A_43 : vector<16xf32> to vector<16xf32>
    tpu.vector_store %arg11[%swap3A_48], %swap3A_51 {strides = array<i32>} : memref<256xf32, #tpu.memory_space<vmem>>, vector<16xf32>,
    %add3A_52 = arith.addf %scan3A_25#2, %get3A_8 : vector<16xf32>
    %slice3A_53 = vector.extract_strided_slice %get3A_18 {offsets = [2], sizes = [1], strides = [1]} : vector<16xf32> to vector<1xf32>
    %squeeze3A_54 = vector.extract %slice3A_53[0] : f32 from vector<1xf32>
    %mul3A_55 = vector.broadcast %squeeze3A_54 : f32 to vector<16xf32>
    %mul3A_56 = arith.mulf %mul3A_55, %get3A_11 : vector<16xf32>
    %add3A_57 = arith.addf %add3A_52, %mul3A_56 : vector<16xf32>
    %add3A_58 = arith.constant 2 : i32
    %add3A_59 = arith.addi %add3A_20, %add3A_58 : i32
    %mul3A_60 = arith.constant 16 : i32
    %mul3A_61 = arith.muli %add3A_59, %mul3A_60 : i32
    %swap3A_62 = arith.index_cast %mul3A_61 : i32 to index
    %swap3A_63 = tpu.vector_load %arg11[%swap3A_62] {strides = array<i32>} : memref<256xf32, #tpu.memory_space<vmem>>, vector<16xf32>,
    %swap3A_64 = vector.shape_cast %swap3A_63 : vector<16xf32> to vector<16xf32>
    %swap3A_65 = vector.shape_cast %add3A_57 : vector<16xf32> to vector<16xf32>
    tpu.vector_store %arg11[%swap3A_62], %swap3A_65 {strides = array<i32>} : memref<256xf32, #tpu.memory_space<vmem>>, vector<16xf32>,
    %add3A_66 = arith.addf %scan3A_25#3, %get3A_8 : vector<16xf32>
    %slice3A_67 = vector.extract_strided_slice %get3A_18 {offsets = [3], sizes = [1], strides = [1]} : vector<16xf32> to vector<1xf32>
    %squeeze3A_68 = vector.extract %slice3A_67[0] : f32 from vector<1xf32>
    %mul3A_69 = vector.broadcast %squeeze3A_68 : f32 to vector<16xf32>
    %mul3A_70 = arith.mulf %mul3A_69, %get3A_11 : vector<16xf32>
    %add3A_71 = arith.addf %add3A_66, %mul3A_70 : vector<16xf32>
    %add3A_72 = arith.constant 3 : i32
    %add3A_73 = arith.addi %add3A_20, %add3A_72 : i32
    %mul3A_74 = arith.constant 16 : i32
    %mul3A_75 = arith.muli %add3A_73, %mul3A_74 : i32
    %swap3A_76 = arith.index_cast %mul3A_75 : i32 to index
    %swap3A_77 = tpu.vector_load %arg11[%swap3A_76] {strides = array<i32>} : memref<256xf32, #tpu.memory_space<vmem>>, vector<16xf32>,
    %swap3A_78 = vector.shape_cast %swap3A_77 : vector<16xf32> to vector<16xf32>
    %swap3A_79 = vector.shape_cast %add3A_71 : vector<16xf32> to vector<16xf32>
    tpu.vector_store %arg11[%swap3A_76], %swap3A_79 {strides = array<i32>} : memref<256xf32, #tpu.memory_space<vmem>>, vector<16xf32>,
    %add3A_80 = arith.constant 4 : i32
    %add3A_81 = arith.addi %mul3A_15, %add3A_80 : i32
    %scan3A_82 = arith.constant 0 : i32
    %scan3A_83 = arith.constant 48 : i32
    %scan3A_84 = arith.addi %scan3A_82, %scan3A_83 : i32
    %scan3A_85 = arith.constant 1 : i32
    %scan3A_86:4 = scf.for %scan3A_276 = %scan3A_82 to %scan3A_84 step %scan3A_85 iter_args(%scan3A_277 = %broadcast_in_dim3A_12, %scan3A_278 = %broadcast_in_dim3A_12, %scan3A_279 = %broadcast_in_dim3A_12, %scan3A_280 = %broadcast_in_dim3A_12) -> (vector<16xf32>, vector<16xf32>, vector<16xf32>, vector<16xf32>)  : i32 {
      %add3A_281 = arith.constant 0 : i32
      %add3A_282 = arith.addi %add3A_81, %add3A_281 : i32
      %mul3A_283 = arith.constant 768 : i32
      %mul3A_284 = arith.muli %add3A_282, %mul3A_283 : i32
      %mul3A_285 = arith.constant 16 : i32
      %mul3A_286 = arith.muli %scan3A_276, %mul3A_285 : i32
      %add3A_287 = arith.addi %mul3A_284, %mul3A_286 : i32
      %get3A_288 = arith.index_cast %add3A_287 : i32 to index
      %get3A_289 = tpu.vector_load %arg7[%get3A_288] {strides = array<i32>} : memref<12288xf32, #tpu.memory_space<vmem>>, vector<16xf32>,
      %get3A_290 = vector.shape_cast %get3A_289 : vector<16xf32> to vector<16xf32>
      %add3A_291 = arith.constant 1 : i32
      %add3A_292 = arith.addi %add3A_81, %add3A_291 : i32
      %mul3A_293 = arith.constant 768 : i32
      %mul3A_294 = arith.muli %add3A_292, %mul3A_293 : i32
      %mul3A_295 = arith.constant 16 : i32
      %mul3A_296 = arith.muli %scan3A_276, %mul3A_295 : i32
      %add3A_297 = arith.addi %mul3A_294, %mul3A_296 : i32
      %get3A_298 = arith.index_cast %add3A_297 : i32 to index
      %get3A_299 = tpu.vector_load %arg7[%get3A_298] {strides = array<i32>} : memref<12288xf32, #tpu.memory_space<vmem>>, vector<16xf32>,
      %get3A_300 = vector.shape_cast %get3A_299 : vector<16xf32> to vector<16xf32>
      %add3A_301 = arith.constant 2 : i32
      %add3A_302 = arith.addi %add3A_81, %add3A_301 : i32
      %mul3A_303 = arith.constant 768 : i32
      %mul3A_304 = arith.muli %add3A_302, %mul3A_303 : i32
      %mul3A_305 = arith.constant 16 : i32
      %mul3A_306 = arith.muli %scan3A_276, %mul3A_305 : i32
      %add3A_307 = arith.addi %mul3A_304, %mul3A_306 : i32
      %get3A_308 = arith.index_cast %add3A_307 : i32 to index
      %get3A_309 = tpu.vector_load %arg7[%get3A_308] {strides = array<i32>} : memref<12288xf32, #tpu.memory_space<vmem>>, vector<16xf32>,
      %get3A_310 = vector.shape_cast %get3A_309 : vector<16xf32> to vector<16xf32>
      %add3A_311 = arith.constant 3 : i32
      %add3A_312 = arith.addi %add3A_81, %add3A_311 : i32
      %mul3A_313 = arith.constant 768 : i32
      %mul3A_314 = arith.muli %add3A_312, %mul3A_313 : i32
      %mul3A_315 = arith.constant 16 : i32
      %mul3A_316 = arith.muli %scan3A_276, %mul3A_315 : i32
      %add3A_317 = arith.addi %mul3A_314, %mul3A_316 : i32
      %get3A_318 = arith.index_cast %add3A_317 : i32 to index
      %get3A_319 = tpu.vector_load %arg7[%get3A_318] {strides = array<i32>} : memref<12288xf32, #tpu.memory_space<vmem>>, vector<16xf32>,
      %get3A_320 = vector.shape_cast %get3A_319 : vector<16xf32> to vector<16xf32>
      %mul3A_321 = arith.constant 16 : i32
      %mul3A_322 = arith.muli %scan3A_276, %mul3A_321 : i32
      %add3A_323 = arith.constant 0 : i32
      %add3A_324 = arith.addi %mul3A_322, %add3A_323 : i32
      %mul3A_325 = arith.constant 16 : i32
      %mul3A_326 = arith.muli %add3A_324, %mul3A_325 : i32
      %get3A_327 = arith.index_cast %mul3A_326 : i32 to index
      %get3A_328 = tpu.vector_load %arg8[%get3A_327] {strides = array<i32>} : memref<12288xf32, #tpu.memory_space<vmem>>, vector<16xf32>,
      %get3A_329 = vector.shape_cast %get3A_328 : vector<16xf32> to vector<16xf32>
      %slice3A_330 = vector.extract_strided_slice %get3A_290 {offsets = [0], sizes = [1], strides = [1]} : vector<16xf32> to vector<1xf32>
      %squeeze3A_331 = vector.extract %slice3A_330[0] : f32 from vector<1xf32>
      %mul3A_332 = vector.broadcast %squeeze3A_331 : f32 to vector<16xf32>
      %mul3A_333 = arith.mulf %mul3A_332, %get3A_329 : vector<16xf32>
      %add3A_334 = arith.addf %scan3A_277, %mul3A_333 : vector<16xf32>
      %slice3A_335 = vector.extract_strided_slice %get3A_300 {offsets = [0], sizes = [1], strides = [1]} : vector<16xf32> to vector<1xf32>
      %squeeze3A_336 = vector.extract %slice3A_335[0] : f32 from vector<1xf32>
      %mul3A_337 = vector.broadcast %squeeze3A_336 : f32 to vector<16xf32>
      %mul3A_338 = arith.mulf %mul3A_337, %get3A_329 : vector<16xf32>
      %add3A_339 = arith.addf %scan3A_278, %mul3A_338 : vector<16xf32>
      %slice3A_340 = vector.extract_strided_slice %get3A_310 {offsets = [0], sizes = [1], strides = [1]} : vector<16xf32> to vector<1xf32>
      %squeeze3A_341 = vector.extract %slice3A_340[0] : f32 from vector<1xf32>
      %mul3A_342 = vector.broadcast %squeeze3A_341 : f32 to vector<16xf32>
      %mul3A_343 = arith.mulf %mul3A_342, %get3A_329 : vector<16xf32>
      %add3A_344 = arith.addf %scan3A_279, %mul3A_343 : vector<16xf32>
      %slice3A_345 = vector.extract_strided_slice %get3A_320 {offsets = [0], sizes = [1], strides = [1]} : vector<16xf32> to vector<1xf32>
      %squeeze3A_346 = vector.extract %slice3A_345[0] : f32 from vector<1xf32>
      %mul3A_347 = vector.broadcast %squeeze3A_346 : f32 to vector<16xf32>
      %mul3A_348 = arith.mulf %mul3A_347, %get3A_329 : vector<16xf32>
      %add3A_349 = arith.addf %scan3A_280, %mul3A_348 : vector<16xf32>
      %mul3A_350 = arith.constant 16 : i32
      %mul3A_351 = arith.muli %scan3A_276, %mul3A_350 : i32
      %add3A_352 = arith.constant 1 : i32
      %add3A_353 = arith.addi %mul3A_351, %add3A_352 : i32
      %mul3A_354 = arith.constant 16 : i32
      %mul3A_355 = arith.muli %add3A_353, %mul3A_354 : i32
      %get3A_356 = arith.index_cast %mul3A_355 : i32 to index
      %get3A_357 = tpu.vector_load %arg8[%get3A_356] {strides = array<i32>} : memref<12288xf32, #tpu.memory_space<vmem>>, vector<16xf32>,
      %get3A_358 = vector.shape_cast %get3A_357 : vector<16xf32> to vector<16xf32>
      %slice3A_359 = vector.extract_strided_slice %get3A_290 {offsets = [1], sizes = [1], strides = [1]} : vector<16xf32> to vector<1xf32>
      %squeeze3A_360 = vector.extract %slice3A_359[0] : f32 from vector<1xf32>
      %mul3A_361 = vector.broadcast %squeeze3A_360 : f32 to vector<16xf32>
      %mul3A_362 = arith.mulf %mul3A_361, %get3A_358 : vector<16xf32>
      %add3A_363 = arith.addf %add3A_334, %mul3A_362 : vector<16xf32>
      %slice3A_364 = vector.extract_strided_slice %get3A_300 {offsets = [1], sizes = [1], strides = [1]} : vector<16xf32> to vector<1xf32>
      %squeeze3A_365 = vector.extract %slice3A_364[0] : f32 from vector<1xf32>
      %mul3A_366 = vector.broadcast %squeeze3A_365 : f32 to vector<16xf32>
      %mul3A_367 = arith.mulf %mul3A_366, %get3A_358 : vector<16xf32>
      %add3A_368 = arith.addf %add3A_339, %mul3A_367 : vector<16xf32>
      %slice3A_369 = vector.extract_strided_slice %get3A_310 {offsets = [1], sizes = [1], strides = [1]} : vector<16xf32> to vector<1xf32>
      %squeeze3A_370 = vector.extract %slice3A_369[0] : f32 from vector<1xf32>
      %mul3A_371 = vector.broadcast %squeeze3A_370 : f32 to vector<16xf32>
      %mul3A_372 = arith.mulf %mul3A_371, %get3A_358 : vector<16xf32>
      %add3A_373 = arith.addf %add3A_344, %mul3A_372 : vector<16xf32>
      %slice3A_374 = vector.extract_strided_slice %get3A_320 {offsets = [1], sizes = [1], strides = [1]} : vector<16xf32> to vector<1xf32>
      %squeeze3A_375 = vector.extract %slice3A_374[0] : f32 from vector<1xf32>
      %mul3A_376 = vector.broadcast %squeeze3A_375 : f32 to vector<16xf32>
      %mul3A_377 = arith.mulf %mul3A_376, %get3A_358 : vector<16xf32>
      %add3A_378 = arith.addf %add3A_349, %mul3A_377 : vector<16xf32>
      %mul3A_379 = arith.constant 16 : i32
      %mul3A_380 = arith.muli %scan3A_276, %mul3A_379 : i32
      %add3A_381 = arith.constant 2 : i32
      %add3A_382 = arith.addi %mul3A_380, %add3A_381 : i32
      %mul3A_383 = arith.constant 16 : i32
      %mul3A_384 = arith.muli %add3A_382, %mul3A_383 : i32
      %get3A_385 = arith.index_cast %mul3A_384 : i32 to index
      %get3A_386 = tpu.vector_load %arg8[%get3A_385] {strides = array<i32>} : memref<12288xf32, #tpu.memory_space<vmem>>, vector<16xf32>,
      %get3A_387 = vector.shape_cast %get3A_386 : vector<16xf32> to vector<16xf32>
      %slice3A_388 = vector.extract_strided_slice %get3A_290 {offsets = [2], sizes = [1], strides = [1]} : vector<16xf32> to vector<1xf32>
      %squeeze3A_389 = vector.extract %slice3A_388[0] : f32 from vector<1xf32>
      %mul3A_390 = vector.broadcast %squeeze3A_389 : f32 to vector<16xf32>
      %mul3A_391 = arith.mulf %mul3A_390, %get3A_387 : vector<16xf32>
      %add3A_392 = arith.addf %add3A_363, %mul3A_391 : vector<16xf32>
      %slice3A_393 = vector.extract_strided_slice %get3A_300 {offsets = [2], sizes = [1], strides = [1]} : vector<16xf32> to vector<1xf32>
      %squeeze3A_394 = vector.extract %slice3A_393[0] : f32 from vector<1xf32>
      %mul3A_395 = vector.broadcast %squeeze3A_394 : f32 to vector<16xf32>
      %mul3A_396 = arith.mulf %mul3A_395, %get3A_387 : vector<16xf32>
      %add3A_397 = arith.addf %add3A_368, %mul3A_396 : vector<16xf32>
      %slice3A_398 = vector.extract_strided_slice %get3A_310 {offsets = [2], sizes = [1], strides = [1]} : vector<16xf32> to vector<1xf32>
      %squeeze3A_399 = vector.extract %slice3A_398[0] : f32 from vector<1xf32>
      %mul3A_400 = vector.broadcast %squeeze3A_399 : f32 to vector<16xf32>
      %mul3A_401 = arith.mulf %mul3A_400, %get3A_387 : vector<16xf32>
      %add3A_402 = arith.addf %add3A_373, %mul3A_401 : vector<16xf32>
      %slice3A_403 = vector.extract_strided_slice %get3A_320 {offsets = [2], sizes = [1], strides = [1]} : vector<16xf32> to vector<1xf32>
      %squeeze3A_404 = vector.extract %slice3A_403[0] : f32 from vector<1xf32>
      %mul3A_405 = vector.broadcast %squeeze3A_404 : f32 to vector<16xf32>
      %mul3A_406 = arith.mulf %mul3A_405, %get3A_387 : vector<16xf32>
      %add3A_407 = arith.addf %add3A_378, %mul3A_406 : vector<16xf32>
      %mul3A_408 = arith.constant 16 : i32
      %mul3A_409 = arith.muli %scan3A_276, %mul3A_408 : i32
      %add3A_410 = arith.constant 3 : i32
      %add3A_411 = arith.addi %mul3A_409, %add3A_410 : i32
      %mul3A_412 = arith.constant 16 : i32
      %mul3A_413 = arith.muli %add3A_411, %mul3A_412 : i32
      %get3A_414 = arith.index_cast %mul3A_413 : i32 to index
      %get3A_415 = tpu.vector_load %arg8[%get3A_414] {strides = array<i32>} : memref<12288xf32, #tpu.memory_space<vmem>>, vector<16xf32>,
      %get3A_416 = vector.shape_cast %get3A_415 : vector<16xf32> to vector<16xf32>
      %slice3A_417 = vector.extract_strided_slice %get3A_290 {offsets = [3], sizes = [1], strides = [1]} : vector<16xf32> to vector<1xf32>
      %squeeze3A_418 = vector.extract %slice3A_417[0] : f32 from vector<1xf32>
      %mul3A_419 = vector.broadcast %squeeze3A_418 : f32 to vector<16xf32>
      %mul3A_420 = arith.mulf %mul3A_419, %get3A_416 : vector<16xf32>
      %add3A_421 = arith.addf %add3A_392, %mul3A_420 : vector<16xf32>
      %slice3A_422 = vector.extract_strided_slice %get3A_300 {offsets = [3], sizes = [1], strides = [1]} : vector<16xf32> to vector<1xf32>
      %squeeze3A_423 = vector.extract %slice3A_422[0] : f32 from vector<1xf32>
      %mul3A_424 = vector.broadcast %squeeze3A_423 : f32 to vector<16xf32>
      %mul3A_425 = arith.mulf %mul3A_424, %get3A_416 : vector<16xf32>
      %add3A_426 = arith.addf %add3A_397, %mul3A_425 : vector<16xf32>
      %slice3A_427 = vector.extract_strided_slice %get3A_310 {offsets = [3], sizes = [1], strides = [1]} : vector<16xf32> to vector<1xf32>
      %squeeze3A_428 = vector.extract %slice3A_427[0] : f32 from vector<1xf32>
      %mul3A_429 = vector.broadcast %squeeze3A_428 : f32 to vector<16xf32>
      %mul3A_430 = arith.mulf %mul3A_429, %get3A_416 : vector<16xf32>
      %add3A_431 = arith.addf %add3A_402, %mul3A_430 : vector<16xf32>
      %slice3A_432 = vector.extract_strided_slice %get3A_320 {offsets = [3], sizes = [1], strides = [1]} : vector<16xf32> to vector<1xf32>
      %squeeze3A_433 = vector.extract %slice3A_432[0] : f32 from vector<1xf32>
      %mul3A_434 = vector.broadcast %squeeze3A_433 : f32 to vector<16xf32>
      %mul3A_435 = arith.mulf %mul3A_434, %get3A_416 : vector<16xf32>
      %add3A_436 = arith.addf %add3A_407, %mul3A_435 : vector<16xf32>
      %mul3A_437 = arith.constant 16 : i32
      %mul3A_438 = arith.muli %scan3A_276, %mul3A_437 : i32
      %add3A_439 = arith.constant 4 : i32
      %add3A_440 = arith.addi %mul3A_438, %add3A_439 : i32
      %mul3A_441 = arith.constant 16 : i32
      %mul3A_442 = arith.muli %add3A_440, %mul3A_441 : i32
      %get3A_443 = arith.index_cast %mul3A_442 : i32 to index
      %get3A_444 = tpu.vector_load %arg8[%get3A_443] {strides = array<i32>} : memref<12288xf32, #tpu.memory_space<vmem>>, vector<16xf32>,
      %get3A_445 = vector.shape_cast %get3A_444 : vector<16xf32> to vector<16xf32>
      %slice3A_446 = vector.extract_strided_slice %get3A_290 {offsets = [4], sizes = [1], strides = [1]} : vector<16xf32> to vector<1xf32>
      %squeeze3A_447 = vector.extract %slice3A_446[0] : f32 from vector<1xf32>
      %mul3A_448 = vector.broadcast %squeeze3A_447 : f32 to vector<16xf32>
      %mul3A_449 = arith.mulf %mul3A_448, %get3A_445 : vector<16xf32>
      %add3A_450 = arith.addf %add3A_421, %mul3A_449 : vector<16xf32>
      %slice3A_451 = vector.extract_strided_slice %get3A_300 {offsets = [4], sizes = [1], strides = [1]} : vector<16xf32> to vector<1xf32>
      %squeeze3A_452 = vector.extract %slice3A_451[0] : f32 from vector<1xf32>
      %mul3A_453 = vector.broadcast %squeeze3A_452 : f32 to vector<16xf32>
      %mul3A_454 = arith.mulf %mul3A_453, %get3A_445 : vector<16xf32>
      %add3A_455 = arith.addf %add3A_426, %mul3A_454 : vector<16xf32>
      %slice3A_456 = vector.extract_strided_slice %get3A_310 {offsets = [4], sizes = [1], strides = [1]} : vector<16xf32> to vector<1xf32>
      %squeeze3A_457 = vector.extract %slice3A_456[0] : f32 from vector<1xf32>
      %mul3A_458 = vector.broadcast %squeeze3A_457 : f32 to vector<16xf32>
      %mul3A_459 = arith.mulf %mul3A_458, %get3A_445 : vector<16xf32>
      %add3A_460 = arith.addf %add3A_431, %mul3A_459 : vector<16xf32>
      %slice3A_461 = vector.extract_strided_slice %get3A_320 {offsets = [4], sizes = [1], strides = [1]} : vector<16xf32> to vector<1xf32>
      %squeeze3A_462 = vector.extract %slice3A_461[0] : f32 from vector<1xf32>
      %mul3A_463 = vector.broadcast %squeeze3A_462 : f32 to vector<16xf32>
      %mul3A_464 = arith.mulf %mul3A_463, %get3A_445 : vector<16xf32>
      %add3A_465 = arith.addf %add3A_436, %mul3A_464 : vector<16xf32>
      %mul3A_466 = arith.constant 16 : i32
      %mul3A_467 = arith.muli %scan3A_276, %mul3A_466 : i32
      %add3A_468 = arith.constant 5 : i32
      %add3A_469 = arith.addi %mul3A_467, %add3A_468 : i32
      %mul3A_470 = arith.constant 16 : i32
      %mul3A_471 = arith.muli %add3A_469, %mul3A_470 : i32
      %get3A_472 = arith.index_cast %mul3A_471 : i32 to index
      %get3A_473 = tpu.vector_load %arg8[%get3A_472] {strides = array<i32>} : memref<12288xf32, #tpu.memory_space<vmem>>, vector<16xf32>,
      %get3A_474 = vector.shape_cast %get3A_473 : vector<16xf32> to vector<16xf32>
      %slice3A_475 = vector.extract_strided_slice %get3A_290 {offsets = [5], sizes = [1], strides = [1]} : vector<16xf32> to vector<1xf32>
      %squeeze3A_476 = vector.extract %slice3A_475[0] : f32 from vector<1xf32>
      %mul3A_477 = vector.broadcast %squeeze3A_476 : f32 to vector<16xf32>
      %mul3A_478 = arith.mulf %mul3A_477, %get3A_474 : vector<16xf32>
      %add3A_479 = arith.addf %add3A_450, %mul3A_478 : vector<16xf32>
      %slice3A_480 = vector.extract_strided_slice %get3A_300 {offsets = [5], sizes = [1], strides = [1]} : vector<16xf32> to vector<1xf32>
      %squeeze3A_481 = vector.extract %slice3A_480[0] : f32 from vector<1xf32>
      %mul3A_482 = vector.broadcast %squeeze3A_481 : f32 to vector<16xf32>
      %mul3A_483 = arith.mulf %mul3A_482, %get3A_474 : vector<16xf32>
      %add3A_484 = arith.addf %add3A_455, %mul3A_483 : vector<16xf32>
      %slice3A_485 = vector.extract_strided_slice %get3A_310 {offsets = [5], sizes = [1], strides = [1]} : vector<16xf32> to vector<1xf32>
      %squeeze3A_486 = vector.extract %slice3A_485[0] : f32 from vector<1xf32>
      %mul3A_487 = vector.broadcast %squeeze3A_486 : f32 to vector<16xf32>
      %mul3A_488 = arith.mulf %mul3A_487, %get3A_474 : vector<16xf32>
      %add3A_489 = arith.addf %add3A_460, %mul3A_488 : vector<16xf32>
      %slice3A_490 = vector.extract_strided_slice %get3A_320 {offsets = [5], sizes = [1], strides = [1]} : vector<16xf32> to vector<1xf32>
      %squeeze3A_491 = vector.extract %slice3A_490[0] : f32 from vector<1xf32>
      %mul3A_492 = vector.broadcast %squeeze3A_491 : f32 to vector<16xf32>
      %mul3A_493 = arith.mulf %mul3A_492, %get3A_474 : vector<16xf32>
      %add3A_494 = arith.addf %add3A_465, %mul3A_493 : vector<16xf32>
      %mul3A_495 = arith.constant 16 : i32
      %mul3A_496 = arith.muli %scan3A_276, %mul3A_495 : i32
      %add3A_497 = arith.constant 6 : i32
      %add3A_498 = arith.addi %mul3A_496, %add3A_497 : i32
      %mul3A_499 = arith.constant 16 : i32
      %mul3A_500 = arith.muli %add3A_498, %mul3A_499 : i32
      %get3A_501 = arith.index_cast %mul3A_500 : i32 to index
      %get3A_502 = tpu.vector_load %arg8[%get3A_501] {strides = array<i32>} : memref<12288xf32, #tpu.memory_space<vmem>>, vector<16xf32>,
      %get3A_503 = vector.shape_cast %get3A_502 : vector<16xf32> to vector<16xf32>
      %slice3A_504 = vector.extract_strided_slice %get3A_290 {offsets = [6], sizes = [1], strides = [1]} : vector<16xf32> to vector<1xf32>
      %squeeze3A_505 = vector.extract %slice3A_504[0] : f32 from vector<1xf32>
      %mul3A_506 = vector.broadcast %squeeze3A_505 : f32 to vector<16xf32>
      %mul3A_507 = arith.mulf %mul3A_506, %get3A_503 : vector<16xf32>
      %add3A_508 = arith.addf %add3A_479, %mul3A_507 : vector<16xf32>
      %slice3A_509 = vector.extract_strided_slice %get3A_300 {offsets = [6], sizes = [1], strides = [1]} : vector<16xf32> to vector<1xf32>
      %squeeze3A_510 = vector.extract %slice3A_509[0] : f32 from vector<1xf32>
      %mul3A_511 = vector.broadcast %squeeze3A_510 : f32 to vector<16xf32>
      %mul3A_512 = arith.mulf %mul3A_511, %get3A_503 : vector<16xf32>
      %add3A_513 = arith.addf %add3A_484, %mul3A_512 : vector<16xf32>
      %slice3A_514 = vector.extract_strided_slice %get3A_310 {offsets = [6], sizes = [1], strides = [1]} : vector<16xf32> to vector<1xf32>
      %squeeze3A_515 = vector.extract %slice3A_514[0] : f32 from vector<1xf32>
      %mul3A_516 = vector.broadcast %squeeze3A_515 : f32 to vector<16xf32>
      %mul3A_517 = arith.mulf %mul3A_516, %get3A_503 : vector<16xf32>
      %add3A_518 = arith.addf %add3A_489, %mul3A_517 : vector<16xf32>
      %slice3A_519 = vector.extract_strided_slice %get3A_320 {offsets = [6], sizes = [1], strides = [1]} : vector<16xf32> to vector<1xf32>
      %squeeze3A_520 = vector.extract %slice3A_519[0] : f32 from vector<1xf32>
      %mul3A_521 = vector.broadcast %squeeze3A_520 : f32 to vector<16xf32>
      %mul3A_522 = arith.mulf %mul3A_521, %get3A_503 : vector<16xf32>
      %add3A_523 = arith.addf %add3A_494, %mul3A_522 : vector<16xf32>
      %mul3A_524 = arith.constant 16 : i32
      %mul3A_525 = arith.muli %scan3A_276, %mul3A_524 : i32
      %add3A_526 = arith.constant 7 : i32
      %add3A_527 = arith.addi %mul3A_525, %add3A_526 : i32
      %mul3A_528 = arith.constant 16 : i32
      %mul3A_529 = arith.muli %add3A_527, %mul3A_528 : i32
      %get3A_530 = arith.index_cast %mul3A_529 : i32 to index
      %get3A_531 = tpu.vector_load %arg8[%get3A_530] {strides = array<i32>} : memref<12288xf32, #tpu.memory_space<vmem>>, vector<16xf32>,
      %get3A_532 = vector.shape_cast %get3A_531 : vector<16xf32> to vector<16xf32>
      %slice3A_533 = vector.extract_strided_slice %get3A_290 {offsets = [7], sizes = [1], strides = [1]} : vector<16xf32> to vector<1xf32>
      %squeeze3A_534 = vector.extract %slice3A_533[0] : f32 from vector<1xf32>
      %mul3A_535 = vector.broadcast %squeeze3A_534 : f32 to vector<16xf32>
      %mul3A_536 = arith.mulf %mul3A_535, %get3A_532 : vector<16xf32>
      %add3A_537 = arith.addf %add3A_508, %mul3A_536 : vector<16xf32>
      %slice3A_538 = vector.extract_strided_slice %get3A_300 {offsets = [7], sizes = [1], strides = [1]} : vector<16xf32> to vector<1xf32>
      %squeeze3A_539 = vector.extract %slice3A_538[0] : f32 from vector<1xf32>
      %mul3A_540 = vector.broadcast %squeeze3A_539 : f32 to vector<16xf32>
      %mul3A_541 = arith.mulf %mul3A_540, %get3A_532 : vector<16xf32>
      %add3A_542 = arith.addf %add3A_513, %mul3A_541 : vector<16xf32>
      %slice3A_543 = vector.extract_strided_slice %get3A_310 {offsets = [7], sizes = [1], strides = [1]} : vector<16xf32> to vector<1xf32>
      %squeeze3A_544 = vector.extract %slice3A_543[0] : f32 from vector<1xf32>
      %mul3A_545 = vector.broadcast %squeeze3A_544 : f32 to vector<16xf32>
      %mul3A_546 = arith.mulf %mul3A_545, %get3A_532 : vector<16xf32>
      %add3A_547 = arith.addf %add3A_518, %mul3A_546 : vector<16xf32>
      %slice3A_548 = vector.extract_strided_slice %get3A_320 {offsets = [7], sizes = [1], strides = [1]} : vector<16xf32> to vector<1xf32>
      %squeeze3A_549 = vector.extract %slice3A_548[0] : f32 from vector<1xf32>
      %mul3A_550 = vector.broadcast %squeeze3A_549 : f32 to vector<16xf32>
      %mul3A_551 = arith.mulf %mul3A_550, %get3A_532 : vector<16xf32>
      %add3A_552 = arith.addf %add3A_523, %mul3A_551 : vector<16xf32>
      %mul3A_553 = arith.constant 16 : i32
      %mul3A_554 = arith.muli %scan3A_276, %mul3A_553 : i32
      %add3A_555 = arith.constant 8 : i32
      %add3A_556 = arith.addi %mul3A_554, %add3A_555 : i32
      %mul3A_557 = arith.constant 16 : i32
      %mul3A_558 = arith.muli %add3A_556, %mul3A_557 : i32
      %get3A_559 = arith.index_cast %mul3A_558 : i32 to index
      %get3A_560 = tpu.vector_load %arg8[%get3A_559] {strides = array<i32>} : memref<12288xf32, #tpu.memory_space<vmem>>, vector<16xf32>,
      %get3A_561 = vector.shape_cast %get3A_560 : vector<16xf32> to vector<16xf32>
      %slice3A_562 = vector.extract_strided_slice %get3A_290 {offsets = [8], sizes = [1], strides = [1]} : vector<16xf32> to vector<1xf32>
      %squeeze3A_563 = vector.extract %slice3A_562[0] : f32 from vector<1xf32>
      %mul3A_564 = vector.broadcast %squeeze3A_563 : f32 to vector<16xf32>
      %mul3A_565 = arith.mulf %mul3A_564, %get3A_561 : vector<16xf32>
      %add3A_566 = arith.addf %add3A_537, %mul3A_565 : vector<16xf32>
      %slice3A_567 = vector.extract_strided_slice %get3A_300 {offsets = [8], sizes = [1], strides = [1]} : vector<16xf32> to vector<1xf32>
      %squeeze3A_568 = vector.extract %slice3A_567[0] : f32 from vector<1xf32>
      %mul3A_569 = vector.broadcast %squeeze3A_568 : f32 to vector<16xf32>
      %mul3A_570 = arith.mulf %mul3A_569, %get3A_561 : vector<16xf32>
      %add3A_571 = arith.addf %add3A_542, %mul3A_570 : vector<16xf32>
      %slice3A_572 = vector.extract_strided_slice %get3A_310 {offsets = [8], sizes = [1], strides = [1]} : vector<16xf32> to vector<1xf32>
      %squeeze3A_573 = vector.extract %slice3A_572[0] : f32 from vector<1xf32>
      %mul3A_574 = vector.broadcast %squeeze3A_573 : f32 to vector<16xf32>
      %mul3A_575 = arith.mulf %mul3A_574, %get3A_561 : vector<16xf32>
      %add3A_576 = arith.addf %add3A_547, %mul3A_575 : vector<16xf32>
      %slice3A_577 = vector.extract_strided_slice %get3A_320 {offsets = [8], sizes = [1], strides = [1]} : vector<16xf32> to vector<1xf32>
      %squeeze3A_578 = vector.extract %slice3A_577[0] : f32 from vector<1xf32>
      %mul3A_579 = vector.broadcast %squeeze3A_578 : f32 to vector<16xf32>
      %mul3A_580 = arith.mulf %mul3A_579, %get3A_561 : vector<16xf32>
      %add3A_581 = arith.addf %add3A_552, %mul3A_580 : vector<16xf32>
      %mul3A_582 = arith.constant 16 : i32
      %mul3A_583 = arith.muli %scan3A_276, %mul3A_582 : i32
      %add3A_584 = arith.constant 9 : i32
      %add3A_585 = arith.addi %mul3A_583, %add3A_584 : i32
      %mul3A_586 = arith.constant 16 : i32
      %mul3A_587 = arith.muli %add3A_585, %mul3A_586 : i32
      %get3A_588 = arith.index_cast %mul3A_587 : i32 to index
      %get3A_589 = tpu.vector_load %arg8[%get3A_588] {strides = array<i32>} : memref<12288xf32, #tpu.memory_space<vmem>>, vector<16xf32>,
      %get3A_590 = vector.shape_cast %get3A_589 : vector<16xf32> to vector<16xf32>
      %slice3A_591 = vector.extract_strided_slice %get3A_290 {offsets = [9], sizes = [1], strides = [1]} : vector<16xf32> to vector<1xf32>
      %squeeze3A_592 = vector.extract %slice3A_591[0] : f32 from vector<1xf32>
      %mul3A_593 = vector.broadcast %squeeze3A_592 : f32 to vector<16xf32>
      %mul3A_594 = arith.mulf %mul3A_593, %get3A_590 : vector<16xf32>
      %add3A_595 = arith.addf %add3A_566, %mul3A_594 : vector<16xf32>
      %slice3A_596 = vector.extract_strided_slice %get3A_300 {offsets = [9], sizes = [1], strides = [1]} : vector<16xf32> to vector<1xf32>
      %squeeze3A_597 = vector.extract %slice3A_596[0] : f32 from vector<1xf32>
      %mul3A_598 = vector.broadcast %squeeze3A_597 : f32 to vector<16xf32>
      %mul3A_599 = arith.mulf %mul3A_598, %get3A_590 : vector<16xf32>
      %add3A_600 = arith.addf %add3A_571, %mul3A_599 : vector<16xf32>
      %slice3A_601 = vector.extract_strided_slice %get3A_310 {offsets = [9], sizes = [1], strides = [1]} : vector<16xf32> to vector<1xf32>
      %squeeze3A_602 = vector.extract %slice3A_601[0] : f32 from vector<1xf32>
      %mul3A_603 = vector.broadcast %squeeze3A_602 : f32 to vector<16xf32>
      %mul3A_604 = arith.mulf %mul3A_603, %get3A_590 : vector<16xf32>
      %add3A_605 = arith.addf %add3A_576, %mul3A_604 : vector<16xf32>
      %slice3A_606 = vector.extract_strided_slice %get3A_320 {offsets = [9], sizes = [1], strides = [1]} : vector<16xf32> to vector<1xf32>
      %squeeze3A_607 = vector.extract %slice3A_606[0] : f32 from vector<1xf32>
      %mul3A_608 = vector.broadcast %squeeze3A_607 : f32 to vector<16xf32>
      %mul3A_609 = arith.mulf %mul3A_608, %get3A_590 : vector<16xf32>
      %add3A_610 = arith.addf %add3A_581, %mul3A_609 : vector<16xf32>
      %mul3A_611 = arith.constant 16 : i32
      %mul3A_612 = arith.muli %scan3A_276, %mul3A_611 : i32
      %add3A_613 = arith.constant 10 : i32
      %add3A_614 = arith.addi %mul3A_612, %add3A_613 : i32
      %mul3A_615 = arith.constant 16 : i32
      %mul3A_616 = arith.muli %add3A_614, %mul3A_615 : i32
      %get3A_617 = arith.index_cast %mul3A_616 : i32 to index
      %get3A_618 = tpu.vector_load %arg8[%get3A_617] {strides = array<i32>} : memref<12288xf32, #tpu.memory_space<vmem>>, vector<16xf32>,
      %get3A_619 = vector.shape_cast %get3A_618 : vector<16xf32> to vector<16xf32>
      %slice3A_620 = vector.extract_strided_slice %get3A_290 {offsets = [10], sizes = [1], strides = [1]} : vector<16xf32> to vector<1xf32>
      %squeeze3A_621 = vector.extract %slice3A_620[0] : f32 from vector<1xf32>
      %mul3A_622 = vector.broadcast %squeeze3A_621 : f32 to vector<16xf32>
      %mul3A_623 = arith.mulf %mul3A_622, %get3A_619 : vector<16xf32>
      %add3A_624 = arith.addf %add3A_595, %mul3A_623 : vector<16xf32>
      %slice3A_625 = vector.extract_strided_slice %get3A_300 {offsets = [10], sizes = [1], strides = [1]} : vector<16xf32> to vector<1xf32>
      %squeeze3A_626 = vector.extract %slice3A_625[0] : f32 from vector<1xf32>
      %mul3A_627 = vector.broadcast %squeeze3A_626 : f32 to vector<16xf32>
      %mul3A_628 = arith.mulf %mul3A_627, %get3A_619 : vector<16xf32>
      %add3A_629 = arith.addf %add3A_600, %mul3A_628 : vector<16xf32>
      %slice3A_630 = vector.extract_strided_slice %get3A_310 {offsets = [10], sizes = [1], strides = [1]} : vector<16xf32> to vector<1xf32>
      %squeeze3A_631 = vector.extract %slice3A_630[0] : f32 from vector<1xf32>
      %mul3A_632 = vector.broadcast %squeeze3A_631 : f32 to vector<16xf32>
      %mul3A_633 = arith.mulf %mul3A_632, %get3A_619 : vector<16xf32>
      %add3A_634 = arith.addf %add3A_605, %mul3A_633 : vector<16xf32>
      %slice3A_635 = vector.extract_strided_slice %get3A_320 {offsets = [10], sizes = [1], strides = [1]} : vector<16xf32> to vector<1xf32>
      %squeeze3A_636 = vector.extract %slice3A_635[0] : f32 from vector<1xf32>
      %mul3A_637 = vector.broadcast %squeeze3A_636 : f32 to vector<16xf32>
      %mul3A_638 = arith.mulf %mul3A_637, %get3A_619 : vector<16xf32>
      %add3A_639 = arith.addf %add3A_610, %mul3A_638 : vector<16xf32>
      %mul3A_640 = arith.constant 16 : i32
      %mul3A_641 = arith.muli %scan3A_276, %mul3A_640 : i32
      %add3A_642 = arith.constant 11 : i32
      %add3A_643 = arith.addi %mul3A_641, %add3A_642 : i32
      %mul3A_644 = arith.constant 16 : i32
      %mul3A_645 = arith.muli %add3A_643, %mul3A_644 : i32
      %get3A_646 = arith.index_cast %mul3A_645 : i32 to index
      %get3A_647 = tpu.vector_load %arg8[%get3A_646] {strides = array<i32>} : memref<12288xf32, #tpu.memory_space<vmem>>, vector<16xf32>,
      %get3A_648 = vector.shape_cast %get3A_647 : vector<16xf32> to vector<16xf32>
      %slice3A_649 = vector.extract_strided_slice %get3A_290 {offsets = [11], sizes = [1], strides = [1]} : vector<16xf32> to vector<1xf32>
      %squeeze3A_650 = vector.extract %slice3A_649[0] : f32 from vector<1xf32>
      %mul3A_651 = vector.broadcast %squeeze3A_650 : f32 to vector<16xf32>
      %mul3A_652 = arith.mulf %mul3A_651, %get3A_648 : vector<16xf32>
      %add3A_653 = arith.addf %add3A_624, %mul3A_652 : vector<16xf32>
      %slice3A_654 = vector.extract_strided_slice %get3A_300 {offsets = [11], sizes = [1], strides = [1]} : vector<16xf32> to vector<1xf32>
      %squeeze3A_655 = vector.extract %slice3A_654[0] : f32 from vector<1xf32>
      %mul3A_656 = vector.broadcast %squeeze3A_655 : f32 to vector<16xf32>
      %mul3A_657 = arith.mulf %mul3A_656, %get3A_648 : vector<16xf32>
      %add3A_658 = arith.addf %add3A_629, %mul3A_657 : vector<16xf32>
      %slice3A_659 = vector.extract_strided_slice %get3A_310 {offsets = [11], sizes = [1], strides = [1]} : vector<16xf32> to vector<1xf32>
      %squeeze3A_660 = vector.extract %slice3A_659[0] : f32 from vector<1xf32>
      %mul3A_661 = vector.broadcast %squeeze3A_660 : f32 to vector<16xf32>
      %mul3A_662 = arith.mulf %mul3A_661, %get3A_648 : vector<16xf32>
      %add3A_663 = arith.addf %add3A_634, %mul3A_662 : vector<16xf32>
      %slice3A_664 = vector.extract_strided_slice %get3A_320 {offsets = [11], sizes = [1], strides = [1]} : vector<16xf32> to vector<1xf32>
      %squeeze3A_665 = vector.extract %slice3A_664[0] : f32 from vector<1xf32>
      %mul3A_666 = vector.broadcast %squeeze3A_665 : f32 to vector<16xf32>
      %mul3A_667 = arith.mulf %mul3A_666, %get3A_648 : vector<16xf32>
      %add3A_668 = arith.addf %add3A_639, %mul3A_667 : vector<16xf32>
      %mul3A_669 = arith.constant 16 : i32
      %mul3A_670 = arith.muli %scan3A_276, %mul3A_669 : i32
      %add3A_671 = arith.constant 12 : i32
      %add3A_672 = arith.addi %mul3A_670, %add3A_671 : i32
      %mul3A_673 = arith.constant 16 : i32
      %mul3A_674 = arith.muli %add3A_672, %mul3A_673 : i32
      %get3A_675 = arith.index_cast %mul3A_674 : i32 to index
      %get3A_676 = tpu.vector_load %arg8[%get3A_675] {strides = array<i32>} : memref<12288xf32, #tpu.memory_space<vmem>>, vector<16xf32>,
      %get3A_677 = vector.shape_cast %get3A_676 : vector<16xf32> to vector<16xf32>
      %slice3A_678 = vector.extract_strided_slice %get3A_290 {offsets = [12], sizes = [1], strides = [1]} : vector<16xf32> to vector<1xf32>
      %squeeze3A_679 = vector.extract %slice3A_678[0] : f32 from vector<1xf32>
      %mul3A_680 = vector.broadcast %squeeze3A_679 : f32 to vector<16xf32>
      %mul3A_681 = arith.mulf %mul3A_680, %get3A_677 : vector<16xf32>
      %add3A_682 = arith.addf %add3A_653, %mul3A_681 : vector<16xf32>
      %slice3A_683 = vector.extract_strided_slice %get3A_300 {offsets = [12], sizes = [1], strides = [1]} : vector<16xf32> to vector<1xf32>
      %squeeze3A_684 = vector.extract %slice3A_683[0] : f32 from vector<1xf32>
      %mul3A_685 = vector.broadcast %squeeze3A_684 : f32 to vector<16xf32>
      %mul3A_686 = arith.mulf %mul3A_685, %get3A_677 : vector<16xf32>
      %add3A_687 = arith.addf %add3A_658, %mul3A_686 : vector<16xf32>
      %slice3A_688 = vector.extract_strided_slice %get3A_310 {offsets = [12], sizes = [1], strides = [1]} : vector<16xf32> to vector<1xf32>
      %squeeze3A_689 = vector.extract %slice3A_688[0] : f32 from vector<1xf32>
      %mul3A_690 = vector.broadcast %squeeze3A_689 : f32 to vector<16xf32>
      %mul3A_691 = arith.mulf %mul3A_690, %get3A_677 : vector<16xf32>
      %add3A_692 = arith.addf %add3A_663, %mul3A_691 : vector<16xf32>
      %slice3A_693 = vector.extract_strided_slice %get3A_320 {offsets = [12], sizes = [1], strides = [1]} : vector<16xf32> to vector<1xf32>
      %squeeze3A_694 = vector.extract %slice3A_693[0] : f32 from vector<1xf32>
      %mul3A_695 = vector.broadcast %squeeze3A_694 : f32 to vector<16xf32>
      %mul3A_696 = arith.mulf %mul3A_695, %get3A_677 : vector<16xf32>
      %add3A_697 = arith.addf %add3A_668, %mul3A_696 : vector<16xf32>
      %mul3A_698 = arith.constant 16 : i32
      %mul3A_699 = arith.muli %scan3A_276, %mul3A_698 : i32
      %add3A_700 = arith.constant 13 : i32
      %add3A_701 = arith.addi %mul3A_699, %add3A_700 : i32
      %mul3A_702 = arith.constant 16 : i32
      %mul3A_703 = arith.muli %add3A_701, %mul3A_702 : i32
      %get3A_704 = arith.index_cast %mul3A_703 : i32 to index
      %get3A_705 = tpu.vector_load %arg8[%get3A_704] {strides = array<i32>} : memref<12288xf32, #tpu.memory_space<vmem>>, vector<16xf32>,
      %get3A_706 = vector.shape_cast %get3A_705 : vector<16xf32> to vector<16xf32>
      %slice3A_707 = vector.extract_strided_slice %get3A_290 {offsets = [13], sizes = [1], strides = [1]} : vector<16xf32> to vector<1xf32>
      %squeeze3A_708 = vector.extract %slice3A_707[0] : f32 from vector<1xf32>
      %mul3A_709 = vector.broadcast %squeeze3A_708 : f32 to vector<16xf32>
      %mul3A_710 = arith.mulf %mul3A_709, %get3A_706 : vector<16xf32>
      %add3A_711 = arith.addf %add3A_682, %mul3A_710 : vector<16xf32>
      %slice3A_712 = vector.extract_strided_slice %get3A_300 {offsets = [13], sizes = [1], strides = [1]} : vector<16xf32> to vector<1xf32>
      %squeeze3A_713 = vector.extract %slice3A_712[0] : f32 from vector<1xf32>
      %mul3A_714 = vector.broadcast %squeeze3A_713 : f32 to vector<16xf32>
      %mul3A_715 = arith.mulf %mul3A_714, %get3A_706 : vector<16xf32>
      %add3A_716 = arith.addf %add3A_687, %mul3A_715 : vector<16xf32>
      %slice3A_717 = vector.extract_strided_slice %get3A_310 {offsets = [13], sizes = [1], strides = [1]} : vector<16xf32> to vector<1xf32>
      %squeeze3A_718 = vector.extract %slice3A_717[0] : f32 from vector<1xf32>
      %mul3A_719 = vector.broadcast %squeeze3A_718 : f32 to vector<16xf32>
      %mul3A_720 = arith.mulf %mul3A_719, %get3A_706 : vector<16xf32>
      %add3A_721 = arith.addf %add3A_692, %mul3A_720 : vector<16xf32>
      %slice3A_722 = vector.extract_strided_slice %get3A_320 {offsets = [13], sizes = [1], strides = [1]} : vector<16xf32> to vector<1xf32>
      %squeeze3A_723 = vector.extract %slice3A_722[0] : f32 from vector<1xf32>
      %mul3A_724 = vector.broadcast %squeeze3A_723 : f32 to vector<16xf32>
      %mul3A_725 = arith.mulf %mul3A_724, %get3A_706 : vector<16xf32>
      %add3A_726 = arith.addf %add3A_697, %mul3A_725 : vector<16xf32>
      %mul3A_727 = arith.constant 16 : i32
      %mul3A_728 = arith.muli %scan3A_276, %mul3A_727 : i32
      %add3A_729 = arith.constant 14 : i32
      %add3A_730 = arith.addi %mul3A_728, %add3A_729 : i32
      %mul3A_731 = arith.constant 16 : i32
      %mul3A_732 = arith.muli %add3A_730, %mul3A_731 : i32
      %get3A_733 = arith.index_cast %mul3A_732 : i32 to index
      %get3A_734 = tpu.vector_load %arg8[%get3A_733] {strides = array<i32>} : memref<12288xf32, #tpu.memory_space<vmem>>, vector<16xf32>,
      %get3A_735 = vector.shape_cast %get3A_734 : vector<16xf32> to vector<16xf32>
      %slice3A_736 = vector.extract_strided_slice %get3A_290 {offsets = [14], sizes = [1], strides = [1]} : vector<16xf32> to vector<1xf32>
      %squeeze3A_737 = vector.extract %slice3A_736[0] : f32 from vector<1xf32>
      %mul3A_738 = vector.broadcast %squeeze3A_737 : f32 to vector<16xf32>
      %mul3A_739 = arith.mulf %mul3A_738, %get3A_735 : vector<16xf32>
      %add3A_740 = arith.addf %add3A_711, %mul3A_739 : vector<16xf32>
      %slice3A_741 = vector.extract_strided_slice %get3A_300 {offsets = [14], sizes = [1], strides = [1]} : vector<16xf32> to vector<1xf32>
      %squeeze3A_742 = vector.extract %slice3A_741[0] : f32 from vector<1xf32>
      %mul3A_743 = vector.broadcast %squeeze3A_742 : f32 to vector<16xf32>
      %mul3A_744 = arith.mulf %mul3A_743, %get3A_735 : vector<16xf32>
      %add3A_745 = arith.addf %add3A_716, %mul3A_744 : vector<16xf32>
      %slice3A_746 = vector.extract_strided_slice %get3A_310 {offsets = [14], sizes = [1], strides = [1]} : vector<16xf32> to vector<1xf32>
      %squeeze3A_747 = vector.extract %slice3A_746[0] : f32 from vector<1xf32>
      %mul3A_748 = vector.broadcast %squeeze3A_747 : f32 to vector<16xf32>
      %mul3A_749 = arith.mulf %mul3A_748, %get3A_735 : vector<16xf32>
      %add3A_750 = arith.addf %add3A_721, %mul3A_749 : vector<16xf32>
      %slice3A_751 = vector.extract_strided_slice %get3A_320 {offsets = [14], sizes = [1], strides = [1]} : vector<16xf32> to vector<1xf32>
      %squeeze3A_752 = vector.extract %slice3A_751[0] : f32 from vector<1xf32>
      %mul3A_753 = vector.broadcast %squeeze3A_752 : f32 to vector<16xf32>
      %mul3A_754 = arith.mulf %mul3A_753, %get3A_735 : vector<16xf32>
      %add3A_755 = arith.addf %add3A_726, %mul3A_754 : vector<16xf32>
      %mul3A_756 = arith.constant 16 : i32
      %mul3A_757 = arith.muli %scan3A_276, %mul3A_756 : i32
      %add3A_758 = arith.constant 15 : i32
      %add3A_759 = arith.addi %mul3A_757, %add3A_758 : i32
      %mul3A_760 = arith.constant 16 : i32
      %mul3A_761 = arith.muli %add3A_759, %mul3A_760 : i32
      %get3A_762 = arith.index_cast %mul3A_761 : i32 to index
      %get3A_763 = tpu.vector_load %arg8[%get3A_762] {strides = array<i32>} : memref<12288xf32, #tpu.memory_space<vmem>>, vector<16xf32>,
      %get3A_764 = vector.shape_cast %get3A_763 : vector<16xf32> to vector<16xf32>
      %slice3A_765 = vector.extract_strided_slice %get3A_290 {offsets = [15], sizes = [1], strides = [1]} : vector<16xf32> to vector<1xf32>
      %squeeze3A_766 = vector.extract %slice3A_765[0] : f32 from vector<1xf32>
      %mul3A_767 = vector.broadcast %squeeze3A_766 : f32 to vector<16xf32>
      %mul3A_768 = arith.mulf %mul3A_767, %get3A_764 : vector<16xf32>
      %add3A_769 = arith.addf %add3A_740, %mul3A_768 : vector<16xf32>
      %slice3A_770 = vector.extract_strided_slice %get3A_300 {offsets = [15], sizes = [1], strides = [1]} : vector<16xf32> to vector<1xf32>
      %squeeze3A_771 = vector.extract %slice3A_770[0] : f32 from vector<1xf32>
      %mul3A_772 = vector.broadcast %squeeze3A_771 : f32 to vector<16xf32>
      %mul3A_773 = arith.mulf %mul3A_772, %get3A_764 : vector<16xf32>
      %add3A_774 = arith.addf %add3A_745, %mul3A_773 : vector<16xf32>
      %slice3A_775 = vector.extract_strided_slice %get3A_310 {offsets = [15], sizes = [1], strides = [1]} : vector<16xf32> to vector<1xf32>
      %squeeze3A_776 = vector.extract %slice3A_775[0] : f32 from vector<1xf32>
      %mul3A_777 = vector.broadcast %squeeze3A_776 : f32 to vector<16xf32>
      %mul3A_778 = arith.mulf %mul3A_777, %get3A_764 : vector<16xf32>
      %add3A_779 = arith.addf %add3A_750, %mul3A_778 : vector<16xf32>
      %slice3A_780 = vector.extract_strided_slice %get3A_320 {offsets = [15], sizes = [1], strides = [1]} : vector<16xf32> to vector<1xf32>
      %squeeze3A_781 = vector.extract %slice3A_780[0] : f32 from vector<1xf32>
      %mul3A_782 = vector.broadcast %squeeze3A_781 : f32 to vector<16xf32>
      %mul3A_783 = arith.mulf %mul3A_782, %get3A_764 : vector<16xf32>
      %add3A_784 = arith.addf %add3A_755, %mul3A_783 : vector<16xf32>
      scf.yield %add3A_769, %add3A_774, %add3A_779, %add3A_784 : vector<16xf32>, vector<16xf32>, vector<16xf32>, vector<16xf32>
    }
    %scan3A_87 = arith.constant 48 : i32
    %add3A_88 = arith.addf %scan3A_86#0, %get3A_8 : vector<16xf32>
    %slice3A_89 = vector.extract_strided_slice %get3A_18 {offsets = [4], sizes = [1], strides = [1]} : vector<16xf32> to vector<1xf32>
    %squeeze3A_90 = vector.extract %slice3A_89[0] : f32 from vector<1xf32>
    %mul3A_91 = vector.broadcast %squeeze3A_90 : f32 to vector<16xf32>
    %mul3A_92 = arith.mulf %mul3A_91, %get3A_11 : vector<16xf32>
    %add3A_93 = arith.addf %add3A_88, %mul3A_92 : vector<16xf32>
    %add3A_94 = arith.constant 0 : i32
    %add3A_95 = arith.addi %add3A_81, %add3A_94 : i32
    %mul3A_96 = arith.constant 16 : i32
    %mul3A_97 = arith.muli %add3A_95, %mul3A_96 : i32
    %swap3A_98 = arith.index_cast %mul3A_97 : i32 to index
    %swap3A_99 = tpu.vector_load %arg11[%swap3A_98] {strides = array<i32>} : memref<256xf32, #tpu.memory_space<vmem>>, vector<16xf32>,
    %swap3A_100 = vector.shape_cast %swap3A_99 : vector<16xf32> to vector<16xf32>
    %swap3A_101 = vector.shape_cast %add3A_93 : vector<16xf32> to vector<16xf32>
    tpu.vector_store %arg11[%swap3A_98], %swap3A_101 {strides = array<i32>} : memref<256xf32, #tpu.memory_space<vmem>>, vector<16xf32>,
    %add3A_102 = arith.addf %scan3A_86#1, %get3A_8 : vector<16xf32>
    %slice3A_103 = vector.extract_strided_slice %get3A_18 {offsets = [5], sizes = [1], strides = [1]} : vector<16xf32> to vector<1xf32>
    %squeeze3A_104 = vector.extract %slice3A_103[0] : f32 from vector<1xf32>
    %mul3A_105 = vector.broadcast %squeeze3A_104 : f32 to vector<16xf32>
    %mul3A_106 = arith.mulf %mul3A_105, %get3A_11 : vector<16xf32>
    %add3A_107 = arith.addf %add3A_102, %mul3A_106 : vector<16xf32>
    %add3A_108 = arith.constant 1 : i32
    %add3A_109 = arith.addi %add3A_81, %add3A_108 : i32
    %mul3A_110 = arith.constant 16 : i32
    %mul3A_111 = arith.muli %add3A_109, %mul3A_110 : i32
    %swap3A_112 = arith.index_cast %mul3A_111 : i32 to index
    %swap3A_113 = tpu.vector_load %arg11[%swap3A_112] {strides = array<i32>} : memref<256xf32, #tpu.memory_space<vmem>>, vector<16xf32>,
    %swap3A_114 = vector.shape_cast %swap3A_113 : vector<16xf32> to vector<16xf32>
    %swap3A_115 = vector.shape_cast %add3A_107 : vector<16xf32> to vector<16xf32>
    tpu.vector_store %arg11[%swap3A_112], %swap3A_115 {strides = array<i32>} : memref<256xf32, #tpu.memory_space<vmem>>, vector<16xf32>,
    %add3A_116 = arith.addf %scan3A_86#2, %get3A_8 : vector<16xf32>
    %slice3A_117 = vector.extract_strided_slice %get3A_18 {offsets = [6], sizes = [1], strides = [1]} : vector<16xf32> to vector<1xf32>
    %squeeze3A_118 = vector.extract %slice3A_117[0] : f32 from vector<1xf32>
    %mul3A_119 = vector.broadcast %squeeze3A_118 : f32 to vector<16xf32>
    %mul3A_120 = arith.mulf %mul3A_119, %get3A_11 : vector<16xf32>
    %add3A_121 = arith.addf %add3A_116, %mul3A_120 : vector<16xf32>
    %add3A_122 = arith.constant 2 : i32
    %add3A_123 = arith.addi %add3A_81, %add3A_122 : i32
    %mul3A_124 = arith.constant 16 : i32
    %mul3A_125 = arith.muli %add3A_123, %mul3A_124 : i32
    %swap3A_126 = arith.index_cast %mul3A_125 : i32 to index
    %swap3A_127 = tpu.vector_load %arg11[%swap3A_126] {strides = array<i32>} : memref<256xf32, #tpu.memory_space<vmem>>, vector<16xf32>,
    %swap3A_128 = vector.shape_cast %swap3A_127 : vector<16xf32> to vector<16xf32>
    %swap3A_129 = vector.shape_cast %add3A_121 : vector<16xf32> to vector<16xf32>
    tpu.vector_store %arg11[%swap3A_126], %swap3A_129 {strides = array<i32>} : memref<256xf32, #tpu.memory_space<vmem>>, vector<16xf32>,
    %add3A_130 = arith.addf %scan3A_86#3, %get3A_8 : vector<16xf32>
    %slice3A_131 = vector.extract_strided_slice %get3A_18 {offsets = [7], sizes = [1], strides = [1]} : vector<16xf32> to vector<1xf32>
    %squeeze3A_132 = vector.extract %slice3A_131[0] : f32 from vector<1xf32>
    %mul3A_133 = vector.broadcast %squeeze3A_132 : f32 to vector<16xf32>
    %mul3A_134 = arith.mulf %mul3A_133, %get3A_11 : vector<16xf32>
    %add3A_135 = arith.addf %add3A_130, %mul3A_134 : vector<16xf32>
    %add3A_136 = arith.constant 3 : i32
    %add3A_137 = arith.addi %add3A_81, %add3A_136 : i32
    %mul3A_138 = arith.constant 16 : i32
    %mul3A_139 = arith.muli %add3A_137, %mul3A_138 : i32
    %swap3A_140 = arith.index_cast %mul3A_139 : i32 to index
    %swap3A_141 = tpu.vector_load %arg11[%swap3A_140] {strides = array<i32>} : memref<256xf32, #tpu.memory_space<vmem>>, vector<16xf32>,
    %swap3A_142 = vector.shape_cast %swap3A_141 : vector<16xf32> to vector<16xf32>
    %swap3A_143 = vector.shape_cast %add3A_135 : vector<16xf32> to vector<16xf32>
    tpu.vector_store %arg11[%swap3A_140], %swap3A_143 {strides = array<i32>} : memref<256xf32, #tpu.memory_space<vmem>>, vector<16xf32>,
    %add3A_144 = arith.constant 8 : i32
    %add3A_145 = arith.addi %mul3A_15, %add3A_144 : i32
    %scan3A_146 = arith.constant 0 : i32
    %scan3A_147 = arith.constant 48 : i32
    %scan3A_148 = arith.addi %scan3A_146, %scan3A_147 : i32
    %scan3A_149 = arith.constant 1 : i32
    %scan3A_150:4 = scf.for %scan3A_276 = %scan3A_146 to %scan3A_148 step %scan3A_149 iter_args(%scan3A_277 = %broadcast_in_dim3A_12, %scan3A_278 = %broadcast_in_dim3A_12, %scan3A_279 = %broadcast_in_dim3A_12, %scan3A_280 = %broadcast_in_dim3A_12) -> (vector<16xf32>, vector<16xf32>, vector<16xf32>, vector<16xf32>)  : i32 {
      %add3A_281 = arith.constant 0 : i32
      %add3A_282 = arith.addi %add3A_145, %add3A_281 : i32
      %mul3A_283 = arith.constant 768 : i32
      %mul3A_284 = arith.muli %add3A_282, %mul3A_283 : i32
      %mul3A_285 = arith.constant 16 : i32
      %mul3A_286 = arith.muli %scan3A_276, %mul3A_285 : i32
      %add3A_287 = arith.addi %mul3A_284, %mul3A_286 : i32
      %get3A_288 = arith.index_cast %add3A_287 : i32 to index
      %get3A_289 = tpu.vector_load %arg7[%get3A_288] {strides = array<i32>} : memref<12288xf32, #tpu.memory_space<vmem>>, vector<16xf32>,
      %get3A_290 = vector.shape_cast %get3A_289 : vector<16xf32> to vector<16xf32>
      %add3A_291 = arith.constant 1 : i32
      %add3A_292 = arith.addi %add3A_145, %add3A_291 : i32
      %mul3A_293 = arith.constant 768 : i32
      %mul3A_294 = arith.muli %add3A_292, %mul3A_293 : i32
      %mul3A_295 = arith.constant 16 : i32
      %mul3A_296 = arith.muli %scan3A_276, %mul3A_295 : i32
      %add3A_297 = arith.addi %mul3A_294, %mul3A_296 : i32
      %get3A_298 = arith.index_cast %add3A_297 : i32 to index
      %get3A_299 = tpu.vector_load %arg7[%get3A_298] {strides = array<i32>} : memref<12288xf32, #tpu.memory_space<vmem>>, vector<16xf32>,
      %get3A_300 = vector.shape_cast %get3A_299 : vector<16xf32> to vector<16xf32>
      %add3A_301 = arith.constant 2 : i32
      %add3A_302 = arith.addi %add3A_145, %add3A_301 : i32
      %mul3A_303 = arith.constant 768 : i32
      %mul3A_304 = arith.muli %add3A_302, %mul3A_303 : i32
      %mul3A_305 = arith.constant 16 : i32
      %mul3A_306 = arith.muli %scan3A_276, %mul3A_305 : i32
      %add3A_307 = arith.addi %mul3A_304, %mul3A_306 : i32
      %get3A_308 = arith.index_cast %add3A_307 : i32 to index
      %get3A_309 = tpu.vector_load %arg7[%get3A_308] {strides = array<i32>} : memref<12288xf32, #tpu.memory_space<vmem>>, vector<16xf32>,
      %get3A_310 = vector.shape_cast %get3A_309 : vector<16xf32> to vector<16xf32>
      %add3A_311 = arith.constant 3 : i32
      %add3A_312 = arith.addi %add3A_145, %add3A_311 : i32
      %mul3A_313 = arith.constant 768 : i32
      %mul3A_314 = arith.muli %add3A_312, %mul3A_313 : i32
      %mul3A_315 = arith.constant 16 : i32
      %mul3A_316 = arith.muli %scan3A_276, %mul3A_315 : i32
      %add3A_317 = arith.addi %mul3A_314, %mul3A_316 : i32
      %get3A_318 = arith.index_cast %add3A_317 : i32 to index
      %get3A_319 = tpu.vector_load %arg7[%get3A_318] {strides = array<i32>} : memref<12288xf32, #tpu.memory_space<vmem>>, vector<16xf32>,
      %get3A_320 = vector.shape_cast %get3A_319 : vector<16xf32> to vector<16xf32>
      %mul3A_321 = arith.constant 16 : i32
      %mul3A_322 = arith.muli %scan3A_276, %mul3A_321 : i32
      %add3A_323 = arith.constant 0 : i32
      %add3A_324 = arith.addi %mul3A_322, %add3A_323 : i32
      %mul3A_325 = arith.constant 16 : i32
      %mul3A_326 = arith.muli %add3A_324, %mul3A_325 : i32
      %get3A_327 = arith.index_cast %mul3A_326 : i32 to index
      %get3A_328 = tpu.vector_load %arg8[%get3A_327] {strides = array<i32>} : memref<12288xf32, #tpu.memory_space<vmem>>, vector<16xf32>,
      %get3A_329 = vector.shape_cast %get3A_328 : vector<16xf32> to vector<16xf32>
      %slice3A_330 = vector.extract_strided_slice %get3A_290 {offsets = [0], sizes = [1], strides = [1]} : vector<16xf32> to vector<1xf32>
      %squeeze3A_331 = vector.extract %slice3A_330[0] : f32 from vector<1xf32>
      %mul3A_332 = vector.broadcast %squeeze3A_331 : f32 to vector<16xf32>
      %mul3A_333 = arith.mulf %mul3A_332, %get3A_329 : vector<16xf32>
      %add3A_334 = arith.addf %scan3A_277, %mul3A_333 : vector<16xf32>
      %slice3A_335 = vector.extract_strided_slice %get3A_300 {offsets = [0], sizes = [1], strides = [1]} : vector<16xf32> to vector<1xf32>
      %squeeze3A_336 = vector.extract %slice3A_335[0] : f32 from vector<1xf32>
      %mul3A_337 = vector.broadcast %squeeze3A_336 : f32 to vector<16xf32>
      %mul3A_338 = arith.mulf %mul3A_337, %get3A_329 : vector<16xf32>
      %add3A_339 = arith.addf %scan3A_278, %mul3A_338 : vector<16xf32>
      %slice3A_340 = vector.extract_strided_slice %get3A_310 {offsets = [0], sizes = [1], strides = [1]} : vector<16xf32> to vector<1xf32>
      %squeeze3A_341 = vector.extract %slice3A_340[0] : f32 from vector<1xf32>
      %mul3A_342 = vector.broadcast %squeeze3A_341 : f32 to vector<16xf32>
      %mul3A_343 = arith.mulf %mul3A_342, %get3A_329 : vector<16xf32>
      %add3A_344 = arith.addf %scan3A_279, %mul3A_343 : vector<16xf32>
      %slice3A_345 = vector.extract_strided_slice %get3A_320 {offsets = [0], sizes = [1], strides = [1]} : vector<16xf32> to vector<1xf32>
      %squeeze3A_346 = vector.extract %slice3A_345[0] : f32 from vector<1xf32>
      %mul3A_347 = vector.broadcast %squeeze3A_346 : f32 to vector<16xf32>
      %mul3A_348 = arith.mulf %mul3A_347, %get3A_329 : vector<16xf32>
      %add3A_349 = arith.addf %scan3A_280, %mul3A_348 : vector<16xf32>
      %mul3A_350 = arith.constant 16 : i32
      %mul3A_351 = arith.muli %scan3A_276, %mul3A_350 : i32
      %add3A_352 = arith.constant 1 : i32
      %add3A_353 = arith.addi %mul3A_351, %add3A_352 : i32
      %mul3A_354 = arith.constant 16 : i32
      %mul3A_355 = arith.muli %add3A_353, %mul3A_354 : i32
      %get3A_356 = arith.index_cast %mul3A_355 : i32 to index
      %get3A_357 = tpu.vector_load %arg8[%get3A_356] {strides = array<i32>} : memref<12288xf32, #tpu.memory_space<vmem>>, vector<16xf32>,
      %get3A_358 = vector.shape_cast %get3A_357 : vector<16xf32> to vector<16xf32>
      %slice3A_359 = vector.extract_strided_slice %get3A_290 {offsets = [1], sizes = [1], strides = [1]} : vector<16xf32> to vector<1xf32>
      %squeeze3A_360 = vector.extract %slice3A_359[0] : f32 from vector<1xf32>
      %mul3A_361 = vector.broadcast %squeeze3A_360 : f32 to vector<16xf32>
      %mul3A_362 = arith.mulf %mul3A_361, %get3A_358 : vector<16xf32>
      %add3A_363 = arith.addf %add3A_334, %mul3A_362 : vector<16xf32>
      %slice3A_364 = vector.extract_strided_slice %get3A_300 {offsets = [1], sizes = [1], strides = [1]} : vector<16xf32> to vector<1xf32>
      %squeeze3A_365 = vector.extract %slice3A_364[0] : f32 from vector<1xf32>
      %mul3A_366 = vector.broadcast %squeeze3A_365 : f32 to vector<16xf32>
      %mul3A_367 = arith.mulf %mul3A_366, %get3A_358 : vector<16xf32>
      %add3A_368 = arith.addf %add3A_339, %mul3A_367 : vector<16xf32>
      %slice3A_369 = vector.extract_strided_slice %get3A_310 {offsets = [1], sizes = [1], strides = [1]} : vector<16xf32> to vector<1xf32>
      %squeeze3A_370 = vector.extract %slice3A_369[0] : f32 from vector<1xf32>
      %mul3A_371 = vector.broadcast %squeeze3A_370 : f32 to vector<16xf32>
      %mul3A_372 = arith.mulf %mul3A_371, %get3A_358 : vector<16xf32>
      %add3A_373 = arith.addf %add3A_344, %mul3A_372 : vector<16xf32>
      %slice3A_374 = vector.extract_strided_slice %get3A_320 {offsets = [1], sizes = [1], strides = [1]} : vector<16xf32> to vector<1xf32>
      %squeeze3A_375 = vector.extract %slice3A_374[0] : f32 from vector<1xf32>
      %mul3A_376 = vector.broadcast %squeeze3A_375 : f32 to vector<16xf32>
      %mul3A_377 = arith.mulf %mul3A_376, %get3A_358 : vector<16xf32>
      %add3A_378 = arith.addf %add3A_349, %mul3A_377 : vector<16xf32>
      %mul3A_379 = arith.constant 16 : i32
      %mul3A_380 = arith.muli %scan3A_276, %mul3A_379 : i32
      %add3A_381 = arith.constant 2 : i32
      %add3A_382 = arith.addi %mul3A_380, %add3A_381 : i32
      %mul3A_383 = arith.constant 16 : i32
      %mul3A_384 = arith.muli %add3A_382, %mul3A_383 : i32
      %get3A_385 = arith.index_cast %mul3A_384 : i32 to index
      %get3A_386 = tpu.vector_load %arg8[%get3A_385] {strides = array<i32>} : memref<12288xf32, #tpu.memory_space<vmem>>, vector<16xf32>,
      %get3A_387 = vector.shape_cast %get3A_386 : vector<16xf32> to vector<16xf32>
      %slice3A_388 = vector.extract_strided_slice %get3A_290 {offsets = [2], sizes = [1], strides = [1]} : vector<16xf32> to vector<1xf32>
      %squeeze3A_389 = vector.extract %slice3A_388[0] : f32 from vector<1xf32>
      %mul3A_390 = vector.broadcast %squeeze3A_389 : f32 to vector<16xf32>
      %mul3A_391 = arith.mulf %mul3A_390, %get3A_387 : vector<16xf32>
      %add3A_392 = arith.addf %add3A_363, %mul3A_391 : vector<16xf32>
      %slice3A_393 = vector.extract_strided_slice %get3A_300 {offsets = [2], sizes = [1], strides = [1]} : vector<16xf32> to vector<1xf32>
      %squeeze3A_394 = vector.extract %slice3A_393[0] : f32 from vector<1xf32>
      %mul3A_395 = vector.broadcast %squeeze3A_394 : f32 to vector<16xf32>
      %mul3A_396 = arith.mulf %mul3A_395, %get3A_387 : vector<16xf32>
      %add3A_397 = arith.addf %add3A_368, %mul3A_396 : vector<16xf32>
      %slice3A_398 = vector.extract_strided_slice %get3A_310 {offsets = [2], sizes = [1], strides = [1]} : vector<16xf32> to vector<1xf32>
      %squeeze3A_399 = vector.extract %slice3A_398[0] : f32 from vector<1xf32>
      %mul3A_400 = vector.broadcast %squeeze3A_399 : f32 to vector<16xf32>
      %mul3A_401 = arith.mulf %mul3A_400, %get3A_387 : vector<16xf32>
      %add3A_402 = arith.addf %add3A_373, %mul3A_401 : vector<16xf32>
      %slice3A_403 = vector.extract_strided_slice %get3A_320 {offsets = [2], sizes = [1], strides = [1]} : vector<16xf32> to vector<1xf32>
      %squeeze3A_404 = vector.extract %slice3A_403[0] : f32 from vector<1xf32>
      %mul3A_405 = vector.broadcast %squeeze3A_404 : f32 to vector<16xf32>
      %mul3A_406 = arith.mulf %mul3A_405, %get3A_387 : vector<16xf32>
      %add3A_407 = arith.addf %add3A_378, %mul3A_406 : vector<16xf32>
      %mul3A_408 = arith.constant 16 : i32
      %mul3A_409 = arith.muli %scan3A_276, %mul3A_408 : i32
      %add3A_410 = arith.constant 3 : i32
      %add3A_411 = arith.addi %mul3A_409, %add3A_410 : i32
      %mul3A_412 = arith.constant 16 : i32
      %mul3A_413 = arith.muli %add3A_411, %mul3A_412 : i32
      %get3A_414 = arith.index_cast %mul3A_413 : i32 to index
      %get3A_415 = tpu.vector_load %arg8[%get3A_414] {strides = array<i32>} : memref<12288xf32, #tpu.memory_space<vmem>>, vector<16xf32>,
      %get3A_416 = vector.shape_cast %get3A_415 : vector<16xf32> to vector<16xf32>
      %slice3A_417 = vector.extract_strided_slice %get3A_290 {offsets = [3], sizes = [1], strides = [1]} : vector<16xf32> to vector<1xf32>
      %squeeze3A_418 = vector.extract %slice3A_417[0] : f32 from vector<1xf32>
      %mul3A_419 = vector.broadcast %squeeze3A_418 : f32 to vector<16xf32>
      %mul3A_420 = arith.mulf %mul3A_419, %get3A_416 : vector<16xf32>
      %add3A_421 = arith.addf %add3A_392, %mul3A_420 : vector<16xf32>
      %slice3A_422 = vector.extract_strided_slice %get3A_300 {offsets = [3], sizes = [1], strides = [1]} : vector<16xf32> to vector<1xf32>
      %squeeze3A_423 = vector.extract %slice3A_422[0] : f32 from vector<1xf32>
      %mul3A_424 = vector.broadcast %squeeze3A_423 : f32 to vector<16xf32>
      %mul3A_425 = arith.mulf %mul3A_424, %get3A_416 : vector<16xf32>
      %add3A_426 = arith.addf %add3A_397, %mul3A_425 : vector<16xf32>
      %slice3A_427 = vector.extract_strided_slice %get3A_310 {offsets = [3], sizes = [1], strides = [1]} : vector<16xf32> to vector<1xf32>
      %squeeze3A_428 = vector.extract %slice3A_427[0] : f32 from vector<1xf32>
      %mul3A_429 = vector.broadcast %squeeze3A_428 : f32 to vector<16xf32>
      %mul3A_430 = arith.mulf %mul3A_429, %get3A_416 : vector<16xf32>
      %add3A_431 = arith.addf %add3A_402, %mul3A_430 : vector<16xf32>
      %slice3A_432 = vector.extract_strided_slice %get3A_320 {offsets = [3], sizes = [1], strides = [1]} : vector<16xf32> to vector<1xf32>
      %squeeze3A_433 = vector.extract %slice3A_432[0] : f32 from vector<1xf32>
      %mul3A_434 = vector.broadcast %squeeze3A_433 : f32 to vector<16xf32>
      %mul3A_435 = arith.mulf %mul3A_434, %get3A_416 : vector<16xf32>
      %add3A_436 = arith.addf %add3A_407, %mul3A_435 : vector<16xf32>
      %mul3A_437 = arith.constant 16 : i32
      %mul3A_438 = arith.muli %scan3A_276, %mul3A_437 : i32
      %add3A_439 = arith.constant 4 : i32
      %add3A_440 = arith.addi %mul3A_438, %add3A_439 : i32
      %mul3A_441 = arith.constant 16 : i32
      %mul3A_442 = arith.muli %add3A_440, %mul3A_441 : i32
      %get3A_443 = arith.index_cast %mul3A_442 : i32 to index
      %get3A_444 = tpu.vector_load %arg8[%get3A_443] {strides = array<i32>} : memref<12288xf32, #tpu.memory_space<vmem>>, vector<16xf32>,
      %get3A_445 = vector.shape_cast %get3A_444 : vector<16xf32> to vector<16xf32>
      %slice3A_446 = vector.extract_strided_slice %get3A_290 {offsets = [4], sizes = [1], strides = [1]} : vector<16xf32> to vector<1xf32>
      %squeeze3A_447 = vector.extract %slice3A_446[0] : f32 from vector<1xf32>
      %mul3A_448 = vector.broadcast %squeeze3A_447 : f32 to vector<16xf32>
      %mul3A_449 = arith.mulf %mul3A_448, %get3A_445 : vector<16xf32>
      %add3A_450 = arith.addf %add3A_421, %mul3A_449 : vector<16xf32>
      %slice3A_451 = vector.extract_strided_slice %get3A_300 {offsets = [4], sizes = [1], strides = [1]} : vector<16xf32> to vector<1xf32>
      %squeeze3A_452 = vector.extract %slice3A_451[0] : f32 from vector<1xf32>
      %mul3A_453 = vector.broadcast %squeeze3A_452 : f32 to vector<16xf32>
      %mul3A_454 = arith.mulf %mul3A_453, %get3A_445 : vector<16xf32>
      %add3A_455 = arith.addf %add3A_426, %mul3A_454 : vector<16xf32>
      %slice3A_456 = vector.extract_strided_slice %get3A_310 {offsets = [4], sizes = [1], strides = [1]} : vector<16xf32> to vector<1xf32>
      %squeeze3A_457 = vector.extract %slice3A_456[0] : f32 from vector<1xf32>
      %mul3A_458 = vector.broadcast %squeeze3A_457 : f32 to vector<16xf32>
      %mul3A_459 = arith.mulf %mul3A_458, %get3A_445 : vector<16xf32>
      %add3A_460 = arith.addf %add3A_431, %mul3A_459 : vector<16xf32>
      %slice3A_461 = vector.extract_strided_slice %get3A_320 {offsets = [4], sizes = [1], strides = [1]} : vector<16xf32> to vector<1xf32>
      %squeeze3A_462 = vector.extract %slice3A_461[0] : f32 from vector<1xf32>
      %mul3A_463 = vector.broadcast %squeeze3A_462 : f32 to vector<16xf32>
      %mul3A_464 = arith.mulf %mul3A_463, %get3A_445 : vector<16xf32>
      %add3A_465 = arith.addf %add3A_436, %mul3A_464 : vector<16xf32>
      %mul3A_466 = arith.constant 16 : i32
      %mul3A_467 = arith.muli %scan3A_276, %mul3A_466 : i32
      %add3A_468 = arith.constant 5 : i32
      %add3A_469 = arith.addi %mul3A_467, %add3A_468 : i32
      %mul3A_470 = arith.constant 16 : i32
      %mul3A_471 = arith.muli %add3A_469, %mul3A_470 : i32
      %get3A_472 = arith.index_cast %mul3A_471 : i32 to index
      %get3A_473 = tpu.vector_load %arg8[%get3A_472] {strides = array<i32>} : memref<12288xf32, #tpu.memory_space<vmem>>, vector<16xf32>,
      %get3A_474 = vector.shape_cast %get3A_473 : vector<16xf32> to vector<16xf32>
      %slice3A_475 = vector.extract_strided_slice %get3A_290 {offsets = [5], sizes = [1], strides = [1]} : vector<16xf32> to vector<1xf32>
      %squeeze3A_476 = vector.extract %slice3A_475[0] : f32 from vector<1xf32>
      %mul3A_477 = vector.broadcast %squeeze3A_476 : f32 to vector<16xf32>
      %mul3A_478 = arith.mulf %mul3A_477, %get3A_474 : vector<16xf32>
      %add3A_479 = arith.addf %add3A_450, %mul3A_478 : vector<16xf32>
      %slice3A_480 = vector.extract_strided_slice %get3A_300 {offsets = [5], sizes = [1], strides = [1]} : vector<16xf32> to vector<1xf32>
      %squeeze3A_481 = vector.extract %slice3A_480[0] : f32 from vector<1xf32>
      %mul3A_482 = vector.broadcast %squeeze3A_481 : f32 to vector<16xf32>
      %mul3A_483 = arith.mulf %mul3A_482, %get3A_474 : vector<16xf32>
      %add3A_484 = arith.addf %add3A_455, %mul3A_483 : vector<16xf32>
      %slice3A_485 = vector.extract_strided_slice %get3A_310 {offsets = [5], sizes = [1], strides = [1]} : vector<16xf32> to vector<1xf32>
      %squeeze3A_486 = vector.extract %slice3A_485[0] : f32 from vector<1xf32>
      %mul3A_487 = vector.broadcast %squeeze3A_486 : f32 to vector<16xf32>
      %mul3A_488 = arith.mulf %mul3A_487, %get3A_474 : vector<16xf32>
      %add3A_489 = arith.addf %add3A_460, %mul3A_488 : vector<16xf32>
      %slice3A_490 = vector.extract_strided_slice %get3A_320 {offsets = [5], sizes = [1], strides = [1]} : vector<16xf32> to vector<1xf32>
      %squeeze3A_491 = vector.extract %slice3A_490[0] : f32 from vector<1xf32>
      %mul3A_492 = vector.broadcast %squeeze3A_491 : f32 to vector<16xf32>
      %mul3A_493 = arith.mulf %mul3A_492, %get3A_474 : vector<16xf32>
      %add3A_494 = arith.addf %add3A_465, %mul3A_493 : vector<16xf32>
      %mul3A_495 = arith.constant 16 : i32
      %mul3A_496 = arith.muli %scan3A_276, %mul3A_495 : i32
      %add3A_497 = arith.constant 6 : i32
      %add3A_498 = arith.addi %mul3A_496, %add3A_497 : i32
      %mul3A_499 = arith.constant 16 : i32
      %mul3A_500 = arith.muli %add3A_498, %mul3A_499 : i32
      %get3A_501 = arith.index_cast %mul3A_500 : i32 to index
      %get3A_502 = tpu.vector_load %arg8[%get3A_501] {strides = array<i32>} : memref<12288xf32, #tpu.memory_space<vmem>>, vector<16xf32>,
      %get3A_503 = vector.shape_cast %get3A_502 : vector<16xf32> to vector<16xf32>
      %slice3A_504 = vector.extract_strided_slice %get3A_290 {offsets = [6], sizes = [1], strides = [1]} : vector<16xf32> to vector<1xf32>
      %squeeze3A_505 = vector.extract %slice3A_504[0] : f32 from vector<1xf32>
      %mul3A_506 = vector.broadcast %squeeze3A_505 : f32 to vector<16xf32>
      %mul3A_507 = arith.mulf %mul3A_506, %get3A_503 : vector<16xf32>
      %add3A_508 = arith.addf %add3A_479, %mul3A_507 : vector<16xf32>
      %slice3A_509 = vector.extract_strided_slice %get3A_300 {offsets = [6], sizes = [1], strides = [1]} : vector<16xf32> to vector<1xf32>
      %squeeze3A_510 = vector.extract %slice3A_509[0] : f32 from vector<1xf32>
      %mul3A_511 = vector.broadcast %squeeze3A_510 : f32 to vector<16xf32>
      %mul3A_512 = arith.mulf %mul3A_511, %get3A_503 : vector<16xf32>
      %add3A_513 = arith.addf %add3A_484, %mul3A_512 : vector<16xf32>
      %slice3A_514 = vector.extract_strided_slice %get3A_310 {offsets = [6], sizes = [1], strides = [1]} : vector<16xf32> to vector<1xf32>
      %squeeze3A_515 = vector.extract %slice3A_514[0] : f32 from vector<1xf32>
      %mul3A_516 = vector.broadcast %squeeze3A_515 : f32 to vector<16xf32>
      %mul3A_517 = arith.mulf %mul3A_516, %get3A_503 : vector<16xf32>
      %add3A_518 = arith.addf %add3A_489, %mul3A_517 : vector<16xf32>
      %slice3A_519 = vector.extract_strided_slice %get3A_320 {offsets = [6], sizes = [1], strides = [1]} : vector<16xf32> to vector<1xf32>
      %squeeze3A_520 = vector.extract %slice3A_519[0] : f32 from vector<1xf32>
      %mul3A_521 = vector.broadcast %squeeze3A_520 : f32 to vector<16xf32>
      %mul3A_522 = arith.mulf %mul3A_521, %get3A_503 : vector<16xf32>
      %add3A_523 = arith.addf %add3A_494, %mul3A_522 : vector<16xf32>
      %mul3A_524 = arith.constant 16 : i32
      %mul3A_525 = arith.muli %scan3A_276, %mul3A_524 : i32
      %add3A_526 = arith.constant 7 : i32
      %add3A_527 = arith.addi %mul3A_525, %add3A_526 : i32
      %mul3A_528 = arith.constant 16 : i32
      %mul3A_529 = arith.muli %add3A_527, %mul3A_528 : i32
      %get3A_530 = arith.index_cast %mul3A_529 : i32 to index
      %get3A_531 = tpu.vector_load %arg8[%get3A_530] {strides = array<i32>} : memref<12288xf32, #tpu.memory_space<vmem>>, vector<16xf32>,
      %get3A_532 = vector.shape_cast %get3A_531 : vector<16xf32> to vector<16xf32>
      %slice3A_533 = vector.extract_strided_slice %get3A_290 {offsets = [7], sizes = [1], strides = [1]} : vector<16xf32> to vector<1xf32>
      %squeeze3A_534 = vector.extract %slice3A_533[0] : f32 from vector<1xf32>
      %mul3A_535 = vector.broadcast %squeeze3A_534 : f32 to vector<16xf32>
      %mul3A_536 = arith.mulf %mul3A_535, %get3A_532 : vector<16xf32>
      %add3A_537 = arith.addf %add3A_508, %mul3A_536 : vector<16xf32>
      %slice3A_538 = vector.extract_strided_slice %get3A_300 {offsets = [7], sizes = [1], strides = [1]} : vector<16xf32> to vector<1xf32>
      %squeeze3A_539 = vector.extract %slice3A_538[0] : f32 from vector<1xf32>
      %mul3A_540 = vector.broadcast %squeeze3A_539 : f32 to vector<16xf32>
      %mul3A_541 = arith.mulf %mul3A_540, %get3A_532 : vector<16xf32>
      %add3A_542 = arith.addf %add3A_513, %mul3A_541 : vector<16xf32>
      %slice3A_543 = vector.extract_strided_slice %get3A_310 {offsets = [7], sizes = [1], strides = [1]} : vector<16xf32> to vector<1xf32>
      %squeeze3A_544 = vector.extract %slice3A_543[0] : f32 from vector<1xf32>
      %mul3A_545 = vector.broadcast %squeeze3A_544 : f32 to vector<16xf32>
      %mul3A_546 = arith.mulf %mul3A_545, %get3A_532 : vector<16xf32>
      %add3A_547 = arith.addf %add3A_518, %mul3A_546 : vector<16xf32>
      %slice3A_548 = vector.extract_strided_slice %get3A_320 {offsets = [7], sizes = [1], strides = [1]} : vector<16xf32> to vector<1xf32>
      %squeeze3A_549 = vector.extract %slice3A_548[0] : f32 from vector<1xf32>
      %mul3A_550 = vector.broadcast %squeeze3A_549 : f32 to vector<16xf32>
      %mul3A_551 = arith.mulf %mul3A_550, %get3A_532 : vector<16xf32>
      %add3A_552 = arith.addf %add3A_523, %mul3A_551 : vector<16xf32>
      %mul3A_553 = arith.constant 16 : i32
      %mul3A_554 = arith.muli %scan3A_276, %mul3A_553 : i32
      %add3A_555 = arith.constant 8 : i32
      %add3A_556 = arith.addi %mul3A_554, %add3A_555 : i32
      %mul3A_557 = arith.constant 16 : i32
      %mul3A_558 = arith.muli %add3A_556, %mul3A_557 : i32
      %get3A_559 = arith.index_cast %mul3A_558 : i32 to index
      %get3A_560 = tpu.vector_load %arg8[%get3A_559] {strides = array<i32>} : memref<12288xf32, #tpu.memory_space<vmem>>, vector<16xf32>,
      %get3A_561 = vector.shape_cast %get3A_560 : vector<16xf32> to vector<16xf32>
      %slice3A_562 = vector.extract_strided_slice %get3A_290 {offsets = [8], sizes = [1], strides = [1]} : vector<16xf32> to vector<1xf32>
      %squeeze3A_563 = vector.extract %slice3A_562[0] : f32 from vector<1xf32>
      %mul3A_564 = vector.broadcast %squeeze3A_563 : f32 to vector<16xf32>
      %mul3A_565 = arith.mulf %mul3A_564, %get3A_561 : vector<16xf32>
      %add3A_566 = arith.addf %add3A_537, %mul3A_565 : vector<16xf32>
      %slice3A_567 = vector.extract_strided_slice %get3A_300 {offsets = [8], sizes = [1], strides = [1]} : vector<16xf32> to vector<1xf32>
      %squeeze3A_568 = vector.extract %slice3A_567[0] : f32 from vector<1xf32>
      %mul3A_569 = vector.broadcast %squeeze3A_568 : f32 to vector<16xf32>
      %mul3A_570 = arith.mulf %mul3A_569, %get3A_561 : vector<16xf32>
      %add3A_571 = arith.addf %add3A_542, %mul3A_570 : vector<16xf32>
      %slice3A_572 = vector.extract_strided_slice %get3A_310 {offsets = [8], sizes = [1], strides = [1]} : vector<16xf32> to vector<1xf32>
      %squeeze3A_573 = vector.extract %slice3A_572[0] : f32 from vector<1xf32>
      %mul3A_574 = vector.broadcast %squeeze3A_573 : f32 to vector<16xf32>
      %mul3A_575 = arith.mulf %mul3A_574, %get3A_561 : vector<16xf32>
      %add3A_576 = arith.addf %add3A_547, %mul3A_575 : vector<16xf32>
      %slice3A_577 = vector.extract_strided_slice %get3A_320 {offsets = [8], sizes = [1], strides = [1]} : vector<16xf32> to vector<1xf32>
      %squeeze3A_578 = vector.extract %slice3A_577[0] : f32 from vector<1xf32>
      %mul3A_579 = vector.broadcast %squeeze3A_578 : f32 to vector<16xf32>
      %mul3A_580 = arith.mulf %mul3A_579, %get3A_561 : vector<16xf32>
      %add3A_581 = arith.addf %add3A_552, %mul3A_580 : vector<16xf32>
      %mul3A_582 = arith.constant 16 : i32
      %mul3A_583 = arith.muli %scan3A_276, %mul3A_582 : i32
      %add3A_584 = arith.constant 9 : i32
      %add3A_585 = arith.addi %mul3A_583, %add3A_584 : i32
      %mul3A_586 = arith.constant 16 : i32
      %mul3A_587 = arith.muli %add3A_585, %mul3A_586 : i32
      %get3A_588 = arith.index_cast %mul3A_587 : i32 to index
      %get3A_589 = tpu.vector_load %arg8[%get3A_588] {strides = array<i32>} : memref<12288xf32, #tpu.memory_space<vmem>>, vector<16xf32>,
      %get3A_590 = vector.shape_cast %get3A_589 : vector<16xf32> to vector<16xf32>
      %slice3A_591 = vector.extract_strided_slice %get3A_290 {offsets = [9], sizes = [1], strides = [1]} : vector<16xf32> to vector<1xf32>
      %squeeze3A_592 = vector.extract %slice3A_591[0] : f32 from vector<1xf32>
      %mul3A_593 = vector.broadcast %squeeze3A_592 : f32 to vector<16xf32>
      %mul3A_594 = arith.mulf %mul3A_593, %get3A_590 : vector<16xf32>
      %add3A_595 = arith.addf %add3A_566, %mul3A_594 : vector<16xf32>
      %slice3A_596 = vector.extract_strided_slice %get3A_300 {offsets = [9], sizes = [1], strides = [1]} : vector<16xf32> to vector<1xf32>
      %squeeze3A_597 = vector.extract %slice3A_596[0] : f32 from vector<1xf32>
      %mul3A_598 = vector.broadcast %squeeze3A_597 : f32 to vector<16xf32>
      %mul3A_599 = arith.mulf %mul3A_598, %get3A_590 : vector<16xf32>
      %add3A_600 = arith.addf %add3A_571, %mul3A_599 : vector<16xf32>
      %slice3A_601 = vector.extract_strided_slice %get3A_310 {offsets = [9], sizes = [1], strides = [1]} : vector<16xf32> to vector<1xf32>
      %squeeze3A_602 = vector.extract %slice3A_601[0] : f32 from vector<1xf32>
      %mul3A_603 = vector.broadcast %squeeze3A_602 : f32 to vector<16xf32>
      %mul3A_604 = arith.mulf %mul3A_603, %get3A_590 : vector<16xf32>
      %add3A_605 = arith.addf %add3A_576, %mul3A_604 : vector<16xf32>
      %slice3A_606 = vector.extract_strided_slice %get3A_320 {offsets = [9], sizes = [1], strides = [1]} : vector<16xf32> to vector<1xf32>
      %squeeze3A_607 = vector.extract %slice3A_606[0] : f32 from vector<1xf32>
      %mul3A_608 = vector.broadcast %squeeze3A_607 : f32 to vector<16xf32>
      %mul3A_609 = arith.mulf %mul3A_608, %get3A_590 : vector<16xf32>
      %add3A_610 = arith.addf %add3A_581, %mul3A_609 : vector<16xf32>
      %mul3A_611 = arith.constant 16 : i32
      %mul3A_612 = arith.muli %scan3A_276, %mul3A_611 : i32
      %add3A_613 = arith.constant 10 : i32
      %add3A_614 = arith.addi %mul3A_612, %add3A_613 : i32
      %mul3A_615 = arith.constant 16 : i32
      %mul3A_616 = arith.muli %add3A_614, %mul3A_615 : i32
      %get3A_617 = arith.index_cast %mul3A_616 : i32 to index
      %get3A_618 = tpu.vector_load %arg8[%get3A_617] {strides = array<i32>} : memref<12288xf32, #tpu.memory_space<vmem>>, vector<16xf32>,
      %get3A_619 = vector.shape_cast %get3A_618 : vector<16xf32> to vector<16xf32>
      %slice3A_620 = vector.extract_strided_slice %get3A_290 {offsets = [10], sizes = [1], strides = [1]} : vector<16xf32> to vector<1xf32>
      %squeeze3A_621 = vector.extract %slice3A_620[0] : f32 from vector<1xf32>
      %mul3A_622 = vector.broadcast %squeeze3A_621 : f32 to vector<16xf32>
      %mul3A_623 = arith.mulf %mul3A_622, %get3A_619 : vector<16xf32>
      %add3A_624 = arith.addf %add3A_595, %mul3A_623 : vector<16xf32>
      %slice3A_625 = vector.extract_strided_slice %get3A_300 {offsets = [10], sizes = [1], strides = [1]} : vector<16xf32> to vector<1xf32>
      %squeeze3A_626 = vector.extract %slice3A_625[0] : f32 from vector<1xf32>
      %mul3A_627 = vector.broadcast %squeeze3A_626 : f32 to vector<16xf32>
      %mul3A_628 = arith.mulf %mul3A_627, %get3A_619 : vector<16xf32>
      %add3A_629 = arith.addf %add3A_600, %mul3A_628 : vector<16xf32>
      %slice3A_630 = vector.extract_strided_slice %get3A_310 {offsets = [10], sizes = [1], strides = [1]} : vector<16xf32> to vector<1xf32>
      %squeeze3A_631 = vector.extract %slice3A_630[0] : f32 from vector<1xf32>
      %mul3A_632 = vector.broadcast %squeeze3A_631 : f32 to vector<16xf32>
      %mul3A_633 = arith.mulf %mul3A_632, %get3A_619 : vector<16xf32>
      %add3A_634 = arith.addf %add3A_605, %mul3A_633 : vector<16xf32>
      %slice3A_635 = vector.extract_strided_slice %get3A_320 {offsets = [10], sizes = [1], strides = [1]} : vector<16xf32> to vector<1xf32>
      %squeeze3A_636 = vector.extract %slice3A_635[0] : f32 from vector<1xf32>
      %mul3A_637 = vector.broadcast %squeeze3A_636 : f32 to vector<16xf32>
      %mul3A_638 = arith.mulf %mul3A_637, %get3A_619 : vector<16xf32>
      %add3A_639 = arith.addf %add3A_610, %mul3A_638 : vector<16xf32>
      %mul3A_640 = arith.constant 16 : i32
      %mul3A_641 = arith.muli %scan3A_276, %mul3A_640 : i32
      %add3A_642 = arith.constant 11 : i32
      %add3A_643 = arith.addi %mul3A_641, %add3A_642 : i32
      %mul3A_644 = arith.constant 16 : i32
      %mul3A_645 = arith.muli %add3A_643, %mul3A_644 : i32
      %get3A_646 = arith.index_cast %mul3A_645 : i32 to index
      %get3A_647 = tpu.vector_load %arg8[%get3A_646] {strides = array<i32>} : memref<12288xf32, #tpu.memory_space<vmem>>, vector<16xf32>,
      %get3A_648 = vector.shape_cast %get3A_647 : vector<16xf32> to vector<16xf32>
      %slice3A_649 = vector.extract_strided_slice %get3A_290 {offsets = [11], sizes = [1], strides = [1]} : vector<16xf32> to vector<1xf32>
      %squeeze3A_650 = vector.extract %slice3A_649[0] : f32 from vector<1xf32>
      %mul3A_651 = vector.broadcast %squeeze3A_650 : f32 to vector<16xf32>
      %mul3A_652 = arith.mulf %mul3A_651, %get3A_648 : vector<16xf32>
      %add3A_653 = arith.addf %add3A_624, %mul3A_652 : vector<16xf32>
      %slice3A_654 = vector.extract_strided_slice %get3A_300 {offsets = [11], sizes = [1], strides = [1]} : vector<16xf32> to vector<1xf32>
      %squeeze3A_655 = vector.extract %slice3A_654[0] : f32 from vector<1xf32>
      %mul3A_656 = vector.broadcast %squeeze3A_655 : f32 to vector<16xf32>
      %mul3A_657 = arith.mulf %mul3A_656, %get3A_648 : vector<16xf32>
      %add3A_658 = arith.addf %add3A_629, %mul3A_657 : vector<16xf32>
      %slice3A_659 = vector.extract_strided_slice %get3A_310 {offsets = [11], sizes = [1], strides = [1]} : vector<16xf32> to vector<1xf32>
      %squeeze3A_660 = vector.extract %slice3A_659[0] : f32 from vector<1xf32>
      %mul3A_661 = vector.broadcast %squeeze3A_660 : f32 to vector<16xf32>
      %mul3A_662 = arith.mulf %mul3A_661, %get3A_648 : vector<16xf32>
      %add3A_663 = arith.addf %add3A_634, %mul3A_662 : vector<16xf32>
      %slice3A_664 = vector.extract_strided_slice %get3A_320 {offsets = [11], sizes = [1], strides = [1]} : vector<16xf32> to vector<1xf32>
      %squeeze3A_665 = vector.extract %slice3A_664[0] : f32 from vector<1xf32>
      %mul3A_666 = vector.broadcast %squeeze3A_665 : f32 to vector<16xf32>
      %mul3A_667 = arith.mulf %mul3A_666, %get3A_648 : vector<16xf32>
      %add3A_668 = arith.addf %add3A_639, %mul3A_667 : vector<16xf32>
      %mul3A_669 = arith.constant 16 : i32
      %mul3A_670 = arith.muli %scan3A_276, %mul3A_669 : i32
      %add3A_671 = arith.constant 12 : i32
      %add3A_672 = arith.addi %mul3A_670, %add3A_671 : i32
      %mul3A_673 = arith.constant 16 : i32
      %mul3A_674 = arith.muli %add3A_672, %mul3A_673 : i32
      %get3A_675 = arith.index_cast %mul3A_674 : i32 to index
      %get3A_676 = tpu.vector_load %arg8[%get3A_675] {strides = array<i32>} : memref<12288xf32, #tpu.memory_space<vmem>>, vector<16xf32>,
      %get3A_677 = vector.shape_cast %get3A_676 : vector<16xf32> to vector<16xf32>
      %slice3A_678 = vector.extract_strided_slice %get3A_290 {offsets = [12], sizes = [1], strides = [1]} : vector<16xf32> to vector<1xf32>
      %squeeze3A_679 = vector.extract %slice3A_678[0] : f32 from vector<1xf32>
      %mul3A_680 = vector.broadcast %squeeze3A_679 : f32 to vector<16xf32>
      %mul3A_681 = arith.mulf %mul3A_680, %get3A_677 : vector<16xf32>
      %add3A_682 = arith.addf %add3A_653, %mul3A_681 : vector<16xf32>
      %slice3A_683 = vector.extract_strided_slice %get3A_300 {offsets = [12], sizes = [1], strides = [1]} : vector<16xf32> to vector<1xf32>
      %squeeze3A_684 = vector.extract %slice3A_683[0] : f32 from vector<1xf32>
      %mul3A_685 = vector.broadcast %squeeze3A_684 : f32 to vector<16xf32>
      %mul3A_686 = arith.mulf %mul3A_685, %get3A_677 : vector<16xf32>
      %add3A_687 = arith.addf %add3A_658, %mul3A_686 : vector<16xf32>
      %slice3A_688 = vector.extract_strided_slice %get3A_310 {offsets = [12], sizes = [1], strides = [1]} : vector<16xf32> to vector<1xf32>
      %squeeze3A_689 = vector.extract %slice3A_688[0] : f32 from vector<1xf32>
      %mul3A_690 = vector.broadcast %squeeze3A_689 : f32 to vector<16xf32>
      %mul3A_691 = arith.mulf %mul3A_690, %get3A_677 : vector<16xf32>
      %add3A_692 = arith.addf %add3A_663, %mul3A_691 : vector<16xf32>
      %slice3A_693 = vector.extract_strided_slice %get3A_320 {offsets = [12], sizes = [1], strides = [1]} : vector<16xf32> to vector<1xf32>
      %squeeze3A_694 = vector.extract %slice3A_693[0] : f32 from vector<1xf32>
      %mul3A_695 = vector.broadcast %squeeze3A_694 : f32 to vector<16xf32>
      %mul3A_696 = arith.mulf %mul3A_695, %get3A_677 : vector<16xf32>
      %add3A_697 = arith.addf %add3A_668, %mul3A_696 : vector<16xf32>
      %mul3A_698 = arith.constant 16 : i32
      %mul3A_699 = arith.muli %scan3A_276, %mul3A_698 : i32
      %add3A_700 = arith.constant 13 : i32
      %add3A_701 = arith.addi %mul3A_699, %add3A_700 : i32
      %mul3A_702 = arith.constant 16 : i32
      %mul3A_703 = arith.muli %add3A_701, %mul3A_702 : i32
      %get3A_704 = arith.index_cast %mul3A_703 : i32 to index
      %get3A_705 = tpu.vector_load %arg8[%get3A_704] {strides = array<i32>} : memref<12288xf32, #tpu.memory_space<vmem>>, vector<16xf32>,
      %get3A_706 = vector.shape_cast %get3A_705 : vector<16xf32> to vector<16xf32>
      %slice3A_707 = vector.extract_strided_slice %get3A_290 {offsets = [13], sizes = [1], strides = [1]} : vector<16xf32> to vector<1xf32>
      %squeeze3A_708 = vector.extract %slice3A_707[0] : f32 from vector<1xf32>
      %mul3A_709 = vector.broadcast %squeeze3A_708 : f32 to vector<16xf32>
      %mul3A_710 = arith.mulf %mul3A_709, %get3A_706 : vector<16xf32>
      %add3A_711 = arith.addf %add3A_682, %mul3A_710 : vector<16xf32>
      %slice3A_712 = vector.extract_strided_slice %get3A_300 {offsets = [13], sizes = [1], strides = [1]} : vector<16xf32> to vector<1xf32>
      %squeeze3A_713 = vector.extract %slice3A_712[0] : f32 from vector<1xf32>
      %mul3A_714 = vector.broadcast %squeeze3A_713 : f32 to vector<16xf32>
      %mul3A_715 = arith.mulf %mul3A_714, %get3A_706 : vector<16xf32>
      %add3A_716 = arith.addf %add3A_687, %mul3A_715 : vector<16xf32>
      %slice3A_717 = vector.extract_strided_slice %get3A_310 {offsets = [13], sizes = [1], strides = [1]} : vector<16xf32> to vector<1xf32>
      %squeeze3A_718 = vector.extract %slice3A_717[0] : f32 from vector<1xf32>
      %mul3A_719 = vector.broadcast %squeeze3A_718 : f32 to vector<16xf32>
      %mul3A_720 = arith.mulf %mul3A_719, %get3A_706 : vector<16xf32>
      %add3A_721 = arith.addf %add3A_692, %mul3A_720 : vector<16xf32>
      %slice3A_722 = vector.extract_strided_slice %get3A_320 {offsets = [13], sizes = [1], strides = [1]} : vector<16xf32> to vector<1xf32>
      %squeeze3A_723 = vector.extract %slice3A_722[0] : f32 from vector<1xf32>
      %mul3A_724 = vector.broadcast %squeeze3A_723 : f32 to vector<16xf32>
      %mul3A_725 = arith.mulf %mul3A_724, %get3A_706 : vector<16xf32>
      %add3A_726 = arith.addf %add3A_697, %mul3A_725 : vector<16xf32>
      %mul3A_727 = arith.constant 16 : i32
      %mul3A_728 = arith.muli %scan3A_276, %mul3A_727 : i32
      %add3A_729 = arith.constant 14 : i32
      %add3A_730 = arith.addi %mul3A_728, %add3A_729 : i32
      %mul3A_731 = arith.constant 16 : i32
      %mul3A_732 = arith.muli %add3A_730, %mul3A_731 : i32
      %get3A_733 = arith.index_cast %mul3A_732 : i32 to index
      %get3A_734 = tpu.vector_load %arg8[%get3A_733] {strides = array<i32>} : memref<12288xf32, #tpu.memory_space<vmem>>, vector<16xf32>,
      %get3A_735 = vector.shape_cast %get3A_734 : vector<16xf32> to vector<16xf32>
      %slice3A_736 = vector.extract_strided_slice %get3A_290 {offsets = [14], sizes = [1], strides = [1]} : vector<16xf32> to vector<1xf32>
      %squeeze3A_737 = vector.extract %slice3A_736[0] : f32 from vector<1xf32>
      %mul3A_738 = vector.broadcast %squeeze3A_737 : f32 to vector<16xf32>
      %mul3A_739 = arith.mulf %mul3A_738, %get3A_735 : vector<16xf32>
      %add3A_740 = arith.addf %add3A_711, %mul3A_739 : vector<16xf32>
      %slice3A_741 = vector.extract_strided_slice %get3A_300 {offsets = [14], sizes = [1], strides = [1]} : vector<16xf32> to vector<1xf32>
      %squeeze3A_742 = vector.extract %slice3A_741[0] : f32 from vector<1xf32>
      %mul3A_743 = vector.broadcast %squeeze3A_742 : f32 to vector<16xf32>
      %mul3A_744 = arith.mulf %mul3A_743, %get3A_735 : vector<16xf32>
      %add3A_745 = arith.addf %add3A_716, %mul3A_744 : vector<16xf32>
      %slice3A_746 = vector.extract_strided_slice %get3A_310 {offsets = [14], sizes = [1], strides = [1]} : vector<16xf32> to vector<1xf32>
      %squeeze3A_747 = vector.extract %slice3A_746[0] : f32 from vector<1xf32>
      %mul3A_748 = vector.broadcast %squeeze3A_747 : f32 to vector<16xf32>
      %mul3A_749 = arith.mulf %mul3A_748, %get3A_735 : vector<16xf32>
      %add3A_750 = arith.addf %add3A_721, %mul3A_749 : vector<16xf32>
      %slice3A_751 = vector.extract_strided_slice %get3A_320 {offsets = [14], sizes = [1], strides = [1]} : vector<16xf32> to vector<1xf32>
      %squeeze3A_752 = vector.extract %slice3A_751[0] : f32 from vector<1xf32>
      %mul3A_753 = vector.broadcast %squeeze3A_752 : f32 to vector<16xf32>
      %mul3A_754 = arith.mulf %mul3A_753, %get3A_735 : vector<16xf32>
      %add3A_755 = arith.addf %add3A_726, %mul3A_754 : vector<16xf32>
      %mul3A_756 = arith.constant 16 : i32
      %mul3A_757 = arith.muli %scan3A_276, %mul3A_756 : i32
      %add3A_758 = arith.constant 15 : i32
      %add3A_759 = arith.addi %mul3A_757, %add3A_758 : i32
      %mul3A_760 = arith.constant 16 : i32
      %mul3A_761 = arith.muli %add3A_759, %mul3A_760 : i32
      %get3A_762 = arith.index_cast %mul3A_761 : i32 to index
      %get3A_763 = tpu.vector_load %arg8[%get3A_762] {strides = array<i32>} : memref<12288xf32, #tpu.memory_space<vmem>>, vector<16xf32>,
      %get3A_764 = vector.shape_cast %get3A_763 : vector<16xf32> to vector<16xf32>
      %slice3A_765 = vector.extract_strided_slice %get3A_290 {offsets = [15], sizes = [1], strides = [1]} : vector<16xf32> to vector<1xf32>
      %squeeze3A_766 = vector.extract %slice3A_765[0] : f32 from vector<1xf32>
      %mul3A_767 = vector.broadcast %squeeze3A_766 : f32 to vector<16xf32>
      %mul3A_768 = arith.mulf %mul3A_767, %get3A_764 : vector<16xf32>
      %add3A_769 = arith.addf %add3A_740, %mul3A_768 : vector<16xf32>
      %slice3A_770 = vector.extract_strided_slice %get3A_300 {offsets = [15], sizes = [1], strides = [1]} : vector<16xf32> to vector<1xf32>
      %squeeze3A_771 = vector.extract %slice3A_770[0] : f32 from vector<1xf32>
      %mul3A_772 = vector.broadcast %squeeze3A_771 : f32 to vector<16xf32>
      %mul3A_773 = arith.mulf %mul3A_772, %get3A_764 : vector<16xf32>
      %add3A_774 = arith.addf %add3A_745, %mul3A_773 : vector<16xf32>
      %slice3A_775 = vector.extract_strided_slice %get3A_310 {offsets = [15], sizes = [1], strides = [1]} : vector<16xf32> to vector<1xf32>
      %squeeze3A_776 = vector.extract %slice3A_775[0] : f32 from vector<1xf32>
      %mul3A_777 = vector.broadcast %squeeze3A_776 : f32 to vector<16xf32>
      %mul3A_778 = arith.mulf %mul3A_777, %get3A_764 : vector<16xf32>
      %add3A_779 = arith.addf %add3A_750, %mul3A_778 : vector<16xf32>
      %slice3A_780 = vector.extract_strided_slice %get3A_320 {offsets = [15], sizes = [1], strides = [1]} : vector<16xf32> to vector<1xf32>
      %squeeze3A_781 = vector.extract %slice3A_780[0] : f32 from vector<1xf32>
      %mul3A_782 = vector.broadcast %squeeze3A_781 : f32 to vector<16xf32>
      %mul3A_783 = arith.mulf %mul3A_782, %get3A_764 : vector<16xf32>
      %add3A_784 = arith.addf %add3A_755, %mul3A_783 : vector<16xf32>
      scf.yield %add3A_769, %add3A_774, %add3A_779, %add3A_784 : vector<16xf32>, vector<16xf32>, vector<16xf32>, vector<16xf32>
    }
    %scan3A_151 = arith.constant 48 : i32
    %add3A_152 = arith.addf %scan3A_150#0, %get3A_8 : vector<16xf32>
    %slice3A_153 = vector.extract_strided_slice %get3A_18 {offsets = [8], sizes = [1], strides = [1]} : vector<16xf32> to vector<1xf32>
    %squeeze3A_154 = vector.extract %slice3A_153[0] : f32 from vector<1xf32>
    %mul3A_155 = vector.broadcast %squeeze3A_154 : f32 to vector<16xf32>
    %mul3A_156 = arith.mulf %mul3A_155, %get3A_11 : vector<16xf32>
    %add3A_157 = arith.addf %add3A_152, %mul3A_156 : vector<16xf32>
    %add3A_158 = arith.constant 0 : i32
    %add3A_159 = arith.addi %add3A_145, %add3A_158 : i32
    %mul3A_160 = arith.constant 16 : i32
    %mul3A_161 = arith.muli %add3A_159, %mul3A_160 : i32
    %swap3A_162 = arith.index_cast %mul3A_161 : i32 to index
    %swap3A_163 = tpu.vector_load %arg11[%swap3A_162] {strides = array<i32>} : memref<256xf32, #tpu.memory_space<vmem>>, vector<16xf32>,
    %swap3A_164 = vector.shape_cast %swap3A_163 : vector<16xf32> to vector<16xf32>
    %swap3A_165 = vector.shape_cast %add3A_157 : vector<16xf32> to vector<16xf32>
    tpu.vector_store %arg11[%swap3A_162], %swap3A_165 {strides = array<i32>} : memref<256xf32, #tpu.memory_space<vmem>>, vector<16xf32>,
    %add3A_166 = arith.addf %scan3A_150#1, %get3A_8 : vector<16xf32>
    %slice3A_167 = vector.extract_strided_slice %get3A_18 {offsets = [9], sizes = [1], strides = [1]} : vector<16xf32> to vector<1xf32>
    %squeeze3A_168 = vector.extract %slice3A_167[0] : f32 from vector<1xf32>
    %mul3A_169 = vector.broadcast %squeeze3A_168 : f32 to vector<16xf32>
    %mul3A_170 = arith.mulf %mul3A_169, %get3A_11 : vector<16xf32>
    %add3A_171 = arith.addf %add3A_166, %mul3A_170 : vector<16xf32>
    %add3A_172 = arith.constant 1 : i32
    %add3A_173 = arith.addi %add3A_145, %add3A_172 : i32
    %mul3A_174 = arith.constant 16 : i32
    %mul3A_175 = arith.muli %add3A_173, %mul3A_174 : i32
    %swap3A_176 = arith.index_cast %mul3A_175 : i32 to index
    %swap3A_177 = tpu.vector_load %arg11[%swap3A_176] {strides = array<i32>} : memref<256xf32, #tpu.memory_space<vmem>>, vector<16xf32>,
    %swap3A_178 = vector.shape_cast %swap3A_177 : vector<16xf32> to vector<16xf32>
    %swap3A_179 = vector.shape_cast %add3A_171 : vector<16xf32> to vector<16xf32>
    tpu.vector_store %arg11[%swap3A_176], %swap3A_179 {strides = array<i32>} : memref<256xf32, #tpu.memory_space<vmem>>, vector<16xf32>,
    %add3A_180 = arith.addf %scan3A_150#2, %get3A_8 : vector<16xf32>
    %slice3A_181 = vector.extract_strided_slice %get3A_18 {offsets = [10], sizes = [1], strides = [1]} : vector<16xf32> to vector<1xf32>
    %squeeze3A_182 = vector.extract %slice3A_181[0] : f32 from vector<1xf32>
    %mul3A_183 = vector.broadcast %squeeze3A_182 : f32 to vector<16xf32>
    %mul3A_184 = arith.mulf %mul3A_183, %get3A_11 : vector<16xf32>
    %add3A_185 = arith.addf %add3A_180, %mul3A_184 : vector<16xf32>
    %add3A_186 = arith.constant 2 : i32
    %add3A_187 = arith.addi %add3A_145, %add3A_186 : i32
    %mul3A_188 = arith.constant 16 : i32
    %mul3A_189 = arith.muli %add3A_187, %mul3A_188 : i32
    %swap3A_190 = arith.index_cast %mul3A_189 : i32 to index
    %swap3A_191 = tpu.vector_load %arg11[%swap3A_190] {strides = array<i32>} : memref<256xf32, #tpu.memory_space<vmem>>, vector<16xf32>,
    %swap3A_192 = vector.shape_cast %swap3A_191 : vector<16xf32> to vector<16xf32>
    %swap3A_193 = vector.shape_cast %add3A_185 : vector<16xf32> to vector<16xf32>
    tpu.vector_store %arg11[%swap3A_190], %swap3A_193 {strides = array<i32>} : memref<256xf32, #tpu.memory_space<vmem>>, vector<16xf32>,
    %add3A_194 = arith.addf %scan3A_150#3, %get3A_8 : vector<16xf32>
    %slice3A_195 = vector.extract_strided_slice %get3A_18 {offsets = [11], sizes = [1], strides = [1]} : vector<16xf32> to vector<1xf32>
    %squeeze3A_196 = vector.extract %slice3A_195[0] : f32 from vector<1xf32>
    %mul3A_197 = vector.broadcast %squeeze3A_196 : f32 to vector<16xf32>
    %mul3A_198 = arith.mulf %mul3A_197, %get3A_11 : vector<16xf32>
    %add3A_199 = arith.addf %add3A_194, %mul3A_198 : vector<16xf32>
    %add3A_200 = arith.constant 3 : i32
    %add3A_201 = arith.addi %add3A_145, %add3A_200 : i32
    %mul3A_202 = arith.constant 16 : i32
    %mul3A_203 = arith.muli %add3A_201, %mul3A_202 : i32
    %swap3A_204 = arith.index_cast %mul3A_203 : i32 to index
    %swap3A_205 = tpu.vector_load %arg11[%swap3A_204] {strides = array<i32>} : memref<256xf32, #tpu.memory_space<vmem>>, vector<16xf32>,
    %swap3A_206 = vector.shape_cast %swap3A_205 : vector<16xf32> to vector<16xf32>
    %swap3A_207 = vector.shape_cast %add3A_199 : vector<16xf32> to vector<16xf32>
    tpu.vector_store %arg11[%swap3A_204], %swap3A_207 {strides = array<i32>} : memref<256xf32, #tpu.memory_space<vmem>>, vector<16xf32>,
    %add3A_208 = arith.constant 12 : i32
    %add3A_209 = arith.addi %mul3A_15, %add3A_208 : i32
    %scan3A_210 = arith.constant 0 : i32
    %scan3A_211 = arith.constant 48 : i32
    %scan3A_212 = arith.addi %scan3A_210, %scan3A_211 : i32
    %scan3A_213 = arith.constant 1 : i32
    %scan3A_214:4 = scf.for %scan3A_276 = %scan3A_210 to %scan3A_212 step %scan3A_213 iter_args(%scan3A_277 = %broadcast_in_dim3A_12, %scan3A_278 = %broadcast_in_dim3A_12, %scan3A_279 = %broadcast_in_dim3A_12, %scan3A_280 = %broadcast_in_dim3A_12) -> (vector<16xf32>, vector<16xf32>, vector<16xf32>, vector<16xf32>)  : i32 {
      %add3A_281 = arith.constant 0 : i32
      %add3A_282 = arith.addi %add3A_209, %add3A_281 : i32
      %mul3A_283 = arith.constant 768 : i32
      %mul3A_284 = arith.muli %add3A_282, %mul3A_283 : i32
      %mul3A_285 = arith.constant 16 : i32
      %mul3A_286 = arith.muli %scan3A_276, %mul3A_285 : i32
      %add3A_287 = arith.addi %mul3A_284, %mul3A_286 : i32
      %get3A_288 = arith.index_cast %add3A_287 : i32 to index
      %get3A_289 = tpu.vector_load %arg7[%get3A_288] {strides = array<i32>} : memref<12288xf32, #tpu.memory_space<vmem>>, vector<16xf32>,
      %get3A_290 = vector.shape_cast %get3A_289 : vector<16xf32> to vector<16xf32>
      %add3A_291 = arith.constant 1 : i32
      %add3A_292 = arith.addi %add3A_209, %add3A_291 : i32
      %mul3A_293 = arith.constant 768 : i32
      %mul3A_294 = arith.muli %add3A_292, %mul3A_293 : i32
      %mul3A_295 = arith.constant 16 : i32
      %mul3A_296 = arith.muli %scan3A_276, %mul3A_295 : i32
      %add3A_297 = arith.addi %mul3A_294, %mul3A_296 : i32
      %get3A_298 = arith.index_cast %add3A_297 : i32 to index
      %get3A_299 = tpu.vector_load %arg7[%get3A_298] {strides = array<i32>} : memref<12288xf32, #tpu.memory_space<vmem>>, vector<16xf32>,
      %get3A_300 = vector.shape_cast %get3A_299 : vector<16xf32> to vector<16xf32>
      %add3A_301 = arith.constant 2 : i32
      %add3A_302 = arith.addi %add3A_209, %add3A_301 : i32
      %mul3A_303 = arith.constant 768 : i32
      %mul3A_304 = arith.muli %add3A_302, %mul3A_303 : i32
      %mul3A_305 = arith.constant 16 : i32
      %mul3A_306 = arith.muli %scan3A_276, %mul3A_305 : i32
      %add3A_307 = arith.addi %mul3A_304, %mul3A_306 : i32
      %get3A_308 = arith.index_cast %add3A_307 : i32 to index
      %get3A_309 = tpu.vector_load %arg7[%get3A_308] {strides = array<i32>} : memref<12288xf32, #tpu.memory_space<vmem>>, vector<16xf32>,
      %get3A_310 = vector.shape_cast %get3A_309 : vector<16xf32> to vector<16xf32>
      %add3A_311 = arith.constant 3 : i32
      %add3A_312 = arith.addi %add3A_209, %add3A_311 : i32
      %mul3A_313 = arith.constant 768 : i32
      %mul3A_314 = arith.muli %add3A_312, %mul3A_313 : i32
      %mul3A_315 = arith.constant 16 : i32
      %mul3A_316 = arith.muli %scan3A_276, %mul3A_315 : i32
      %add3A_317 = arith.addi %mul3A_314, %mul3A_316 : i32
      %get3A_318 = arith.index_cast %add3A_317 : i32 to index
      %get3A_319 = tpu.vector_load %arg7[%get3A_318] {strides = array<i32>} : memref<12288xf32, #tpu.memory_space<vmem>>, vector<16xf32>,
      %get3A_320 = vector.shape_cast %get3A_319 : vector<16xf32> to vector<16xf32>
      %mul3A_321 = arith.constant 16 : i32
      %mul3A_322 = arith.muli %scan3A_276, %mul3A_321 : i32
      %add3A_323 = arith.constant 0 : i32
      %add3A_324 = arith.addi %mul3A_322, %add3A_323 : i32
      %mul3A_325 = arith.constant 16 : i32
      %mul3A_326 = arith.muli %add3A_324, %mul3A_325 : i32
      %get3A_327 = arith.index_cast %mul3A_326 : i32 to index
      %get3A_328 = tpu.vector_load %arg8[%get3A_327] {strides = array<i32>} : memref<12288xf32, #tpu.memory_space<vmem>>, vector<16xf32>,
      %get3A_329 = vector.shape_cast %get3A_328 : vector<16xf32> to vector<16xf32>
      %slice3A_330 = vector.extract_strided_slice %get3A_290 {offsets = [0], sizes = [1], strides = [1]} : vector<16xf32> to vector<1xf32>
      %squeeze3A_331 = vector.extract %slice3A_330[0] : f32 from vector<1xf32>
      %mul3A_332 = vector.broadcast %squeeze3A_331 : f32 to vector<16xf32>
      %mul3A_333 = arith.mulf %mul3A_332, %get3A_329 : vector<16xf32>
      %add3A_334 = arith.addf %scan3A_277, %mul3A_333 : vector<16xf32>
      %slice3A_335 = vector.extract_strided_slice %get3A_300 {offsets = [0], sizes = [1], strides = [1]} : vector<16xf32> to vector<1xf32>
      %squeeze3A_336 = vector.extract %slice3A_335[0] : f32 from vector<1xf32>
      %mul3A_337 = vector.broadcast %squeeze3A_336 : f32 to vector<16xf32>
      %mul3A_338 = arith.mulf %mul3A_337, %get3A_329 : vector<16xf32>
      %add3A_339 = arith.addf %scan3A_278, %mul3A_338 : vector<16xf32>
      %slice3A_340 = vector.extract_strided_slice %get3A_310 {offsets = [0], sizes = [1], strides = [1]} : vector<16xf32> to vector<1xf32>
      %squeeze3A_341 = vector.extract %slice3A_340[0] : f32 from vector<1xf32>
      %mul3A_342 = vector.broadcast %squeeze3A_341 : f32 to vector<16xf32>
      %mul3A_343 = arith.mulf %mul3A_342, %get3A_329 : vector<16xf32>
      %add3A_344 = arith.addf %scan3A_279, %mul3A_343 : vector<16xf32>
      %slice3A_345 = vector.extract_strided_slice %get3A_320 {offsets = [0], sizes = [1], strides = [1]} : vector<16xf32> to vector<1xf32>
      %squeeze3A_346 = vector.extract %slice3A_345[0] : f32 from vector<1xf32>
      %mul3A_347 = vector.broadcast %squeeze3A_346 : f32 to vector<16xf32>
      %mul3A_348 = arith.mulf %mul3A_347, %get3A_329 : vector<16xf32>
      %add3A_349 = arith.addf %scan3A_280, %mul3A_348 : vector<16xf32>
      %mul3A_350 = arith.constant 16 : i32
      %mul3A_351 = arith.muli %scan3A_276, %mul3A_350 : i32
      %add3A_352 = arith.constant 1 : i32
      %add3A_353 = arith.addi %mul3A_351, %add3A_352 : i32
      %mul3A_354 = arith.constant 16 : i32
      %mul3A_355 = arith.muli %add3A_353, %mul3A_354 : i32
      %get3A_356 = arith.index_cast %mul3A_355 : i32 to index
      %get3A_357 = tpu.vector_load %arg8[%get3A_356] {strides = array<i32>} : memref<12288xf32, #tpu.memory_space<vmem>>, vector<16xf32>,
      %get3A_358 = vector.shape_cast %get3A_357 : vector<16xf32> to vector<16xf32>
      %slice3A_359 = vector.extract_strided_slice %get3A_290 {offsets = [1], sizes = [1], strides = [1]} : vector<16xf32> to vector<1xf32>
      %squeeze3A_360 = vector.extract %slice3A_359[0] : f32 from vector<1xf32>
      %mul3A_361 = vector.broadcast %squeeze3A_360 : f32 to vector<16xf32>
      %mul3A_362 = arith.mulf %mul3A_361, %get3A_358 : vector<16xf32>
      %add3A_363 = arith.addf %add3A_334, %mul3A_362 : vector<16xf32>
      %slice3A_364 = vector.extract_strided_slice %get3A_300 {offsets = [1], sizes = [1], strides = [1]} : vector<16xf32> to vector<1xf32>
      %squeeze3A_365 = vector.extract %slice3A_364[0] : f32 from vector<1xf32>
      %mul3A_366 = vector.broadcast %squeeze3A_365 : f32 to vector<16xf32>
      %mul3A_367 = arith.mulf %mul3A_366, %get3A_358 : vector<16xf32>
      %add3A_368 = arith.addf %add3A_339, %mul3A_367 : vector<16xf32>
      %slice3A_369 = vector.extract_strided_slice %get3A_310 {offsets = [1], sizes = [1], strides = [1]} : vector<16xf32> to vector<1xf32>
      %squeeze3A_370 = vector.extract %slice3A_369[0] : f32 from vector<1xf32>
      %mul3A_371 = vector.broadcast %squeeze3A_370 : f32 to vector<16xf32>
      %mul3A_372 = arith.mulf %mul3A_371, %get3A_358 : vector<16xf32>
      %add3A_373 = arith.addf %add3A_344, %mul3A_372 : vector<16xf32>
      %slice3A_374 = vector.extract_strided_slice %get3A_320 {offsets = [1], sizes = [1], strides = [1]} : vector<16xf32> to vector<1xf32>
      %squeeze3A_375 = vector.extract %slice3A_374[0] : f32 from vector<1xf32>
      %mul3A_376 = vector.broadcast %squeeze3A_375 : f32 to vector<16xf32>
      %mul3A_377 = arith.mulf %mul3A_376, %get3A_358 : vector<16xf32>
      %add3A_378 = arith.addf %add3A_349, %mul3A_377 : vector<16xf32>
      %mul3A_379 = arith.constant 16 : i32
      %mul3A_380 = arith.muli %scan3A_276, %mul3A_379 : i32
      %add3A_381 = arith.constant 2 : i32
      %add3A_382 = arith.addi %mul3A_380, %add3A_381 : i32
      %mul3A_383 = arith.constant 16 : i32
      %mul3A_384 = arith.muli %add3A_382, %mul3A_383 : i32
      %get3A_385 = arith.index_cast %mul3A_384 : i32 to index
      %get3A_386 = tpu.vector_load %arg8[%get3A_385] {strides = array<i32>} : memref<12288xf32, #tpu.memory_space<vmem>>, vector<16xf32>,
      %get3A_387 = vector.shape_cast %get3A_386 : vector<16xf32> to vector<16xf32>
      %slice3A_388 = vector.extract_strided_slice %get3A_290 {offsets = [2], sizes = [1], strides = [1]} : vector<16xf32> to vector<1xf32>
      %squeeze3A_389 = vector.extract %slice3A_388[0] : f32 from vector<1xf32>
      %mul3A_390 = vector.broadcast %squeeze3A_389 : f32 to vector<16xf32>
      %mul3A_391 = arith.mulf %mul3A_390, %get3A_387 : vector<16xf32>
      %add3A_392 = arith.addf %add3A_363, %mul3A_391 : vector<16xf32>
      %slice3A_393 = vector.extract_strided_slice %get3A_300 {offsets = [2], sizes = [1], strides = [1]} : vector<16xf32> to vector<1xf32>
      %squeeze3A_394 = vector.extract %slice3A_393[0] : f32 from vector<1xf32>
      %mul3A_395 = vector.broadcast %squeeze3A_394 : f32 to vector<16xf32>
      %mul3A_396 = arith.mulf %mul3A_395, %get3A_387 : vector<16xf32>
      %add3A_397 = arith.addf %add3A_368, %mul3A_396 : vector<16xf32>
      %slice3A_398 = vector.extract_strided_slice %get3A_310 {offsets = [2], sizes = [1], strides = [1]} : vector<16xf32> to vector<1xf32>
      %squeeze3A_399 = vector.extract %slice3A_398[0] : f32 from vector<1xf32>
      %mul3A_400 = vector.broadcast %squeeze3A_399 : f32 to vector<16xf32>
      %mul3A_401 = arith.mulf %mul3A_400, %get3A_387 : vector<16xf32>
      %add3A_402 = arith.addf %add3A_373, %mul3A_401 : vector<16xf32>
      %slice3A_403 = vector.extract_strided_slice %get3A_320 {offsets = [2], sizes = [1], strides = [1]} : vector<16xf32> to vector<1xf32>
      %squeeze3A_404 = vector.extract %slice3A_403[0] : f32 from vector<1xf32>
      %mul3A_405 = vector.broadcast %squeeze3A_404 : f32 to vector<16xf32>
      %mul3A_406 = arith.mulf %mul3A_405, %get3A_387 : vector<16xf32>
      %add3A_407 = arith.addf %add3A_378, %mul3A_406 : vector<16xf32>
      %mul3A_408 = arith.constant 16 : i32
      %mul3A_409 = arith.muli %scan3A_276, %mul3A_408 : i32
      %add3A_410 = arith.constant 3 : i32
      %add3A_411 = arith.addi %mul3A_409, %add3A_410 : i32
      %mul3A_412 = arith.constant 16 : i32
      %mul3A_413 = arith.muli %add3A_411, %mul3A_412 : i32
      %get3A_414 = arith.index_cast %mul3A_413 : i32 to index
      %get3A_415 = tpu.vector_load %arg8[%get3A_414] {strides = array<i32>} : memref<12288xf32, #tpu.memory_space<vmem>>, vector<16xf32>,
      %get3A_416 = vector.shape_cast %get3A_415 : vector<16xf32> to vector<16xf32>
      %slice3A_417 = vector.extract_strided_slice %get3A_290 {offsets = [3], sizes = [1], strides = [1]} : vector<16xf32> to vector<1xf32>
      %squeeze3A_418 = vector.extract %slice3A_417[0] : f32 from vector<1xf32>
      %mul3A_419 = vector.broadcast %squeeze3A_418 : f32 to vector<16xf32>
      %mul3A_420 = arith.mulf %mul3A_419, %get3A_416 : vector<16xf32>
      %add3A_421 = arith.addf %add3A_392, %mul3A_420 : vector<16xf32>
      %slice3A_422 = vector.extract_strided_slice %get3A_300 {offsets = [3], sizes = [1], strides = [1]} : vector<16xf32> to vector<1xf32>
      %squeeze3A_423 = vector.extract %slice3A_422[0] : f32 from vector<1xf32>
      %mul3A_424 = vector.broadcast %squeeze3A_423 : f32 to vector<16xf32>
      %mul3A_425 = arith.mulf %mul3A_424, %get3A_416 : vector<16xf32>
      %add3A_426 = arith.addf %add3A_397, %mul3A_425 : vector<16xf32>
      %slice3A_427 = vector.extract_strided_slice %get3A_310 {offsets = [3], sizes = [1], strides = [1]} : vector<16xf32> to vector<1xf32>
      %squeeze3A_428 = vector.extract %slice3A_427[0] : f32 from vector<1xf32>
      %mul3A_429 = vector.broadcast %squeeze3A_428 : f32 to vector<16xf32>
      %mul3A_430 = arith.mulf %mul3A_429, %get3A_416 : vector<16xf32>
      %add3A_431 = arith.addf %add3A_402, %mul3A_430 : vector<16xf32>
      %slice3A_432 = vector.extract_strided_slice %get3A_320 {offsets = [3], sizes = [1], strides = [1]} : vector<16xf32> to vector<1xf32>
      %squeeze3A_433 = vector.extract %slice3A_432[0] : f32 from vector<1xf32>
      %mul3A_434 = vector.broadcast %squeeze3A_433 : f32 to vector<16xf32>
      %mul3A_435 = arith.mulf %mul3A_434, %get3A_416 : vector<16xf32>
      %add3A_436 = arith.addf %add3A_407, %mul3A_435 : vector<16xf32>
      %mul3A_437 = arith.constant 16 : i32
      %mul3A_438 = arith.muli %scan3A_276, %mul3A_437 : i32
      %add3A_439 = arith.constant 4 : i32
      %add3A_440 = arith.addi %mul3A_438, %add3A_439 : i32
      %mul3A_441 = arith.constant 16 : i32
      %mul3A_442 = arith.muli %add3A_440, %mul3A_441 : i32
      %get3A_443 = arith.index_cast %mul3A_442 : i32 to index
      %get3A_444 = tpu.vector_load %arg8[%get3A_443] {strides = array<i32>} : memref<12288xf32, #tpu.memory_space<vmem>>, vector<16xf32>,
      %get3A_445 = vector.shape_cast %get3A_444 : vector<16xf32> to vector<16xf32>
      %slice3A_446 = vector.extract_strided_slice %get3A_290 {offsets = [4], sizes = [1], strides = [1]} : vector<16xf32> to vector<1xf32>
      %squeeze3A_447 = vector.extract %slice3A_446[0] : f32 from vector<1xf32>
      %mul3A_448 = vector.broadcast %squeeze3A_447 : f32 to vector<16xf32>
      %mul3A_449 = arith.mulf %mul3A_448, %get3A_445 : vector<16xf32>
      %add3A_450 = arith.addf %add3A_421, %mul3A_449 : vector<16xf32>
      %slice3A_451 = vector.extract_strided_slice %get3A_300 {offsets = [4], sizes = [1], strides = [1]} : vector<16xf32> to vector<1xf32>
      %squeeze3A_452 = vector.extract %slice3A_451[0] : f32 from vector<1xf32>
      %mul3A_453 = vector.broadcast %squeeze3A_452 : f32 to vector<16xf32>
      %mul3A_454 = arith.mulf %mul3A_453, %get3A_445 : vector<16xf32>
      %add3A_455 = arith.addf %add3A_426, %mul3A_454 : vector<16xf32>
      %slice3A_456 = vector.extract_strided_slice %get3A_310 {offsets = [4], sizes = [1], strides = [1]} : vector<16xf32> to vector<1xf32>
      %squeeze3A_457 = vector.extract %slice3A_456[0] : f32 from vector<1xf32>
      %mul3A_458 = vector.broadcast %squeeze3A_457 : f32 to vector<16xf32>
      %mul3A_459 = arith.mulf %mul3A_458, %get3A_445 : vector<16xf32>
      %add3A_460 = arith.addf %add3A_431, %mul3A_459 : vector<16xf32>
      %slice3A_461 = vector.extract_strided_slice %get3A_320 {offsets = [4], sizes = [1], strides = [1]} : vector<16xf32> to vector<1xf32>
      %squeeze3A_462 = vector.extract %slice3A_461[0] : f32 from vector<1xf32>
      %mul3A_463 = vector.broadcast %squeeze3A_462 : f32 to vector<16xf32>
      %mul3A_464 = arith.mulf %mul3A_463, %get3A_445 : vector<16xf32>
      %add3A_465 = arith.addf %add3A_436, %mul3A_464 : vector<16xf32>
      %mul3A_466 = arith.constant 16 : i32
      %mul3A_467 = arith.muli %scan3A_276, %mul3A_466 : i32
      %add3A_468 = arith.constant 5 : i32
      %add3A_469 = arith.addi %mul3A_467, %add3A_468 : i32
      %mul3A_470 = arith.constant 16 : i32
      %mul3A_471 = arith.muli %add3A_469, %mul3A_470 : i32
      %get3A_472 = arith.index_cast %mul3A_471 : i32 to index
      %get3A_473 = tpu.vector_load %arg8[%get3A_472] {strides = array<i32>} : memref<12288xf32, #tpu.memory_space<vmem>>, vector<16xf32>,
      %get3A_474 = vector.shape_cast %get3A_473 : vector<16xf32> to vector<16xf32>
      %slice3A_475 = vector.extract_strided_slice %get3A_290 {offsets = [5], sizes = [1], strides = [1]} : vector<16xf32> to vector<1xf32>
      %squeeze3A_476 = vector.extract %slice3A_475[0] : f32 from vector<1xf32>
      %mul3A_477 = vector.broadcast %squeeze3A_476 : f32 to vector<16xf32>
      %mul3A_478 = arith.mulf %mul3A_477, %get3A_474 : vector<16xf32>
      %add3A_479 = arith.addf %add3A_450, %mul3A_478 : vector<16xf32>
      %slice3A_480 = vector.extract_strided_slice %get3A_300 {offsets = [5], sizes = [1], strides = [1]} : vector<16xf32> to vector<1xf32>
      %squeeze3A_481 = vector.extract %slice3A_480[0] : f32 from vector<1xf32>
      %mul3A_482 = vector.broadcast %squeeze3A_481 : f32 to vector<16xf32>
      %mul3A_483 = arith.mulf %mul3A_482, %get3A_474 : vector<16xf32>
      %add3A_484 = arith.addf %add3A_455, %mul3A_483 : vector<16xf32>
      %slice3A_485 = vector.extract_strided_slice %get3A_310 {offsets = [5], sizes = [1], strides = [1]} : vector<16xf32> to vector<1xf32>
      %squeeze3A_486 = vector.extract %slice3A_485[0] : f32 from vector<1xf32>
      %mul3A_487 = vector.broadcast %squeeze3A_486 : f32 to vector<16xf32>
      %mul3A_488 = arith.mulf %mul3A_487, %get3A_474 : vector<16xf32>
      %add3A_489 = arith.addf %add3A_460, %mul3A_488 : vector<16xf32>
      %slice3A_490 = vector.extract_strided_slice %get3A_320 {offsets = [5], sizes = [1], strides = [1]} : vector<16xf32> to vector<1xf32>
      %squeeze3A_491 = vector.extract %slice3A_490[0] : f32 from vector<1xf32>
      %mul3A_492 = vector.broadcast %squeeze3A_491 : f32 to vector<16xf32>
      %mul3A_493 = arith.mulf %mul3A_492, %get3A_474 : vector<16xf32>
      %add3A_494 = arith.addf %add3A_465, %mul3A_493 : vector<16xf32>
      %mul3A_495 = arith.constant 16 : i32
      %mul3A_496 = arith.muli %scan3A_276, %mul3A_495 : i32
      %add3A_497 = arith.constant 6 : i32
      %add3A_498 = arith.addi %mul3A_496, %add3A_497 : i32
      %mul3A_499 = arith.constant 16 : i32
      %mul3A_500 = arith.muli %add3A_498, %mul3A_499 : i32
      %get3A_501 = arith.index_cast %mul3A_500 : i32 to index
      %get3A_502 = tpu.vector_load %arg8[%get3A_501] {strides = array<i32>} : memref<12288xf32, #tpu.memory_space<vmem>>, vector<16xf32>,
      %get3A_503 = vector.shape_cast %get3A_502 : vector<16xf32> to vector<16xf32>
      %slice3A_504 = vector.extract_strided_slice %get3A_290 {offsets = [6], sizes = [1], strides = [1]} : vector<16xf32> to vector<1xf32>
      %squeeze3A_505 = vector.extract %slice3A_504[0] : f32 from vector<1xf32>
      %mul3A_506 = vector.broadcast %squeeze3A_505 : f32 to vector<16xf32>
      %mul3A_507 = arith.mulf %mul3A_506, %get3A_503 : vector<16xf32>
      %add3A_508 = arith.addf %add3A_479, %mul3A_507 : vector<16xf32>
      %slice3A_509 = vector.extract_strided_slice %get3A_300 {offsets = [6], sizes = [1], strides = [1]} : vector<16xf32> to vector<1xf32>
      %squeeze3A_510 = vector.extract %slice3A_509[0] : f32 from vector<1xf32>
      %mul3A_511 = vector.broadcast %squeeze3A_510 : f32 to vector<16xf32>
      %mul3A_512 = arith.mulf %mul3A_511, %get3A_503 : vector<16xf32>
      %add3A_513 = arith.addf %add3A_484, %mul3A_512 : vector<16xf32>
      %slice3A_514 = vector.extract_strided_slice %get3A_310 {offsets = [6], sizes = [1], strides = [1]} : vector<16xf32> to vector<1xf32>
      %squeeze3A_515 = vector.extract %slice3A_514[0] : f32 from vector<1xf32>
      %mul3A_516 = vector.broadcast %squeeze3A_515 : f32 to vector<16xf32>
      %mul3A_517 = arith.mulf %mul3A_516, %get3A_503 : vector<16xf32>
      %add3A_518 = arith.addf %add3A_489, %mul3A_517 : vector<16xf32>
      %slice3A_519 = vector.extract_strided_slice %get3A_320 {offsets = [6], sizes = [1], strides = [1]} : vector<16xf32> to vector<1xf32>
      %squeeze3A_520 = vector.extract %slice3A_519[0] : f32 from vector<1xf32>
      %mul3A_521 = vector.broadcast %squeeze3A_520 : f32 to vector<16xf32>
      %mul3A_522 = arith.mulf %mul3A_521, %get3A_503 : vector<16xf32>
      %add3A_523 = arith.addf %add3A_494, %mul3A_522 : vector<16xf32>
      %mul3A_524 = arith.constant 16 : i32
      %mul3A_525 = arith.muli %scan3A_276, %mul3A_524 : i32
      %add3A_526 = arith.constant 7 : i32
      %add3A_527 = arith.addi %mul3A_525, %add3A_526 : i32
      %mul3A_528 = arith.constant 16 : i32
      %mul3A_529 = arith.muli %add3A_527, %mul3A_528 : i32
      %get3A_530 = arith.index_cast %mul3A_529 : i32 to index
      %get3A_531 = tpu.vector_load %arg8[%get3A_530] {strides = array<i32>} : memref<12288xf32, #tpu.memory_space<vmem>>, vector<16xf32>,
      %get3A_532 = vector.shape_cast %get3A_531 : vector<16xf32> to vector<16xf32>
      %slice3A_533 = vector.extract_strided_slice %get3A_290 {offsets = [7], sizes = [1], strides = [1]} : vector<16xf32> to vector<1xf32>
      %squeeze3A_534 = vector.extract %slice3A_533[0] : f32 from vector<1xf32>
      %mul3A_535 = vector.broadcast %squeeze3A_534 : f32 to vector<16xf32>
      %mul3A_536 = arith.mulf %mul3A_535, %get3A_532 : vector<16xf32>
      %add3A_537 = arith.addf %add3A_508, %mul3A_536 : vector<16xf32>
      %slice3A_538 = vector.extract_strided_slice %get3A_300 {offsets = [7], sizes = [1], strides = [1]} : vector<16xf32> to vector<1xf32>
      %squeeze3A_539 = vector.extract %slice3A_538[0] : f32 from vector<1xf32>
      %mul3A_540 = vector.broadcast %squeeze3A_539 : f32 to vector<16xf32>
      %mul3A_541 = arith.mulf %mul3A_540, %get3A_532 : vector<16xf32>
      %add3A_542 = arith.addf %add3A_513, %mul3A_541 : vector<16xf32>
      %slice3A_543 = vector.extract_strided_slice %get3A_310 {offsets = [7], sizes = [1], strides = [1]} : vector<16xf32> to vector<1xf32>
      %squeeze3A_544 = vector.extract %slice3A_543[0] : f32 from vector<1xf32>
      %mul3A_545 = vector.broadcast %squeeze3A_544 : f32 to vector<16xf32>
      %mul3A_546 = arith.mulf %mul3A_545, %get3A_532 : vector<16xf32>
      %add3A_547 = arith.addf %add3A_518, %mul3A_546 : vector<16xf32>
      %slice3A_548 = vector.extract_strided_slice %get3A_320 {offsets = [7], sizes = [1], strides = [1]} : vector<16xf32> to vector<1xf32>
      %squeeze3A_549 = vector.extract %slice3A_548[0] : f32 from vector<1xf32>
      %mul3A_550 = vector.broadcast %squeeze3A_549 : f32 to vector<16xf32>
      %mul3A_551 = arith.mulf %mul3A_550, %get3A_532 : vector<16xf32>
      %add3A_552 = arith.addf %add3A_523, %mul3A_551 : vector<16xf32>
      %mul3A_553 = arith.constant 16 : i32
      %mul3A_554 = arith.muli %scan3A_276, %mul3A_553 : i32
      %add3A_555 = arith.constant 8 : i32
      %add3A_556 = arith.addi %mul3A_554, %add3A_555 : i32
      %mul3A_557 = arith.constant 16 : i32
      %mul3A_558 = arith.muli %add3A_556, %mul3A_557 : i32
      %get3A_559 = arith.index_cast %mul3A_558 : i32 to index
      %get3A_560 = tpu.vector_load %arg8[%get3A_559] {strides = array<i32>} : memref<12288xf32, #tpu.memory_space<vmem>>, vector<16xf32>,
      %get3A_561 = vector.shape_cast %get3A_560 : vector<16xf32> to vector<16xf32>
      %slice3A_562 = vector.extract_strided_slice %get3A_290 {offsets = [8], sizes = [1], strides = [1]} : vector<16xf32> to vector<1xf32>
      %squeeze3A_563 = vector.extract %slice3A_562[0] : f32 from vector<1xf32>
      %mul3A_564 = vector.broadcast %squeeze3A_563 : f32 to vector<16xf32>
      %mul3A_565 = arith.mulf %mul3A_564, %get3A_561 : vector<16xf32>
      %add3A_566 = arith.addf %add3A_537, %mul3A_565 : vector<16xf32>
      %slice3A_567 = vector.extract_strided_slice %get3A_300 {offsets = [8], sizes = [1], strides = [1]} : vector<16xf32> to vector<1xf32>
      %squeeze3A_568 = vector.extract %slice3A_567[0] : f32 from vector<1xf32>
      %mul3A_569 = vector.broadcast %squeeze3A_568 : f32 to vector<16xf32>
      %mul3A_570 = arith.mulf %mul3A_569, %get3A_561 : vector<16xf32>
      %add3A_571 = arith.addf %add3A_542, %mul3A_570 : vector<16xf32>
      %slice3A_572 = vector.extract_strided_slice %get3A_310 {offsets = [8], sizes = [1], strides = [1]} : vector<16xf32> to vector<1xf32>
      %squeeze3A_573 = vector.extract %slice3A_572[0] : f32 from vector<1xf32>
      %mul3A_574 = vector.broadcast %squeeze3A_573 : f32 to vector<16xf32>
      %mul3A_575 = arith.mulf %mul3A_574, %get3A_561 : vector<16xf32>
      %add3A_576 = arith.addf %add3A_547, %mul3A_575 : vector<16xf32>
      %slice3A_577 = vector.extract_strided_slice %get3A_320 {offsets = [8], sizes = [1], strides = [1]} : vector<16xf32> to vector<1xf32>
      %squeeze3A_578 = vector.extract %slice3A_577[0] : f32 from vector<1xf32>
      %mul3A_579 = vector.broadcast %squeeze3A_578 : f32 to vector<16xf32>
      %mul3A_580 = arith.mulf %mul3A_579, %get3A_561 : vector<16xf32>
      %add3A_581 = arith.addf %add3A_552, %mul3A_580 : vector<16xf32>
      %mul3A_582 = arith.constant 16 : i32
      %mul3A_583 = arith.muli %scan3A_276, %mul3A_582 : i32
      %add3A_584 = arith.constant 9 : i32
      %add3A_585 = arith.addi %mul3A_583, %add3A_584 : i32
      %mul3A_586 = arith.constant 16 : i32
      %mul3A_587 = arith.muli %add3A_585, %mul3A_586 : i32
      %get3A_588 = arith.index_cast %mul3A_587 : i32 to index
      %get3A_589 = tpu.vector_load %arg8[%get3A_588] {strides = array<i32>} : memref<12288xf32, #tpu.memory_space<vmem>>, vector<16xf32>,
      %get3A_590 = vector.shape_cast %get3A_589 : vector<16xf32> to vector<16xf32>
      %slice3A_591 = vector.extract_strided_slice %get3A_290 {offsets = [9], sizes = [1], strides = [1]} : vector<16xf32> to vector<1xf32>
      %squeeze3A_592 = vector.extract %slice3A_591[0] : f32 from vector<1xf32>
      %mul3A_593 = vector.broadcast %squeeze3A_592 : f32 to vector<16xf32>
      %mul3A_594 = arith.mulf %mul3A_593, %get3A_590 : vector<16xf32>
      %add3A_595 = arith.addf %add3A_566, %mul3A_594 : vector<16xf32>
      %slice3A_596 = vector.extract_strided_slice %get3A_300 {offsets = [9], sizes = [1], strides = [1]} : vector<16xf32> to vector<1xf32>
      %squeeze3A_597 = vector.extract %slice3A_596[0] : f32 from vector<1xf32>
      %mul3A_598 = vector.broadcast %squeeze3A_597 : f32 to vector<16xf32>
      %mul3A_599 = arith.mulf %mul3A_598, %get3A_590 : vector<16xf32>
      %add3A_600 = arith.addf %add3A_571, %mul3A_599 : vector<16xf32>
      %slice3A_601 = vector.extract_strided_slice %get3A_310 {offsets = [9], sizes = [1], strides = [1]} : vector<16xf32> to vector<1xf32>
      %squeeze3A_602 = vector.extract %slice3A_601[0] : f32 from vector<1xf32>
      %mul3A_603 = vector.broadcast %squeeze3A_602 : f32 to vector<16xf32>
      %mul3A_604 = arith.mulf %mul3A_603, %get3A_590 : vector<16xf32>
      %add3A_605 = arith.addf %add3A_576, %mul3A_604 : vector<16xf32>
      %slice3A_606 = vector.extract_strided_slice %get3A_320 {offsets = [9], sizes = [1], strides = [1]} : vector<16xf32> to vector<1xf32>
      %squeeze3A_607 = vector.extract %slice3A_606[0] : f32 from vector<1xf32>
      %mul3A_608 = vector.broadcast %squeeze3A_607 : f32 to vector<16xf32>
      %mul3A_609 = arith.mulf %mul3A_608, %get3A_590 : vector<16xf32>
      %add3A_610 = arith.addf %add3A_581, %mul3A_609 : vector<16xf32>
      %mul3A_611 = arith.constant 16 : i32
      %mul3A_612 = arith.muli %scan3A_276, %mul3A_611 : i32
      %add3A_613 = arith.constant 10 : i32
      %add3A_614 = arith.addi %mul3A_612, %add3A_613 : i32
      %mul3A_615 = arith.constant 16 : i32
      %mul3A_616 = arith.muli %add3A_614, %mul3A_615 : i32
      %get3A_617 = arith.index_cast %mul3A_616 : i32 to index
      %get3A_618 = tpu.vector_load %arg8[%get3A_617] {strides = array<i32>} : memref<12288xf32, #tpu.memory_space<vmem>>, vector<16xf32>,
      %get3A_619 = vector.shape_cast %get3A_618 : vector<16xf32> to vector<16xf32>
      %slice3A_620 = vector.extract_strided_slice %get3A_290 {offsets = [10], sizes = [1], strides = [1]} : vector<16xf32> to vector<1xf32>
      %squeeze3A_621 = vector.extract %slice3A_620[0] : f32 from vector<1xf32>
      %mul3A_622 = vector.broadcast %squeeze3A_621 : f32 to vector<16xf32>
      %mul3A_623 = arith.mulf %mul3A_622, %get3A_619 : vector<16xf32>
      %add3A_624 = arith.addf %add3A_595, %mul3A_623 : vector<16xf32>
      %slice3A_625 = vector.extract_strided_slice %get3A_300 {offsets = [10], sizes = [1], strides = [1]} : vector<16xf32> to vector<1xf32>
      %squeeze3A_626 = vector.extract %slice3A_625[0] : f32 from vector<1xf32>
      %mul3A_627 = vector.broadcast %squeeze3A_626 : f32 to vector<16xf32>
      %mul3A_628 = arith.mulf %mul3A_627, %get3A_619 : vector<16xf32>
      %add3A_629 = arith.addf %add3A_600, %mul3A_628 : vector<16xf32>
      %slice3A_630 = vector.extract_strided_slice %get3A_310 {offsets = [10], sizes = [1], strides = [1]} : vector<16xf32> to vector<1xf32>
      %squeeze3A_631 = vector.extract %slice3A_630[0] : f32 from vector<1xf32>
      %mul3A_632 = vector.broadcast %squeeze3A_631 : f32 to vector<16xf32>
      %mul3A_633 = arith.mulf %mul3A_632, %get3A_619 : vector<16xf32>
      %add3A_634 = arith.addf %add3A_605, %mul3A_633 : vector<16xf32>
      %slice3A_635 = vector.extract_strided_slice %get3A_320 {offsets = [10], sizes = [1], strides = [1]} : vector<16xf32> to vector<1xf32>
      %squeeze3A_636 = vector.extract %slice3A_635[0] : f32 from vector<1xf32>
      %mul3A_637 = vector.broadcast %squeeze3A_636 : f32 to vector<16xf32>
      %mul3A_638 = arith.mulf %mul3A_637, %get3A_619 : vector<16xf32>
      %add3A_639 = arith.addf %add3A_610, %mul3A_638 : vector<16xf32>
      %mul3A_640 = arith.constant 16 : i32
      %mul3A_641 = arith.muli %scan3A_276, %mul3A_640 : i32
      %add3A_642 = arith.constant 11 : i32
      %add3A_643 = arith.addi %mul3A_641, %add3A_642 : i32
      %mul3A_644 = arith.constant 16 : i32
      %mul3A_645 = arith.muli %add3A_643, %mul3A_644 : i32
      %get3A_646 = arith.index_cast %mul3A_645 : i32 to index
      %get3A_647 = tpu.vector_load %arg8[%get3A_646] {strides = array<i32>} : memref<12288xf32, #tpu.memory_space<vmem>>, vector<16xf32>,
      %get3A_648 = vector.shape_cast %get3A_647 : vector<16xf32> to vector<16xf32>
      %slice3A_649 = vector.extract_strided_slice %get3A_290 {offsets = [11], sizes = [1], strides = [1]} : vector<16xf32> to vector<1xf32>
      %squeeze3A_650 = vector.extract %slice3A_649[0] : f32 from vector<1xf32>
      %mul3A_651 = vector.broadcast %squeeze3A_650 : f32 to vector<16xf32>
      %mul3A_652 = arith.mulf %mul3A_651, %get3A_648 : vector<16xf32>
      %add3A_653 = arith.addf %add3A_624, %mul3A_652 : vector<16xf32>
      %slice3A_654 = vector.extract_strided_slice %get3A_300 {offsets = [11], sizes = [1], strides = [1]} : vector<16xf32> to vector<1xf32>
      %squeeze3A_655 = vector.extract %slice3A_654[0] : f32 from vector<1xf32>
      %mul3A_656 = vector.broadcast %squeeze3A_655 : f32 to vector<16xf32>
      %mul3A_657 = arith.mulf %mul3A_656, %get3A_648 : vector<16xf32>
      %add3A_658 = arith.addf %add3A_629, %mul3A_657 : vector<16xf32>
      %slice3A_659 = vector.extract_strided_slice %get3A_310 {offsets = [11], sizes = [1], strides = [1]} : vector<16xf32> to vector<1xf32>
      %squeeze3A_660 = vector.extract %slice3A_659[0] : f32 from vector<1xf32>
      %mul3A_661 = vector.broadcast %squeeze3A_660 : f32 to vector<16xf32>
      %mul3A_662 = arith.mulf %mul3A_661, %get3A_648 : vector<16xf32>
      %add3A_663 = arith.addf %add3A_634, %mul3A_662 : vector<16xf32>
      %slice3A_664 = vector.extract_strided_slice %get3A_320 {offsets = [11], sizes = [1], strides = [1]} : vector<16xf32> to vector<1xf32>
      %squeeze3A_665 = vector.extract %slice3A_664[0] : f32 from vector<1xf32>
      %mul3A_666 = vector.broadcast %squeeze3A_665 : f32 to vector<16xf32>
      %mul3A_667 = arith.mulf %mul3A_666, %get3A_648 : vector<16xf32>
      %add3A_668 = arith.addf %add3A_639, %mul3A_667 : vector<16xf32>
      %mul3A_669 = arith.constant 16 : i32
      %mul3A_670 = arith.muli %scan3A_276, %mul3A_669 : i32
      %add3A_671 = arith.constant 12 : i32
      %add3A_672 = arith.addi %mul3A_670, %add3A_671 : i32
      %mul3A_673 = arith.constant 16 : i32
      %mul3A_674 = arith.muli %add3A_672, %mul3A_673 : i32
      %get3A_675 = arith.index_cast %mul3A_674 : i32 to index
      %get3A_676 = tpu.vector_load %arg8[%get3A_675] {strides = array<i32>} : memref<12288xf32, #tpu.memory_space<vmem>>, vector<16xf32>,
      %get3A_677 = vector.shape_cast %get3A_676 : vector<16xf32> to vector<16xf32>
      %slice3A_678 = vector.extract_strided_slice %get3A_290 {offsets = [12], sizes = [1], strides = [1]} : vector<16xf32> to vector<1xf32>
      %squeeze3A_679 = vector.extract %slice3A_678[0] : f32 from vector<1xf32>
      %mul3A_680 = vector.broadcast %squeeze3A_679 : f32 to vector<16xf32>
      %mul3A_681 = arith.mulf %mul3A_680, %get3A_677 : vector<16xf32>
      %add3A_682 = arith.addf %add3A_653, %mul3A_681 : vector<16xf32>
      %slice3A_683 = vector.extract_strided_slice %get3A_300 {offsets = [12], sizes = [1], strides = [1]} : vector<16xf32> to vector<1xf32>
      %squeeze3A_684 = vector.extract %slice3A_683[0] : f32 from vector<1xf32>
      %mul3A_685 = vector.broadcast %squeeze3A_684 : f32 to vector<16xf32>
      %mul3A_686 = arith.mulf %mul3A_685, %get3A_677 : vector<16xf32>
      %add3A_687 = arith.addf %add3A_658, %mul3A_686 : vector<16xf32>
      %slice3A_688 = vector.extract_strided_slice %get3A_310 {offsets = [12], sizes = [1], strides = [1]} : vector<16xf32> to vector<1xf32>
      %squeeze3A_689 = vector.extract %slice3A_688[0] : f32 from vector<1xf32>
      %mul3A_690 = vector.broadcast %squeeze3A_689 : f32 to vector<16xf32>
      %mul3A_691 = arith.mulf %mul3A_690, %get3A_677 : vector<16xf32>
      %add3A_692 = arith.addf %add3A_663, %mul3A_691 : vector<16xf32>
      %slice3A_693 = vector.extract_strided_slice %get3A_320 {offsets = [12], sizes = [1], strides = [1]} : vector<16xf32> to vector<1xf32>
      %squeeze3A_694 = vector.extract %slice3A_693[0] : f32 from vector<1xf32>
      %mul3A_695 = vector.broadcast %squeeze3A_694 : f32 to vector<16xf32>
      %mul3A_696 = arith.mulf %mul3A_695, %get3A_677 : vector<16xf32>
      %add3A_697 = arith.addf %add3A_668, %mul3A_696 : vector<16xf32>
      %mul3A_698 = arith.constant 16 : i32
      %mul3A_699 = arith.muli %scan3A_276, %mul3A_698 : i32
      %add3A_700 = arith.constant 13 : i32
      %add3A_701 = arith.addi %mul3A_699, %add3A_700 : i32
      %mul3A_702 = arith.constant 16 : i32
      %mul3A_703 = arith.muli %add3A_701, %mul3A_702 : i32
      %get3A_704 = arith.index_cast %mul3A_703 : i32 to index
      %get3A_705 = tpu.vector_load %arg8[%get3A_704] {strides = array<i32>} : memref<12288xf32, #tpu.memory_space<vmem>>, vector<16xf32>,
      %get3A_706 = vector.shape_cast %get3A_705 : vector<16xf32> to vector<16xf32>
      %slice3A_707 = vector.extract_strided_slice %get3A_290 {offsets = [13], sizes = [1], strides = [1]} : vector<16xf32> to vector<1xf32>
      %squeeze3A_708 = vector.extract %slice3A_707[0] : f32 from vector<1xf32>
      %mul3A_709 = vector.broadcast %squeeze3A_708 : f32 to vector<16xf32>
      %mul3A_710 = arith.mulf %mul3A_709, %get3A_706 : vector<16xf32>
      %add3A_711 = arith.addf %add3A_682, %mul3A_710 : vector<16xf32>
      %slice3A_712 = vector.extract_strided_slice %get3A_300 {offsets = [13], sizes = [1], strides = [1]} : vector<16xf32> to vector<1xf32>
      %squeeze3A_713 = vector.extract %slice3A_712[0] : f32 from vector<1xf32>
      %mul3A_714 = vector.broadcast %squeeze3A_713 : f32 to vector<16xf32>
      %mul3A_715 = arith.mulf %mul3A_714, %get3A_706 : vector<16xf32>
      %add3A_716 = arith.addf %add3A_687, %mul3A_715 : vector<16xf32>
      %slice3A_717 = vector.extract_strided_slice %get3A_310 {offsets = [13], sizes = [1], strides = [1]} : vector<16xf32> to vector<1xf32>
      %squeeze3A_718 = vector.extract %slice3A_717[0] : f32 from vector<1xf32>
      %mul3A_719 = vector.broadcast %squeeze3A_718 : f32 to vector<16xf32>
      %mul3A_720 = arith.mulf %mul3A_719, %get3A_706 : vector<16xf32>
      %add3A_721 = arith.addf %add3A_692, %mul3A_720 : vector<16xf32>
      %slice3A_722 = vector.extract_strided_slice %get3A_320 {offsets = [13], sizes = [1], strides = [1]} : vector<16xf32> to vector<1xf32>
      %squeeze3A_723 = vector.extract %slice3A_722[0] : f32 from vector<1xf32>
      %mul3A_724 = vector.broadcast %squeeze3A_723 : f32 to vector<16xf32>
      %mul3A_725 = arith.mulf %mul3A_724, %get3A_706 : vector<16xf32>
      %add3A_726 = arith.addf %add3A_697, %mul3A_725 : vector<16xf32>
      %mul3A_727 = arith.constant 16 : i32
      %mul3A_728 = arith.muli %scan3A_276, %mul3A_727 : i32
      %add3A_729 = arith.constant 14 : i32
      %add3A_730 = arith.addi %mul3A_728, %add3A_729 : i32
      %mul3A_731 = arith.constant 16 : i32
      %mul3A_732 = arith.muli %add3A_730, %mul3A_731 : i32
      %get3A_733 = arith.index_cast %mul3A_732 : i32 to index
      %get3A_734 = tpu.vector_load %arg8[%get3A_733] {strides = array<i32>} : memref<12288xf32, #tpu.memory_space<vmem>>, vector<16xf32>,
      %get3A_735 = vector.shape_cast %get3A_734 : vector<16xf32> to vector<16xf32>
      %slice3A_736 = vector.extract_strided_slice %get3A_290 {offsets = [14], sizes = [1], strides = [1]} : vector<16xf32> to vector<1xf32>
      %squeeze3A_737 = vector.extract %slice3A_736[0] : f32 from vector<1xf32>
      %mul3A_738 = vector.broadcast %squeeze3A_737 : f32 to vector<16xf32>
      %mul3A_739 = arith.mulf %mul3A_738, %get3A_735 : vector<16xf32>
      %add3A_740 = arith.addf %add3A_711, %mul3A_739 : vector<16xf32>
      %slice3A_741 = vector.extract_strided_slice %get3A_300 {offsets = [14], sizes = [1], strides = [1]} : vector<16xf32> to vector<1xf32>
      %squeeze3A_742 = vector.extract %slice3A_741[0] : f32 from vector<1xf32>
      %mul3A_743 = vector.broadcast %squeeze3A_742 : f32 to vector<16xf32>
      %mul3A_744 = arith.mulf %mul3A_743, %get3A_735 : vector<16xf32>
      %add3A_745 = arith.addf %add3A_716, %mul3A_744 : vector<16xf32>
      %slice3A_746 = vector.extract_strided_slice %get3A_310 {offsets = [14], sizes = [1], strides = [1]} : vector<16xf32> to vector<1xf32>
      %squeeze3A_747 = vector.extract %slice3A_746[0] : f32 from vector<1xf32>
      %mul3A_748 = vector.broadcast %squeeze3A_747 : f32 to vector<16xf32>
      %mul3A_749 = arith.mulf %mul3A_748, %get3A_735 : vector<16xf32>
      %add3A_750 = arith.addf %add3A_721, %mul3A_749 : vector<16xf32>
      %slice3A_751 = vector.extract_strided_slice %get3A_320 {offsets = [14], sizes = [1], strides = [1]} : vector<16xf32> to vector<1xf32>
      %squeeze3A_752 = vector.extract %slice3A_751[0] : f32 from vector<1xf32>
      %mul3A_753 = vector.broadcast %squeeze3A_752 : f32 to vector<16xf32>
      %mul3A_754 = arith.mulf %mul3A_753, %get3A_735 : vector<16xf32>
      %add3A_755 = arith.addf %add3A_726, %mul3A_754 : vector<16xf32>
      %mul3A_756 = arith.constant 16 : i32
      %mul3A_757 = arith.muli %scan3A_276, %mul3A_756 : i32
      %add3A_758 = arith.constant 15 : i32
      %add3A_759 = arith.addi %mul3A_757, %add3A_758 : i32
      %mul3A_760 = arith.constant 16 : i32
      %mul3A_761 = arith.muli %add3A_759, %mul3A_760 : i32
      %get3A_762 = arith.index_cast %mul3A_761 : i32 to index
      %get3A_763 = tpu.vector_load %arg8[%get3A_762] {strides = array<i32>} : memref<12288xf32, #tpu.memory_space<vmem>>, vector<16xf32>,
      %get3A_764 = vector.shape_cast %get3A_763 : vector<16xf32> to vector<16xf32>
      %slice3A_765 = vector.extract_strided_slice %get3A_290 {offsets = [15], sizes = [1], strides = [1]} : vector<16xf32> to vector<1xf32>
      %squeeze3A_766 = vector.extract %slice3A_765[0] : f32 from vector<1xf32>
      %mul3A_767 = vector.broadcast %squeeze3A_766 : f32 to vector<16xf32>
      %mul3A_768 = arith.mulf %mul3A_767, %get3A_764 : vector<16xf32>
      %add3A_769 = arith.addf %add3A_740, %mul3A_768 : vector<16xf32>
      %slice3A_770 = vector.extract_strided_slice %get3A_300 {offsets = [15], sizes = [1], strides = [1]} : vector<16xf32> to vector<1xf32>
      %squeeze3A_771 = vector.extract %slice3A_770[0] : f32 from vector<1xf32>
      %mul3A_772 = vector.broadcast %squeeze3A_771 : f32 to vector<16xf32>
      %mul3A_773 = arith.mulf %mul3A_772, %get3A_764 : vector<16xf32>
      %add3A_774 = arith.addf %add3A_745, %mul3A_773 : vector<16xf32>
      %slice3A_775 = vector.extract_strided_slice %get3A_310 {offsets = [15], sizes = [1], strides = [1]} : vector<16xf32> to vector<1xf32>
      %squeeze3A_776 = vector.extract %slice3A_775[0] : f32 from vector<1xf32>
      %mul3A_777 = vector.broadcast %squeeze3A_776 : f32 to vector<16xf32>
      %mul3A_778 = arith.mulf %mul3A_777, %get3A_764 : vector<16xf32>
      %add3A_779 = arith.addf %add3A_750, %mul3A_778 : vector<16xf32>
      %slice3A_780 = vector.extract_strided_slice %get3A_320 {offsets = [15], sizes = [1], strides = [1]} : vector<16xf32> to vector<1xf32>
      %squeeze3A_781 = vector.extract %slice3A_780[0] : f32 from vector<1xf32>
      %mul3A_782 = vector.broadcast %squeeze3A_781 : f32 to vector<16xf32>
      %mul3A_783 = arith.mulf %mul3A_782, %get3A_764 : vector<16xf32>
      %add3A_784 = arith.addf %add3A_755, %mul3A_783 : vector<16xf32>
      scf.yield %add3A_769, %add3A_774, %add3A_779, %add3A_784 : vector<16xf32>, vector<16xf32>, vector<16xf32>, vector<16xf32>
    }
    %scan3A_215 = arith.constant 48 : i32
    %add3A_216 = arith.addf %scan3A_214#0, %get3A_8 : vector<16xf32>
    %slice3A_217 = vector.extract_strided_slice %get3A_18 {offsets = [12], sizes = [1], strides = [1]} : vector<16xf32> to vector<1xf32>
    %squeeze3A_218 = vector.extract %slice3A_217[0] : f32 from vector<1xf32>
    %mul3A_219 = vector.broadcast %squeeze3A_218 : f32 to vector<16xf32>
    %mul3A_220 = arith.mulf %mul3A_219, %get3A_11 : vector<16xf32>
    %add3A_221 = arith.addf %add3A_216, %mul3A_220 : vector<16xf32>
    %add3A_222 = arith.constant 0 : i32
    %add3A_223 = arith.addi %add3A_209, %add3A_222 : i32
    %mul3A_224 = arith.constant 16 : i32
    %mul3A_225 = arith.muli %add3A_223, %mul3A_224 : i32
    %swap3A_226 = arith.index_cast %mul3A_225 : i32 to index
    %swap3A_227 = tpu.vector_load %arg11[%swap3A_226] {strides = array<i32>} : memref<256xf32, #tpu.memory_space<vmem>>, vector<16xf32>,
    %swap3A_228 = vector.shape_cast %swap3A_227 : vector<16xf32> to vector<16xf32>
    %swap3A_229 = vector.shape_cast %add3A_221 : vector<16xf32> to vector<16xf32>
    tpu.vector_store %arg11[%swap3A_226], %swap3A_229 {strides = array<i32>} : memref<256xf32, #tpu.memory_space<vmem>>, vector<16xf32>,
    %add3A_230 = arith.addf %scan3A_214#1, %get3A_8 : vector<16xf32>
    %slice3A_231 = vector.extract_strided_slice %get3A_18 {offsets = [13], sizes = [1], strides = [1]} : vector<16xf32> to vector<1xf32>
    %squeeze3A_232 = vector.extract %slice3A_231[0] : f32 from vector<1xf32>
    %mul3A_233 = vector.broadcast %squeeze3A_232 : f32 to vector<16xf32>
    %mul3A_234 = arith.mulf %mul3A_233, %get3A_11 : vector<16xf32>
    %add3A_235 = arith.addf %add3A_230, %mul3A_234 : vector<16xf32>
    %add3A_236 = arith.constant 1 : i32
    %add3A_237 = arith.addi %add3A_209, %add3A_236 : i32
    %mul3A_238 = arith.constant 16 : i32
    %mul3A_239 = arith.muli %add3A_237, %mul3A_238 : i32
    %swap3A_240 = arith.index_cast %mul3A_239 : i32 to index
    %swap3A_241 = tpu.vector_load %arg11[%swap3A_240] {strides = array<i32>} : memref<256xf32, #tpu.memory_space<vmem>>, vector<16xf32>,
    %swap3A_242 = vector.shape_cast %swap3A_241 : vector<16xf32> to vector<16xf32>
    %swap3A_243 = vector.shape_cast %add3A_235 : vector<16xf32> to vector<16xf32>
    tpu.vector_store %arg11[%swap3A_240], %swap3A_243 {strides = array<i32>} : memref<256xf32, #tpu.memory_space<vmem>>, vector<16xf32>,
    %add3A_244 = arith.addf %scan3A_214#2, %get3A_8 : vector<16xf32>
    %slice3A_245 = vector.extract_strided_slice %get3A_18 {offsets = [14], sizes = [1], strides = [1]} : vector<16xf32> to vector<1xf32>
    %squeeze3A_246 = vector.extract %slice3A_245[0] : f32 from vector<1xf32>
    %mul3A_247 = vector.broadcast %squeeze3A_246 : f32 to vector<16xf32>
    %mul3A_248 = arith.mulf %mul3A_247, %get3A_11 : vector<16xf32>
    %add3A_249 = arith.addf %add3A_244, %mul3A_248 : vector<16xf32>
    %add3A_250 = arith.constant 2 : i32
    %add3A_251 = arith.addi %add3A_209, %add3A_250 : i32
    %mul3A_252 = arith.constant 16 : i32
    %mul3A_253 = arith.muli %add3A_251, %mul3A_252 : i32
    %swap3A_254 = arith.index_cast %mul3A_253 : i32 to index
    %swap3A_255 = tpu.vector_load %arg11[%swap3A_254] {strides = array<i32>} : memref<256xf32, #tpu.memory_space<vmem>>, vector<16xf32>,
    %swap3A_256 = vector.shape_cast %swap3A_255 : vector<16xf32> to vector<16xf32>
    %swap3A_257 = vector.shape_cast %add3A_249 : vector<16xf32> to vector<16xf32>
    tpu.vector_store %arg11[%swap3A_254], %swap3A_257 {strides = array<i32>} : memref<256xf32, #tpu.memory_space<vmem>>, vector<16xf32>,
    %add3A_258 = arith.addf %scan3A_214#3, %get3A_8 : vector<16xf32>
    %slice3A_259 = vector.extract_strided_slice %get3A_18 {offsets = [15], sizes = [1], strides = [1]} : vector<16xf32> to vector<1xf32>
    %squeeze3A_260 = vector.extract %slice3A_259[0] : f32 from vector<1xf32>
    %mul3A_261 = vector.broadcast %squeeze3A_260 : f32 to vector<16xf32>
    %mul3A_262 = arith.mulf %mul3A_261, %get3A_11 : vector<16xf32>
    %add3A_263 = arith.addf %add3A_258, %mul3A_262 : vector<16xf32>
    %add3A_264 = arith.constant 3 : i32
    %add3A_265 = arith.addi %add3A_209, %add3A_264 : i32
    %mul3A_266 = arith.constant 16 : i32
    %mul3A_267 = arith.muli %add3A_265, %mul3A_266 : i32
    %swap3A_268 = arith.index_cast %mul3A_267 : i32 to index
    %swap3A_269 = tpu.vector_load %arg11[%swap3A_268] {strides = array<i32>} : memref<256xf32, #tpu.memory_space<vmem>>, vector<16xf32>,
    %swap3A_270 = vector.shape_cast %swap3A_269 : vector<16xf32> to vector<16xf32>
    %swap3A_271 = vector.shape_cast %add3A_263 : vector<16xf32> to vector<16xf32>
    tpu.vector_store %arg11[%swap3A_268], %swap3A_271 {strides = array<i32>} : memref<256xf32, #tpu.memory_space<vmem>>, vector<16xf32>,
    %scan3A_272 = arith.constant 0 : i32
    %scan3A_273 = arith.constant 1 : i32
    %mul3A_274 = arith.constant 16 : i32
    %mul3A_275 = arith.muli %mul3A_2, %mul3A_274 : i32
    "tpu.region"() ({
      %run_scoped3A = tpu.sem_alloc : memref<!tpu.dma_semaphore, #tpu.memory_space<semaphore_mem>>
      %dma_start3A = tpu.memref_slice %arg6[%mul3A_275] : memref<8192xf32, #tpu.memory_space<hbm>> -> memref<256xf32, #tpu.memory_space<hbm>>
      %dma_start3A_276 = tpu.memref_slice %arg6[%mul3A_275] : memref<8192xf32, #tpu.memory_space<hbm>> -> memref<256xf32, #tpu.memory_space<hbm>>
      tpu.enqueue_dma source(%arg11 : memref<256xf32, #tpu.memory_space<vmem>>) target(%dma_start3A_276 : memref<256xf32, #tpu.memory_space<hbm>>) target_semaphore(%run_scoped3A : memref<!tpu.dma_semaphore, #tpu.memory_space<semaphore_mem>>)
      %dma_wait3A = tpu.memref_slice %arg6[%mul3A_275] : memref<8192xf32, #tpu.memory_space<hbm>> -> memref<256xf32, #tpu.memory_space<hbm>>
      %dma_wait3A_277 = tpu.memref_slice %arg6[%mul3A_275] : memref<8192xf32, #tpu.memory_space<hbm>> -> memref<256xf32, #tpu.memory_space<hbm>>
      tpu.wait_dma2 semaphore(%run_scoped3A : memref<!tpu.dma_semaphore, #tpu.memory_space<semaphore_mem>>) src(%arg11 : memref<256xf32, #tpu.memory_space<vmem>>) dst(%dma_wait3A_277 : memref<256xf32, #tpu.memory_space<hbm>>)
      tpu.yield
    }) : () -> ()
    return
  }
}

module attributes {stable_mosaic.version = 14 : i64} {
  func.func @_tab_kernel(%arg0: memref<2x10xf32, #tpu.memory_space<vmem>>, %arg1: memref<16x10xf32, #tpu.memory_space<vmem>>, %arg2: memref<1x16xf32, #tpu.memory_space<vmem>>, %arg3: memref<2x16xf32, #tpu.memory_space<vmem>>) attributes {dimension_semantics = [], scalar_prefetch = 0 : i64, scratch_operands = 0 : i64, tpu.core_type = #tpu.core_type<tc>} {
    %get3A = arith.constant 0 : index
    %get3A_0 = arith.constant 0 : index
    %get3A_1 = vector.load %arg0[%get3A, %get3A_0] : memref<2x10xf32, #tpu.memory_space<vmem>>, vector<2x10xf32>
    %get3A_2 = arith.constant 0 : index
    %get3A_3 = arith.constant 0 : index
    %get3A_4 = vector.load %arg1[%get3A_2, %get3A_3] : memref<16x10xf32, #tpu.memory_space<vmem>>, vector<16x10xf32>
    %dot_general3A = arith.constant dense<0.000000e+00> : vector<2x16xf32>
    %dot_general3A_5 = tpu.matmul %get3A_1, %get3A_4, %dot_general3A {dimension_numbers = #tpu.dot_dimension_numbers<[1], [1], [0], [0], [0, 0, 1, 0], [], []>, transpose_lhs_hint = false} : vector<2x10xf32>, vector<16x10xf32>, vector<2x16xf32> -> vector<2x16xf32>
    %slice3A = vector.extract_strided_slice %dot_general3A_5 {offsets = [0, 0], sizes = [1, 16], strides = [1, 1]} : vector<2x16xf32> to vector<1x16xf32>
    %get3A_6 = arith.constant 0 : index
    %get3A_7 = arith.constant 0 : index
    %get3A_8 = vector.load %arg2[%get3A_6, %get3A_7] : memref<1x16xf32, #tpu.memory_space<vmem>>, vector<1x16xf32>
    %add3A = arith.addf %slice3A, %get3A_8 : vector<1x16xf32>
    %swap3A = arith.constant 0 : index
    %swap3A_9 = arith.constant 0 : index
    %swap3A_10 = vector.load %arg3[%swap3A, %swap3A_9] : memref<2x16xf32, #tpu.memory_space<vmem>>, vector<1x16xf32>
    tpu.vector_store %arg3[%swap3A, %swap3A_9], %add3A {strides = array<i32>} : memref<2x16xf32, #tpu.memory_space<vmem>>, vector<1x16xf32>,
    %slice3A_11 = vector.extract_strided_slice %dot_general3A_5 {offsets = [1, 0], sizes = [1, 16], strides = [1, 1]} : vector<2x16xf32> to vector<1x16xf32>
    %slice3A_12 = vector.extract_strided_slice %dot_general3A_5 {offsets = [0, 0], sizes = [1, 16], strides = [1, 1]} : vector<2x16xf32> to vector<1x16xf32>
    %sub3A = arith.subf %slice3A_11, %slice3A_12 : vector<1x16xf32>
    %swap3A_13 = arith.constant 1 : index
    %swap3A_14 = arith.constant 0 : index
    %swap3A_15 = vector.load %arg3[%swap3A_13, %swap3A_14] : memref<2x16xf32, #tpu.memory_space<vmem>>, vector<1x16xf32>
    tpu.vector_store %arg3[%swap3A_13, %swap3A_14], %sub3A {strides = array<i32>} : memref<2x16xf32, #tpu.memory_space<vmem>>, vector<1x16xf32>,
    return
  }
}

module attributes {stable_mosaic.version = 14 : i64} {
  func.func @_tc_kernel(%arg0: i32, %arg1: memref<1920x768xf32, #tpu.memory_space<vmem>>, %arg2: memref<1920x1xi32, #tpu.memory_space<vmem>>, %arg3: memref<2x16xf32, #tpu.memory_space<vmem>>, %arg4: memref<768x16xf32, #tpu.memory_space<vmem>>, %arg5: memref<1920x16xf32, #tpu.memory_space<vmem>>) attributes {dimension_semantics = [#tpu.dimension_semantics<arbitrary>], iteration_bounds = array<i64: 4>, scalar_prefetch = 0 : i64, scratch_operands = 0 : i64, tpu.core_type = #tpu.core_type<tc>, window_params = [{transform_indices = @transform_0, window_bounds = array<i64: 1920, 768>}, {transform_indices = @transform_1, window_bounds = array<i64: 1920, 1>}, {pipeline_mode = #tpu.pipeline_mode<synchronous>, transform_indices = @transform_2, window_bounds = array<i64: 2, 16>}, {pipeline_mode = #tpu.pipeline_mode<synchronous>, transform_indices = @transform_3, window_bounds = array<i64: 768, 16>}, {transform_indices = @transform_4, window_bounds = array<i64: 1920, 16>}]} {
    %get3A = arith.constant 0 : index
    %get3A_0 = arith.constant 0 : index
    %get3A_1 = vector.load %arg1[%get3A, %get3A_0] : memref<1920x768xf32, #tpu.memory_space<vmem>>, vector<1920x768xf32>
    %get3A_2 = arith.constant 0 : index
    %get3A_3 = arith.constant 0 : index
    %get3A_4 = vector.load %arg4[%get3A_2, %get3A_3] : memref<768x16xf32, #tpu.memory_space<vmem>>, vector<768x16xf32>
    %dot_general3A = arith.constant dense<0.000000e+00> : vector<1920x16xf32>
    %dot_general3A_5 = tpu.matmul %get3A_1, %get3A_4, %dot_general3A {dimension_numbers = #tpu.dot_dimension_numbers<[1], [0], [0], [1], [0, 0, 1, 1], [], []>, transpose_lhs_hint = false} : vector<1920x768xf32>, vector<768x16xf32>, vector<1920x16xf32> -> vector<1920x16xf32>
    %get3A_6 = arith.constant 0 : index
    %get3A_7 = arith.constant 0 : index
    %get3A_8 = vector.load %arg2[%get3A_6, %get3A_7] : memref<1920x1xi32, #tpu.memory_space<vmem>>, vector<1920x1xi32>
    %convert_element_type3A = arith.sitofp %get3A_8 : vector<1920x1xi32> to vector<1920x1xf32>
    %get3A_9 = arith.constant 0 : index
    %get3A_10 = arith.constant 0 : index
    %get3A_11 = vector.load %arg3[%get3A_9, %get3A_10] : memref<2x16xf32, #tpu.memory_space<vmem>>, vector<1x16xf32>
    %add3A = vector.broadcast %get3A_11 : vector<1x16xf32> to vector<1920x16xf32>
    %add3A_12 = arith.addf %dot_general3A_5, %add3A : vector<1920x16xf32>
    %get3A_13 = arith.constant 1 : index
    %get3A_14 = arith.constant 0 : index
    %get3A_15 = vector.load %arg3[%get3A_13, %get3A_14] : memref<2x16xf32, #tpu.memory_space<vmem>>, vector<1x16xf32>
    %mul3A = vector.broadcast %convert_element_type3A : vector<1920x1xf32> to vector<1920x16xf32>
    %mul3A_16 = vector.broadcast %get3A_15 : vector<1x16xf32> to vector<1920x16xf32>
    %mul3A_17 = arith.mulf %mul3A, %mul3A_16 : vector<1920x16xf32>
    %add3A_18 = arith.addf %add3A_12, %mul3A_17 : vector<1920x16xf32>
    %swap3A = arith.constant 0 : index
    %swap3A_19 = arith.constant 0 : index
    %swap3A_20 = vector.load %arg5[%swap3A, %swap3A_19] : memref<1920x16xf32, #tpu.memory_space<vmem>>, vector<1920x16xf32>
    tpu.vector_store %arg5[%swap3A, %swap3A_19], %add3A_18 {strides = array<i32>} : memref<1920x16xf32, #tpu.memory_space<vmem>>, vector<1920x16xf32>,
    return
  }
  func.func @transform_0(%arg0: i32) -> (i32, i32) {
    %c0_i32 = arith.constant 0 : i32
    %c0_i32_0 = arith.constant 0 : i32
    return %arg0, %c0_i32 : i32, i32
  }
  func.func @transform_1(%arg0: i32) -> (i32, i32) {
    %c0_i32 = arith.constant 0 : i32
    %c0_i32_0 = arith.constant 0 : i32
    return %arg0, %c0_i32 : i32, i32
  }
  func.func @transform_2(%arg0: i32) -> (i32, i32) {
    %c0_i32 = arith.constant 0 : i32
    %c0_i32_0 = arith.constant 0 : i32
    %c0_i32_1 = arith.constant 0 : i32
    return %c0_i32, %c0_i32_0 : i32, i32
  }
  func.func @transform_3(%arg0: i32) -> (i32, i32) {
    %c0_i32 = arith.constant 0 : i32
    %c0_i32_0 = arith.constant 0 : i32
    %c0_i32_1 = arith.constant 0 : i32
    return %c0_i32, %c0_i32_0 : i32, i32
  }
  func.func @transform_4(%arg0: i32) -> (i32, i32) {
    %c0_i32 = arith.constant 0 : i32
    %c0_i32_0 = arith.constant 0 : i32
    return %arg0, %c0_i32 : i32, i32
  }
}

</mosaic_0001>

<sc_bundles>
// kernel: kernel.5.cloned.1.call-start
scs
__scs_entry_jumppad:
0x0: {  	(pc) =	sbr.rel $0x88, $3  }
0x1: {  	(tag) =	ssettag $0x0;
	lr =	simm.s32 $0x1  }
0x2: {  	[smem:$0x3F9C] =	sst lr;
	_ =	strace $0xD0000000  }
0x3: {  	_ = 	snop  }
0x4: {  	_ = 	snop  }
0x5: {  	_ = 	snop  }
0x6: {  	_ = 	snop  }
0x7: {  	_ = 	snop  }
__scs_overlays_trampoline_lowered:
0x8: {  	[smem:$0x3FAB] =	sst s0  }
0x9: {  	[smem:$0x3FAC] =	sst s1  }
0xa: {  	[smem:$0x3FAD] =	sst s2  }
0xb: {  	[smem:$0x3FAE] =	sst s3  }
0xc: {  	[smem:$0x3FAF] =	sst s4  }
0xd: {  	[smem:$0x3FB0] =	sst s5  }
0xe: {  	[smem:$0x3FB1] =	sst s6  }
0xf: {  	[smem:$0x3FB2] =	sst s7  }
0x10: {  	[smem:$0x3FB3] =	sst s8  }
0x11: {  	[smem:$0x3FB4] =	sst s9;
	s0 =	simm.s32 @!p0 $0x0  }
0x12: {  	s1 =	sld [smem:$0x3F9A];
	s0 =	simm.s32 @p0 $0x1  }
0x13: {  	[smem:$0x3FB5] =	sst s0;
	s0 =	simm.s32 @!p1 $0x0  }
0x14: {  	s2 =	sld [smem:$0x3F99];
	s0 =	simm.s32 @p1 $0x1  }
0x15: {  	[smem:$0x3FB6] =	sst s0;
	s0 =	simm.s32 @!p2 $0x0  }
0x16: {  	s3 =	sld [smem:$0x3FDB];
	s0 =	simm.s32 @p2 $0x1  }
0x17: {  	s4 =	simm.s32 $0x1BF5;
	[smem:$0x3FB8] =	sst s0  }
0x18: {  	s0 =	sld [smem:$0x3F9B];
	_ =	swait.ge [sflag:s4], $0x0  }
0x19: {  	s7 =	sld [smem:$0x3F9C]  }
0x1a: {  	s8 =	sadd.s32 $0xFFFFE003, lr  }
0x1b: {  	s9 =	sadd.s32 $0xFFFFFEF7, lr;
	s5 =	simm.s32 $0xFFFFFFFF;
	p2 =	slt.u32 s8, $0xFFFFF086  }
0x1c: {  	p1 =	slt.u32 s9, $0xF7A;
	s5 =	simm.s32 @!p2 $0x0  }
0x1d: {  	s5 =	simm.s32 @p1 $0x1;
	p0 =	seq.s32 s7, s2  }
0x1e: {  	s7 =	smul.u32 @!p0 $0xF7A, s2;
	p2 =	seq.s32 @!p0 s5, $0x0  }
0x1f: {  	s9 =	smul.u32 $0xF7A, s1;
	s8 =	simm.s32 @!p0 $0x1BF5;
	p2 =	por !p2, p0  }
0x20: {  	[sflag:s8] =	ssyncset.s32 @!p0 $0xFFFFF086;
	s6 =	sadd.s32 @!p0 s3, s7;
	s7 =	simm.s32 @!p0 $0x108  }
0x21: {  	s3 =	sadd.s32 s3, s9;
	s6 =	sadd.s32 @!p0 $0x88, s6;
	s7 =	simm.s32 @p2 $0x1082  }
0x22: {  	[simem:s7], [sflag:s8] =	dma.local @!p0 [hbm:s6], $0xF7A  }
0x23: {  	s9 =	sor.u32 $0xD0000000, s2;
	s6 =	simm.s32 $0x108;
	_ =	swait.ge @!p0 [sflag:s8], $0x0  }
0x24: {  	s3 =	sadd.s32 $0x88, s3;
	s6 =	simm.s32 @!p1 $0x1082;
	[sflag:s4] =	ssyncset.s32 $0xFFFFF086  }
0x25: {  	[simem:s6], [sflag:s4] =	dma.local [hbm:s3], $0xF7A  }
0x26: {  	[smem:$0x3F9C] =	sst s1;
	(tag) =	ssettag s2;
	_ =	strace s9  }
0x27: {  	s1 =	sld [smem:$0x3FAC]  }
0x28: {  	s2 =	sld [smem:$0x3FAD]  }
0x29: {  	s4 =	sld [smem:$0x3FAF]  }
0x2a: {  	p0 =	seq.s32 s5, $0x0;
	s5 =	sld [smem:$0x3FB0]  }
0x2b: {  	s6 =	sld [smem:$0x3FB1]  }
0x2c: {  	s7 =	sld [smem:$0x3FB2]  }
0x2d: {  	s3 =	simm.s32 $0x108;
	s8 =	sld [smem:$0x3FB3]  }
0x2e: {  	s3 =	simm.s32 @!p0 $0x1082;
	s9 =	sld [smem:$0x3FB4]  }
0x2f: {  	lr =	sadd.s32 s0, s3;
	s0 =	sld [smem:$0x3FAB]  }
0x30: {  	s3 =	sld [smem:$0x3FAE]  }
0x31: {  	[smem:$0x3FB7] =	sst s10  }
0x32: {  	s10 =	sld [smem:$0x3FB5];
	_ =	sdelay $0x3  }
0x33: {  	p0 =	seq.s32 s10, $0x1;
	s10 =	sld [smem:$0x3FB7];
	_ =	sdelay $0x3  }
0x34: {  	[smem:$0x3FB7] =	sst s10  }
0x35: {  	s10 =	sld [smem:$0x3FB6];
	_ =	sdelay $0x3  }
0x36: {  	p1 =	seq.s32 s10, $0x1;
	s10 =	sld [smem:$0x3FB7];
	_ =	sdelay $0x3  }
0x37: {  	[smem:$0x3FB7] =	sst s10  }
0x38: {  	s10 =	sld [smem:$0x3FB8]  }
0x39: {  	_ = 	snop;
	(pc) =	sbr.ind lr, $3  }
0x3a: {  	_ = 	snop  }
0x3b: {  	_ = 	snop  }
0x3c: {  	p2 =	seq.s32 s10, $0x1;
	s10 =	sld [smem:$0x3FB7]  }
0x3d: {  	_ =	shalt  }
0x3e: {  	_ =	shalt  }
0x3f: {  	_ =	shalt  }
0x40: {  	_ =	shalt  }
0x41: {  	_ =	shalt  }
0x42: {  	_ =	shalt  }
0x43: {  	_ =	shalt  }
0x44: {  	_ =	shalt  }
0x45: {  	_ =	shalt  }
0x46: {  	_ =	shalt  }
0x47: {  	_ =	shalt  }
0x48: {  	_ =	shalt  }
0x49: {  	_ =	shalt  }
0x4a: {  	_ =	shalt  }
0x4b: {  	_ =	shalt  }
0x4c: {  	_ =	shalt  }
0x4d: {  	_ =	shalt  }
0x4e: {  	_ =	shalt  }
0x4f: {  	_ =	shalt  }
0x50: {  	_ =	shalt  }
0x51: {  	_ =	shalt  }
0x52: {  	_ =	shalt  }
0x53: {  	_ =	shalt  }
0x54: {  	_ =	shalt  }
0x55: {  	_ =	shalt  }
0x56: {  	_ =	shalt  }
0x57: {  	_ =	shalt  }
0x58: {  	_ =	shalt  }
0x59: {  	_ =	shalt  }
0x5a: {  	_ =	shalt  }
0x5b: {  	_ =	shalt  }
0x5c: {  	_ =	shalt  }
0x5d: {  	_ =	shalt  }
0x5e: {  	_ =	shalt  }
0x5f: {  	_ =	shalt  }
0x60: {  	_ =	shalt  }
0x61: {  	_ =	shalt  }
0x62: {  	_ =	shalt  }
0x63: {  	_ =	shalt  }
0x64: {  	_ =	shalt  }
0x65: {  	_ =	shalt  }
0x66: {  	_ =	shalt  }
0x67: {  	_ =	shalt  }
0x68: {  	_ =	shalt  }
0x69: {  	_ =	shalt  }
0x6a: {  	_ =	shalt  }
0x6b: {  	_ =	shalt  }
0x6c: {  	_ =	shalt  }
0x6d: {  	_ =	shalt  }
0x6e: {  	_ =	shalt  }
0x6f: {  	_ =	shalt  }
0x70: {  	_ =	shalt  }
0x71: {  	_ =	shalt  }
0x72: {  	_ =	shalt  }
0x73: {  	_ =	shalt  }
0x74: {  	_ =	shalt  }
0x75: {  	_ =	shalt  }
0x76: {  	_ =	shalt  }
0x77: {  	_ =	shalt  }
0x78: {  	_ =	shalt  }
0x79: {  	_ =	shalt  }
0x7a: {  	_ =	shalt  }
0x7b: {  	_ =	shalt  }
0x7c: {  	_ =	shalt  }
0x7d: {  	_ =	shalt  }
0x7e: {  	_ =	shalt  }
0x7f: {  	_ =	shalt  }
0x80: {  	_ =	shalt  }
0x81: {  	_ =	shalt  }
0x82: {  	_ =	shalt  }
0x83: {  	_ =	shalt  }
0x84: {  	_ =	shalt  }
0x85: {  	_ =	shalt  }
0x86: {  	_ =	shalt  }
0x87: {  	_ =	shalt  }
.Lfunc_end0:
.L_simem_size_0:
called_computation_lowered:
.L_overlay_start_0:
0x88: {  	s2 =	sld [smem:$0x3FD9]  }
0x89: {  	s3 =	sld [smem:$0x3FFE];
	_ =	sdelay $0x1  }
0x8a: {  	s1 =	srdreg.scid  }
0x8b: {  	s0 =	sand.u32 $0x1, s1  }
0x8c: {  	s17 =	sshll.u32 s0, $0xA;
	s2 =	sadd.s32 s3, s2  }
0x8d: {  	s2 =	sadd.s32 s2, s17  }
0x8e: {  	[smem:$0x3FC3] =	sst s2  }
0x8f: {  	_ = 	snop  }
0x90: {  	s2 =	sld [smem:$0x3FD0];
	(tm) =	ssettm $0x1  }
0x91: {  	s18 =	sld [smem:$0x3FFB];
	_ =	sdelay $0x3  }
0x92: {  	_ =	strace s18  }
0x93: {  	s3 =	sld [smem:$0x3FFC];
	_ =	sdelay $0x3  }
0x94: {  	_ =	strace s3  }
0x95: {  	s3 =	sld [smem:$0x3FFD];
	_ =	sdelay $0x3  }
0x96: {  	_ =	strace s3  }
0x97: {  	_ =	strace $0x8FFFFFFF  }
0x98: {  	s19 =	sld [smem:$0x3FDB];
	_ =	sdelay $0x1  }
0x99: {  	s4 =	simm.s32 $_scs_section_size  }
0x9a: {  	s5 =	simm.s32 $_size__tile_overlayer_lowered;
	s6 =	simm.s32 $_tile_overlayer_lowered  }
0x9b: {  	s22 =	simm.s32 $0x1BFF;
	s21 =	sshll.u32 s6, $0x1;
	s3 =	sadd.s32 s4, s19  }
0x9c: {  	s7 =	simm.s32 $0x0;
	s20 =	sshll.u32 s5, $0x1;
	s5 =	sadd.s32 s21, s3  }
0x9d: {  	[timem:s7], [sflag:s22] =	dma.local [hbm:s5], s20  }
0x9e: {  	_ =	swait.ge [sflag:s22], s20  }
0x9f: {  	s4 =	ssub.s32 $0x0, s20;
	[sflag:s22] =	ssyncset.done $0x0  }
0xa0: {  	[sflag:s22] =	ssyncadd.s32 s4;
	_ =	sdelay $0x1  }
0xa1: {  	s23 =	simm.s32 $0x1B8B  }
0xa2: {  	_ =	swait.ge [sflag:s23], $0x1  }
0xa3: {  	[sflag:s23] =	ssyncset.done $0x0  }
0xa4: {  	s25 =	simm.s32 $0x1B8E;
	s24 =	sld [smem:$0x3FFE];
	[sflag:s23] =	ssyncadd.s32 $0xFFFFFFFF  }
0xa5: {  	s26 =	simm.s32 $execute0_lowered;
	[smem:$0x3FD2] =	sst s25  }
0xa6: {  	s5 =	sshll.u32 s26, $0x1;
	_ =	strace $0x80000046;
	[dreg:$0x1] =	wrdreg $0xFFFFFFFF  }
0xa7: {  	s28 =	simm.s32 $_size_execute0_lowered;
	s3 =	sadd.s32 s3, s5;
	[dreg:$0x0] =	wrdreg $0x0  }
0xa8: {  	s5 =	sshll.u32 s28, $0x1;
	[dreg:$0x2] =	wrdreg s3  }
0xa9: {  	[dreg:$0x3] =	wrdreg s5  }
0xaa: {  	[dreg:$0x4] =	wrdreg $0xC0  }
0xab: {  	_ =	task [dreg:s7], $0x5FFFF  }
0xac: {  	[dreg:$0x1] =	wrdreg $0xFFFFFFFF  }
0xad: {  	[dreg:$0x0] =	wrdreg $0x60  }
0xae: {  	[dreg:$0x2] =	wrdreg s24  }
0xaf: {  	[dreg:$0x3] =	wrdreg s2  }
0xb0: {  	[dreg:$0x4] =	wrdreg $0x9  }
0xb1: {  	_ =	task.clear_ibuf [dreg:s7], $0x5FFFF;
	_ =	strace $0x90000046  }
0xb2: {  	s29 =	simm.s32 $0x9;
	_ =	strace $0x80000048  }
0xb3: {  	_ =	swait.ge [sflag:s29], $0x1  }
0xb4: {  	[sflag:s29] =	ssyncadd.s32 $0xFFFFFFFF  }
0xb5: {  	_ =	strace $0x90000048  }
0xb6: {  	_ =	sfence  }
0xb7: {  	s30 =	sld [smem:$0x0];
	_ =	sdelay $0x2  }
0xb8: {  	s31 =	sshll.u32 s1, $0xD;
	s1 =	sshrl.u32 s1, $0x2  }
0xb9: {  	s3 =	sand.u32 $0x4000, s31;
	s1 =	sadd.s32 s1, s30  }
0xba: {  	s0 =	sor.u32 s3, s0;
	s1 =	sshll.u32 s1, $0x11  }
0xbb: {  	s0 =	sor.u32 s1, s0  }
0xbc: {  	s0 =	sadd.s32 $0x8F2B, s0  }
0xbd: {  	[sflag:s0] =	ssyncadd.remote.s32 $0x1  }
0xbe: {  	_ =	sfence.sel $0xFFFF  }
0xbf: {  	[dreg:$0x0] =	wrdreg $0xFFFFFFFF;
	(pc) =	sbr.abs _section_cstart, $3  }
0xc0: {  	[dreg:$0x1] =	wrdreg $0xFFFFFFFF  }
0xc1: {  	_ =	task.clear_ibuf [dreg:s7], $0x2FFFF;
	_ =	strace $0x9FFFFFFF  }
0xc2: {  	(tm) =	ssettm $0x7FFFFFFF  }
0xc3: {  	_ =	shalt  }
tec
execute0_lowered:
.L_overlay_start_1:
0x0: {  	(tag) =	ssettag $0x1  }
0x1: {  	s1 =	srdreg.scid  }
0x2: {  	s0 =	stileid.u32;
	s7 =	rddreg [dreg:$0x0]  }
0x3: {  	s2 =	rddreg [dreg:$0x1];
	s3 =	simm.s32 $0x0;
	s11 =	simm.s32 $0x6000  }
0x4: {  	s12 =	simm.s32 $0x6080;
	s5 =	sand.u32 $0x1, s1;
	s31 =	sshll.u32 s0, $0x1  }
0x5: {  	s13 =	simm.s32 $0x6100;
	s14 =	simm.s32 $0x0;
	s6 =	sor.u32 s5, s31  }
0x6: {  	[smem:$0x7FF] =	sst s3;
	s5 =	ssub.s32 $0x2, s5;
	s1 =	sshll.u32 s6, $0x4  }
0x7: {  	s6 =	sshll.u32 s6, $0x5;
	s10 =	sshrl.u32 s5, $0x1;
	s8 =	sor.u32 $0x1E00, s1  }
0x8: {  	s1 =	rddreg [dreg:$0x2];
	s4 =	smul.u32 $0x60, s8;
	s8 =	sshrl.u32 s8, $0x3  }
0x9: {  	_ =	strace $0x80000047;
	s10 =	ssub.s32 s5, s10;
	s8 =	sadd.s32 s8, s7  }
0xa: {  	s9 =	sadd.s32 s4, s7;
	s4 =	sadd.s32 $0xC00, s7;
	s7 =	sadd.s32 s6, s7  }
0xb: {  	s6 =	sadd.s32 $0x800, s8;
	s8 =	smax.u32 s10, $0x1;
	s10 =	simm.s32 $0x3000  }
0xc: {  	s5 =	sadd.s32 $0xE00, s9;
	s7 =	sadd.s32 $0xC0E00, s7;
	s9 =	simm.s32 $0x1  }
.LBB2_1:
0xd: {  	[tilespmem:s3], [sflag:$0x1] =	stream.linear.gather [hbm4b:s5+s3], $0x3000, $0x38;
	[tilespmem:$0x6200] =	vst v63  }
0xe: {  	_ =	swait.ge [sflag:s9], $0x3000  }
0xf: {  	[sflag:s9] =	ssyncset.done $0x0  }
0x10: {  	[sflag:s9] =	ssyncadd.s32 $0xFFFFD000  }
0x11: {  	[tilespmem:s10], [sflag:$0x1] =	stream.linear.gather [hbm4b:s2+s3], $0x3000, $0x38;
	[tilespmem:$0x6200] =	vst v63  }
0x12: {  	_ =	swait.ge [sflag:s9], $0x3000  }
0x13: {  	[sflag:s9] =	ssyncset.done $0x0  }
0x14: {  	[sflag:s9] =	ssyncadd.s32 $0xFFFFD000  }
0x15: {  	[tilespmem:s11], [sflag:$0x1] =	stream.linear.gather [hbm4b:s4+s3], $0x80, $0x38;
	[tilespmem:$0x6200] =	vst v63  }
0x16: {  	_ =	swait.ge [sflag:s9], $0x80  }
0x17: {  	[sflag:s9] =	ssyncset.done $0x0  }
0x18: {  	[sflag:s9] =	ssyncadd.s32 $0xFFFFFF80  }
0x19: {  	[tilespmem:s12], [sflag:$0x1] =	stream.linear.gather [hbm4b:s6+s3], $0x10, $0x38;
	[tilespmem:$0x6200] =	vst v63  }
0x1a: {  	_ =	swait.ge [sflag:s9], $0x10  }
0x1b: {  	[sflag:s9] =	ssyncset.done $0x0  }
0x1c: {  	s15 =	sand.u32 $0x3F0, s3;
	[sflag:s9] =	ssyncadd.s32 $0xFFFFFFF0  }
0x1d: {  	v5 =	vld [tilespmem:s15+$0x600]  }
0x1e: {  	v1 =	vld [tilespmem:s3+$0x0]  }
0x1f: {  	v6 =	vld [tilespmem:s15+$0x900]  }
0x20: {  	v4 =	vld [tilespmem:s15+$0x300];
	_ =	sdelay $0x1  }
0x21: {  	v0 =	vbroadcast v5, $0xE;
	_ =	sdelay $0x1  }
0x22: {  	v9 =	vbroadcast v1, $0xF;
	[tilespmem:$0x1FE90] =	vst v0;
	v0 =	vbroadcast v6, $0xE  }
0x23: {  	v14 =	vbroadcast v4, $0xF;
	v27 =	vbroadcast v5, $0xF  }
0x24: {  	v26 =	vbroadcast v6, $0xF;
	[tilespmem:$0x1FEA0] =	vst v0;
	v0 =	vbroadcast v5, $0xD  }
0x25: {  	v21 =	vbroadcast v1, $0xE;
	v22 =	vbroadcast v4, $0xE  }
0x26: {  	v29 =	vbroadcast v1, $0xD;
	[tilespmem:$0x1FEB0] =	vst v0;
	v0 =	vbroadcast v6, $0xD  }
0x27: {  	v30 =	vbroadcast v4, $0xD;
	v34 =	vbroadcast v1, $0xC  }
0x28: {  	v35 =	vbroadcast v4, $0xC;
	[tilespmem:$0x1FEC0] =	vst v0;
	v0 =	vbroadcast v5, $0xC  }
0x29: {  	v39 =	vbroadcast v1, $0xB;
	v40 =	vbroadcast v4, $0xB  }
0x2a: {  	v43 =	vbroadcast v1, $0xA;
	[tilespmem:$0x1FED0] =	vst v0;
	v0 =	vbroadcast v6, $0xC  }
0x2b: {  	v44 =	vbroadcast v4, $0xA;
	v47 =	vbroadcast v1, $0x9  }
0x2c: {  	v48 =	vbroadcast v4, $0x9;
	[tilespmem:$0x1FEE0] =	vst v0;
	v0 =	vbroadcast v5, $0xB  }
0x2d: {  	v55 =	vbroadcast v1, $0x8;
	v58 =	vbroadcast v4, $0x8  }
0x2e: {  	v59 =	vbroadcast v1, $0x7;
	[tilespmem:$0x1FEF0] =	vst v0;
	v0 =	vbroadcast v6, $0xB  }
0x2f: {  	v61 =	vbroadcast v4, $0x7;
	v50 =	vbroadcast v1, $0x6  }
0x30: {  	v51 =	vbroadcast v4, $0x6;
	[tilespmem:$0x1FF00] =	vst v0;
	v0 =	vbroadcast v5, $0xA  }
0x31: {  	v33 =	vbroadcast v5, $0x6;
	v31 =	vbroadcast v6, $0x6  }
0x32: {  	v53 =	vbroadcast v1, $0x5;
	[tilespmem:$0x1FF10] =	vst v0;
	v0 =	vbroadcast v6, $0xA  }
0x33: {  	v54 =	vbroadcast v4, $0x5;
	v38 =	vbroadcast v5, $0x5  }
0x34: {  	v37 =	vbroadcast v6, $0x5;
	[tilespmem:$0x1FF20] =	vst v0;
	v0 =	vbroadcast v5, $0x9  }
0x35: {  	s15 =	simm.s32 $0x3080;
	v56 =	vbroadcast v1, $0x4;
	v57 =	vbroadcast v4, $0x4  }
0x36: {  	v15 =	vld [tilespmem:s15+$0x70];
	v42 =	vbroadcast v5, $0x4;
	[tilespmem:$0x1FF30] =	vst v0;
	v0 =	vbroadcast v6, $0x9  }
0x37: {  	v2 =	vbroadcast v1, $0x3;
	v3 =	vbroadcast v4, $0x3  }
0x38: {  	v49 =	vbroadcast v5, $0x3;
	[tilespmem:$0x1FF40] =	vst v0;
	v0 =	vbroadcast v5, $0x8  }
0x39: {  	v7 =	vbroadcast v1, $0x2;
	v8 =	vbroadcast v4, $0x2  }
0x3a: {  	v13 =	vbroadcast v1, $0x1;
	[tilespmem:$0x1FF50] =	vst v0;
	v0 =	vbroadcast v6, $0x8  }
0x3b: {  	v18 =	vld [tilespmem:s15+$0x60];
	v16 =	vbroadcast v1, $0x0;
	v1 =	vmul.f32 v15, v9  }
0x3c: {  	v23 =	vld [tilespmem:s15+$0x50];
	v12 =	vbroadcast v4, $0x1;
	[tilespmem:$0x1FF60] =	vst v0;
	v0 =	vbroadcast v5, $0x7  }
0x3d: {  	v28 =	vld [tilespmem:s15+$0x40];
	v10 =	vbroadcast v5, $0x1;
	[tilespmem:$0x1FFB0] =	vst v1;
	v1 =	vmul.f32 v15, v14  }
0x3e: {  	v32 =	vld [tilespmem:s15+$0x30];
	v17 =	vbroadcast v4, $0x0;
	[tilespmem:$0x1FF70] =	vst v0;
	v0 =	vbroadcast v6, $0x7  }
0x3f: {  	v36 =	vld [tilespmem:s15+$0x20];
	v19 =	vbroadcast v5, $0x0;
	v45 =	vbroadcast v6, $0x4;
	[tilespmem:$0x1FFC0] =	vst v1  }
0x40: {  	v60 =	vbroadcast v6, $0x3;
	v1 =	vmul.f32 v18, v21;
	[tilespmem:$0x1FF80] =	vst v0;
	v0 =	vld [tilespmem:$0x6000]  }
0x41: {  	v41 =	vld [tilespmem:s15+$0x10];
	v4 =	vbroadcast v6, $0x2;
	v11 =	vbroadcast v6, $0x1  }
0x42: {  	v46 =	vld [tilespmem:s15+$0x0];
	v20 =	vbroadcast v6, $0x0;
	[tilespmem:$0x1FFD0] =	vst v1;
	v1 =	vmul.f32 v18, v22  }
0x43: {  	v52 =	vld [tilespmem:s15+$0xFFFFFFF0];
	v29 =	vmul.f32 v23, v29;
	v30 =	vmul.f32 v23, v30  }
0x44: {  	v34 =	vmul.f32 v28, v34;
	v35 =	vmul.f32 v28, v35;
	[tilespmem:$0x1FFE0] =	vst v1;
	v1 =	vld [tilespmem:$0x6080]  }
0x45: {  	v39 =	vmul.f32 v32, v39;
	v40 =	vmul.f32 v32, v40;
	[tilespmem:$0x1FF90] =	vst v0;
	v0 =	vld [tilespmem:$0x6010]  }
0x46: {  	v43 =	vmul.f32 v36, v43;
	v44 =	vmul.f32 v36, v44;
	v9 =	vld [tilespmem:s15+$0xFFFFFFD0]  }
0x47: {  	v47 =	vmul.f32 v41, v47;
	v48 =	vmul.f32 v41, v48;
	v14 =	vld [tilespmem:s15+$0xFFFFFFC0]  }
0x48: {  	v62 =	vmul.f32 v46, v55;
	v63 =	vmul.f32 v46, v58;
	v55 =	vimm.f32 $0.0e+00;
	v21 =	vld [tilespmem:s15+$0xFFFFFFB0]  }
0x49: {  	v58 =	vimm.f32 $0.0e+00;
	v22 =	vld [tilespmem:s15+$0xFFFFFFA0];
	[tilespmem:$0x1FFF0] =	vst v1;
	v6 =	vmul.f32 v52, v61;
	v61 =	vimm.f32 $0.0e+00  }
0x4a: {  	s16 =	simm.s32 $0x10;
	s17 =	simm.s32 $0x0;
	v1 =	vld [tilespmem:s15+$0xFFFFFFE0];
	[tilespmem:$0x1FFA0] =	vst v0;
	v0 =	vbroadcast v5, $0x2;
	v5 =	vmul.f32 v52, v59;
	v59 =	vimm.f32 $0.0e+00  }
.LBB2_2:
0x4b: {  	v24 =	vld [tilespmem:s15+$0xFFFFFF90]  }
0x4c: {  	v25 =	vld [tilespmem:s15+$0xFFFFFF80];
	_ =	sdelay $0x1  }
0x4d: {  	v2 =	vmul.f32 v21, v2;
	v3 =	vmul.f32 v21, v3  }
0x4e: {  	v7 =	vmul.f32 v22, v7;
	v8 =	vmul.f32 v22, v8  }
0x4f: {  	v13 =	vmul.f32 v24, v13;
	v12 =	vmul.f32 v24, v12  }
0x50: {  	v16 =	vmul.f32 v25, v16;
	v17 =	vmul.f32 v25, v17  }
0x51: {  	v19 =	vmul.f32 v25, v19;
	v20 =	vmul.f32 v25, v20  }
0x52: {  	v10 =	vmul.f32 v24, v10;
	v16 =	vadd.f32 v16, v55;
	v17 =	vadd.f32 v17, v61  }
0x53: {  	v11 =	vmul.f32 v24, v11;
	v19 =	vadd.f32 v19, v58;
	v20 =	vadd.f32 v20, v59  }
0x54: {  	v0 =	vmul.f32 v22, v0;
	v13 =	vadd.f32 v13, v16;
	v12 =	vadd.f32 v12, v17  }
0x55: {  	v4 =	vmul.f32 v22, v4;
	v10 =	vadd.f32 v10, v19;
	v11 =	vadd.f32 v11, v20  }
0x56: {  	v7 =	vadd.f32 v7, v13;
	v8 =	vadd.f32 v8, v12;
	v12 =	vmul.f32 v21, v49  }
0x57: {  	v0 =	vadd.f32 v0, v10;
	v4 =	vadd.f32 v4, v11;
	v10 =	vmul.f32 v21, v60  }
0x58: {  	v2 =	vadd.f32 v2, v7;
	v3 =	vadd.f32 v3, v8;
	v7 =	vmul.f32 v14, v42  }
0x59: {  	v0 =	vadd.f32 v12, v0;
	v4 =	vadd.f32 v10, v4;
	v8 =	vmul.f32 v14, v45;
	_ =	sdelay $0x1  }
0x5a: {  	v0 =	vadd.f32 v7, v0;
	v4 =	vadd.f32 v8, v4;
	v7 =	vmul.f32 v9, v37  }
0x5b: {  	v50 =	vmul.f32 v1, v50;
	v51 =	vmul.f32 v1, v51  }
0x5c: {  	v8 =	vmul.f32 v1, v33;
	v1 =	vmul.f32 v1, v31;
	v4 =	vadd.f32 v7, v4;
	_ =	sdelay $0x1  }
0x5d: {  	v56 =	vmul.f32 v14, v56;
	v1 =	vadd.f32 v1, v4;
	v4 =	vld [tilespmem:$0x1FF80];
	_ =	sdelay $0x1  }
0x5e: {  	v53 =	vmul.f32 v9, v53;
	v2 =	vadd.f32 v56, v2;
	_ =	sdelay $0x1  }
0x5f: {  	v2 =	vadd.f32 v53, v2  }
0x60: {  	v57 =	vmul.f32 v14, v57;
	v4 =	vmul.f32 v52, v4  }
0x61: {  	v54 =	vmul.f32 v9, v54;
	v7 =	vld [tilespmem:$0x1FF70];
	v2 =	vadd.f32 v50, v2  }
0x62: {  	v10 =	vmul.f32 v9, v38;
	v3 =	vadd.f32 v57, v3;
	v1 =	vadd.f32 v4, v1;
	v4 =	vld [tilespmem:$0x1FF60]  }
0x63: {  	v2 =	vadd.f32 v5, v2;
	v5 =	vld [tilespmem:$0x1FF50]  }
0x64: {  	v3 =	vadd.f32 v54, v3;
	v0 =	vadd.f32 v10, v0;
	_ =	sdelay $0x1  }
0x65: {  	v3 =	vadd.f32 v51, v3;
	v0 =	vadd.f32 v8, v0;
	v7 =	vmul.f32 v52, v7  }
0x66: {  	v4 =	vmul.f32 v46, v4  }
0x67: {  	v3 =	vadd.f32 v6, v3;
	v6 =	vld [tilespmem:$0x1FF30];
	v0 =	vadd.f32 v7, v0;
	v5 =	vmul.f32 v46, v5  }
0x68: {  	v1 =	vadd.f32 v4, v1;
	v4 =	vld [tilespmem:$0x1FF40]  }
0x69: {  	v0 =	vadd.f32 v5, v0;
	v5 =	vld [tilespmem:$0x1FF10];
	_ =	sdelay $0x2  }
0x6a: {  	v6 =	vmul.f32 v41, v6  }
0x6b: {  	v4 =	vmul.f32 v41, v4  }
0x6c: {  	v0 =	vadd.f32 v6, v0;
	v6 =	vld [tilespmem:$0x1FEF0];
	v5 =	vmul.f32 v36, v5  }
0x6d: {  	v1 =	vadd.f32 v4, v1;
	v4 =	vld [tilespmem:$0x1FF20]  }
0x6e: {  	v0 =	vadd.f32 v5, v0;
	v5 =	vld [tilespmem:$0x1FED0];
	_ =	sdelay $0x1  }
0x6f: {  	v2 =	vadd.f32 v62, v2;
	v7 =	vld [tilespmem:$0x1FEB0]  }
0x70: {  	v6 =	vmul.f32 v32, v6  }
0x71: {  	v2 =	vadd.f32 v47, v2;
	v4 =	vmul.f32 v36, v4  }
0x72: {  	v0 =	vadd.f32 v6, v0;
	v5 =	vmul.f32 v28, v5  }
0x73: {  	v2 =	vadd.f32 v43, v2;
	v1 =	vadd.f32 v4, v1;
	v4 =	vld [tilespmem:$0x1FF00]  }
0x74: {  	v3 =	vadd.f32 v63, v3;
	v7 =	vmul.f32 v23, v7;
	v0 =	vadd.f32 v5, v0  }
0x75: {  	v2 =	vadd.f32 v39, v2  }
0x76: {  	s18 =	sand.u32 $0x3F0, s16;
	v3 =	vadd.f32 v48, v3;
	v0 =	vadd.f32 v7, v0;
	v7 =	vld [tilespmem:$0x1FFD0]  }
0x77: {  	v14 =	vld [tilespmem:s18+$0x900];
	v2 =	vadd.f32 v34, v2  }
0x78: {  	v3 =	vadd.f32 v44, v3;
	v4 =	vmul.f32 v32, v4  }
0x79: {  	v8 =	vld [tilespmem:$0x1FE90];
	v2 =	vadd.f32 v29, v2  }
0x7a: {  	v3 =	vadd.f32 v40, v3;
	v1 =	vadd.f32 v4, v1;
	v4 =	vld [tilespmem:$0x1FEE0]  }
0x7b: {  	v2 =	vadd.f32 v7, v2;
	v7 =	vld [tilespmem:$0x1FFE0]  }
0x7c: {  	v9 =	vld [tilespmem:s18+$0x300];
	v31 =	vbroadcast v14, $0x6;
	v3 =	vadd.f32 v35, v3  }
0x7d: {  	v37 =	vbroadcast v14, $0x5;
	v45 =	vbroadcast v14, $0x4;
	v5 =	vld [tilespmem:s18+$0x600]  }
0x7e: {  	v60 =	vbroadcast v14, $0x3;
	v8 =	vmul.f32 v18, v8;
	v3 =	vadd.f32 v30, v3  }
0x7f: {  	v11 =	vbroadcast v14, $0x1;
	v4 =	vmul.f32 v28, v4  }
0x80: {  	v0 =	vadd.f32 v8, v0;
	v3 =	vadd.f32 v7, v3;
	v7 =	vmul.f32 v15, v27  }
0x81: {  	v20 =	vbroadcast v14, $0x0;
	v22 =	vbroadcast v9, $0xF;
	v1 =	vadd.f32 v4, v1;
	v4 =	vld [tilespmem:$0x1FEC0]  }
0x82: {  	v24 =	vbroadcast v9, $0xE;
	v58 =	vadd.f32 v7, v0;
	v0 =	vbroadcast v5, $0xF  }
0x83: {  	v51 =	vbroadcast v9, $0x6;
	v54 =	vbroadcast v9, $0x5  }
0x84: {  	v57 =	vbroadcast v9, $0x4;
	[tilespmem:$0x1FE80] =	vst v0;
	v0 =	vbroadcast v5, $0xE  }
0x85: {  	s15 =	sadd.s32 $0x100, s15;
	v12 =	vbroadcast v9, $0x1;
	v17 =	vbroadcast v9, $0x0  }
0x86: {  	s17 =	sadd.s32 $0x10, s17;
	v46 =	vld [tilespmem:s15+$0x0];
	[tilespmem:$0x1FE90] =	vst v0;
	v0 =	vbroadcast v14, $0xE;
	v4 =	vmul.f32 v23, v4  }
0x87: {  	v63 =	vbroadcast v9, $0x8;
	v48 =	vbroadcast v9, $0x9;
	v6 =	vld [tilespmem:s17+$0x0]  }
0x88: {  	v44 =	vbroadcast v9, $0xA;
	v1 =	vadd.f32 v4, v1;
	v4 =	vld [tilespmem:$0x1FEA0];
	[tilespmem:$0x1FEA0] =	vst v0;
	v0 =	vbroadcast v5, $0xD  }
0x89: {  	v40 =	vbroadcast v9, $0xB;
	v35 =	vbroadcast v9, $0xC  }
0x8a: {  	v29 =	vbroadcast v14, $0xF;
	[tilespmem:$0x1FEB0] =	vst v0;
	v0 =	vbroadcast v14, $0xD  }
0x8b: {  	v30 =	vbroadcast v9, $0xD;
	v63 =	vmul.f32 v46, v63  }
0x8c: {  	v21 =	vbroadcast v6, $0xF;
	[tilespmem:$0x1FEC0] =	vst v0;
	v0 =	vbroadcast v5, $0xC  }
0x8d: {  	v25 =	vbroadcast v6, $0xD;
	v34 =	vbroadcast v6, $0xC  }
0x8e: {  	v39 =	vbroadcast v6, $0xB;
	[tilespmem:$0x1FED0] =	vst v0;
	v0 =	vbroadcast v14, $0xC  }
0x8f: {  	v41 =	vld [tilespmem:s15+$0x10];
	v43 =	vbroadcast v6, $0xA;
	v47 =	vbroadcast v6, $0x9  }
0x90: {  	v62 =	vbroadcast v6, $0x8;
	[tilespmem:$0x1FEE0] =	vst v0;
	v0 =	vbroadcast v5, $0xB  }
0x91: {  	v50 =	vbroadcast v6, $0x6;
	v53 =	vbroadcast v6, $0x5  }
0x92: {  	v56 =	vbroadcast v6, $0x4;
	[tilespmem:$0x1FEF0] =	vst v0;
	v0 =	vbroadcast v14, $0xB  }
0x93: {  	v13 =	vbroadcast v6, $0x1;
	v16 =	vbroadcast v6, $0x0  }
0x94: {  	v48 =	vmul.f32 v41, v48;
	v8 =	vld [tilespmem:$0x1FFB0];
	[tilespmem:$0x1FF00] =	vst v0;
	v0 =	vbroadcast v5, $0xA  }
0x95: {  	v47 =	vmul.f32 v41, v47;
	v62 =	vmul.f32 v46, v62  }
0x96: {  	v36 =	vld [tilespmem:s15+$0x20];
	v33 =	vbroadcast v5, $0x6;
	[tilespmem:$0x1FF10] =	vst v0;
	v0 =	vbroadcast v14, $0xA  }
0x97: {  	v38 =	vbroadcast v5, $0x5;
	v42 =	vbroadcast v5, $0x4  }
0x98: {  	v49 =	vbroadcast v5, $0x3;
	[tilespmem:$0x1FF20] =	vst v0;
	v0 =	vbroadcast v5, $0x9  }
0x99: {  	v10 =	vbroadcast v5, $0x1;
	v55 =	vadd.f32 v8, v2;
	v2 =	vld [tilespmem:$0x1FFC0];
	v4 =	vmul.f32 v18, v4  }
0x9a: {  	v19 =	vbroadcast v5, $0x0;
	v18 =	vld [tilespmem:s15+$0x60];
	[tilespmem:$0x1FF30] =	vst v0;
	v0 =	vbroadcast v14, $0x9  }
0x9b: {  	v43 =	vmul.f32 v36, v43;
	v1 =	vadd.f32 v4, v1;
	v4 =	vmul.f32 v15, v26  }
0x9c: {  	v44 =	vmul.f32 v36, v44;
	[tilespmem:$0x1FF40] =	vst v0;
	v0 =	vbroadcast v5, $0x8  }
0x9d: {  	v8 =	vbroadcast v9, $0x2;
	v32 =	vld [tilespmem:s15+$0x30];
	v59 =	vadd.f32 v4, v1;
	v1 =	vbroadcast v6, $0xE  }
0x9e: {  	v27 =	vbroadcast v9, $0x7;
	[tilespmem:$0x1FF50] =	vst v0;
	v0 =	vbroadcast v14, $0x8  }
0x9f: {  	v61 =	vadd.f32 v2, v3;
	v2 =	vbroadcast v6, $0x3;
	v15 =	vld [tilespmem:s15+$0x70];
	v1 =	vmul.f32 v18, v1  }
0xa0: {  	v3 =	vbroadcast v9, $0x3;
	v28 =	vld [tilespmem:s15+$0x40];
	[tilespmem:$0x1FF60] =	vst v0;
	v0 =	vbroadcast v5, $0x7  }
0xa1: {  	v7 =	vbroadcast v6, $0x2;
	v23 =	vld [tilespmem:s15+$0x50];
	[tilespmem:$0x1FFD0] =	vst v1;
	v1 =	vmul.f32 v18, v24  }
0xa2: {  	v52 =	vld [tilespmem:s15+$0xFFFFFFF0];
	v39 =	vmul.f32 v32, v39;
	[tilespmem:$0x1FF70] =	vst v0;
	v0 =	vbroadcast v14, $0x7  }
0xa3: {  	p0 =	sne.s32 s16, $0x2F0;
	v9 =	vld [tilespmem:s15+$0xFFFFFFD0];
	v40 =	vmul.f32 v32, v40;
	v26 =	vbroadcast v6, $0x7;
	[tilespmem:$0x1FFE0] =	vst v1  }
.Ltmp0:
0xa4: {  	v1 =	vld [tilespmem:s15+$0xFFFFFFE0];
	[tilespmem:$0x1FF80] =	vst v0;
	v0 =	vbroadcast v5, $0x2;
	v5 =	vmul.f32 v15, v21;
	(pc) =	sbr.rel @p0 .LBB2_2-.Ltmp0, $4  }
0xa5: {  	v34 =	vmul.f32 v28, v34;
	v4 =	vbroadcast v14, $0x2;
	v14 =	vld [tilespmem:s15+$0xFFFFFFC0]  }
0xa6: {  	v6 =	vmul.f32 v23, v25;
	v21 =	vld [tilespmem:s15+$0xFFFFFFB0];
	[tilespmem:$0x1FFB0] =	vst v5;
	v5 =	vmul.f32 v15, v22  }
0xa7: {  	v35 =	vmul.f32 v28, v35;
	v30 =	vmul.f32 v23, v30;
	v22 =	vld [tilespmem:s15+$0xFFFFFFA0]  }
0xa8: {  	s16 =	sadd.s32 $0x10, s16;
	[tilespmem:$0x1FFC0] =	vst v5;
	v5 =	vmul.f32 v52, v26;
	v26 =	vmovc v29;
	v29 =	vmov v6;
	v6 =	vmul.f32 v52, v27;
	v27 =	vld [tilespmem:$0x1FE80]  }
0xa9: {  	v24 =	vld [tilespmem:s15+$0xFFFFFF80];
	_ =	sdelay $0x1  }
0xaa: {  	v25 =	vld [tilespmem:s15+$0xFFFFFF90];
	v2 =	vmul.f32 v21, v2  }
0xab: {  	v3 =	vmul.f32 v21, v3;
	v7 =	vmul.f32 v22, v7  }
0xac: {  	v8 =	vmul.f32 v22, v8;
	v0 =	vmul.f32 v22, v0  }
0xad: {  	v16 =	vmul.f32 v24, v16;
	v17 =	vmul.f32 v24, v17  }
0xae: {  	v19 =	vmul.f32 v24, v19;
	v20 =	vmul.f32 v24, v20  }
0xaf: {  	v13 =	vmul.f32 v25, v13;
	v12 =	vmul.f32 v25, v12;
	v16 =	vadd.f32 v16, v55  }
0xb0: {  	v10 =	vmul.f32 v25, v10;
	v17 =	vadd.f32 v17, v61;
	v19 =	vadd.f32 v19, v58  }
0xb1: {  	v11 =	vmul.f32 v25, v11;
	v20 =	vadd.f32 v20, v59;
	v13 =	vadd.f32 v13, v16  }
0xb2: {  	v4 =	vmul.f32 v22, v4;
	v12 =	vadd.f32 v12, v17;
	v10 =	vadd.f32 v10, v19  }
0xb3: {  	v11 =	vadd.f32 v11, v20;
	v16 =	vmul.f32 v14, v57;
	v7 =	vadd.f32 v7, v13  }
0xb4: {  	v8 =	vadd.f32 v8, v12;
	v0 =	vadd.f32 v0, v10;
	v10 =	vmul.f32 v21, v49  }
0xb5: {  	v4 =	vadd.f32 v4, v11;
	v11 =	vmul.f32 v21, v60;
	v13 =	vmul.f32 v9, v54  }
0xb6: {  	v2 =	vadd.f32 v2, v7;
	v0 =	vadd.f32 v10, v0;
	v10 =	vmul.f32 v14, v56  }
0xb7: {  	v4 =	vadd.f32 v11, v4;
	v11 =	vmul.f32 v14, v42;
	v14 =	vmul.f32 v14, v45  }
0xb8: {  	v3 =	vadd.f32 v3, v8;
	v8 =	vmul.f32 v9, v53;
	v2 =	vadd.f32 v10, v2  }
0xb9: {  	v10 =	vmul.f32 v9, v38;
	v4 =	vadd.f32 v14, v4;
	v9 =	vmul.f32 v9, v37  }
0xba: {  	v12 =	vmul.f32 v1, v51;
	v7 =	vmul.f32 v1, v50;
	v2 =	vadd.f32 v8, v2  }
0xbb: {  	v8 =	vmul.f32 v1, v33;
	v4 =	vadd.f32 v9, v4;
	v1 =	vmul.f32 v1, v31;
	_ =	sdelay $0x1  }
0xbc: {  	v1 =	vadd.f32 v1, v4;
	v4 =	vld [tilespmem:$0x1FF80];
	_ =	sdelay $0x4  }
0xbd: {  	v4 =	vmul.f32 v52, v4;
	_ =	sdelay $0x1  }
0xbe: {  	v1 =	vadd.f32 v4, v1;
	v4 =	vld [tilespmem:$0x1FF60];
	_ =	sdelay $0x4  }
0xbf: {  	v4 =	vmul.f32 v46, v4;
	_ =	sdelay $0x1  }
0xc0: {  	v1 =	vadd.f32 v4, v1;
	v4 =	vld [tilespmem:$0x1FF40]  }
0xc1: {  	v2 =	vadd.f32 v7, v2;
	v7 =	vld [tilespmem:$0x1FF70]  }
0xc2: {  	v3 =	vadd.f32 v16, v3;
	v0 =	vadd.f32 v11, v0  }
0xc3: {  	v2 =	vadd.f32 v5, v2;
	v5 =	vld [tilespmem:$0x1FF50]  }
0xc4: {  	v3 =	vadd.f32 v13, v3;
	v0 =	vadd.f32 v10, v0  }
0xc5: {  	v4 =	vmul.f32 v41, v4  }
0xc6: {  	v3 =	vadd.f32 v12, v3;
	v0 =	vadd.f32 v8, v0;
	v7 =	vmul.f32 v52, v7  }
0xc7: {  	v1 =	vadd.f32 v4, v1;
	v4 =	vld [tilespmem:$0x1FF20]  }
0xc8: {  	v3 =	vadd.f32 v6, v3;
	v6 =	vld [tilespmem:$0x1FF30];
	v5 =	vmul.f32 v46, v5;
	v0 =	vadd.f32 v7, v0;
	_ =	sdelay $0x1  }
0xc9: {  	v0 =	vadd.f32 v5, v0;
	v5 =	vld [tilespmem:$0x1FF10];
	_ =	sdelay $0x1  }
0xca: {  	v4 =	vmul.f32 v36, v4  }
0xcb: {  	v6 =	vmul.f32 v41, v6  }
0xcc: {  	v1 =	vadd.f32 v4, v1;
	v4 =	vld [tilespmem:$0x1FF00]  }
0xcd: {  	v0 =	vadd.f32 v6, v0;
	v6 =	vld [tilespmem:$0x1FEF0];
	v5 =	vmul.f32 v36, v5;
	_ =	sdelay $0x1  }
0xce: {  	v0 =	vadd.f32 v5, v0;
	v5 =	vld [tilespmem:$0x1FED0];
	_ =	sdelay $0x1  }
0xcf: {  	v4 =	vmul.f32 v32, v4  }
0xd0: {  	v6 =	vmul.f32 v32, v6  }
0xd1: {  	v1 =	vadd.f32 v4, v1;
	v4 =	vld [tilespmem:$0x1FEE0]  }
0xd2: {  	v2 =	vadd.f32 v62, v2;
	v0 =	vadd.f32 v6, v0;
	v6 =	vld [tilespmem:$0x1FEB0];
	v5 =	vmul.f32 v28, v5;
	_ =	sdelay $0x1  }
0xd3: {  	v2 =	vadd.f32 v47, v2;
	v0 =	vadd.f32 v5, v0;
	v5 =	vld [tilespmem:$0x1FE90];
	_ =	sdelay $0x1  }
0xd4: {  	v2 =	vadd.f32 v43, v2;
	v4 =	vmul.f32 v28, v4  }
0xd5: {  	v3 =	vadd.f32 v63, v3;
	v6 =	vmul.f32 v23, v6  }
0xd6: {  	v2 =	vadd.f32 v39, v2;
	v1 =	vadd.f32 v4, v1;
	v4 =	vld [tilespmem:$0x1FEC0]  }
0xd7: {  	v3 =	vadd.f32 v48, v3;
	v0 =	vadd.f32 v6, v0;
	v6 =	vld [tilespmem:$0x1FFD0];
	v5 =	vmul.f32 v18, v5  }
0xd8: {  	v2 =	vadd.f32 v34, v2  }
0xd9: {  	v3 =	vadd.f32 v44, v3;
	v0 =	vadd.f32 v5, v0;
	v5 =	vld [tilespmem:$0x1FFB0]  }
0xda: {  	v2 =	vadd.f32 v29, v2  }
0xdb: {  	v7 =	vld [tilespmem:$0x1FFF0];
	v3 =	vadd.f32 v40, v3;
	v4 =	vmul.f32 v23, v4  }
0xdc: {  	v2 =	vadd.f32 v6, v2;
	v6 =	vld [tilespmem:$0x1FFE0]  }
0xdd: {  	v3 =	vadd.f32 v35, v3;
	v1 =	vadd.f32 v4, v1;
	v4 =	vld [tilespmem:$0x1FEA0]  }
0xde: {  	v2 =	vadd.f32 v5, v2;
	v5 =	vld [tilespmem:$0x1FFC0]  }
0xdf: {  	v9 =	vld [tilespmem:$0x1FFA0];
	v3 =	vadd.f32 v30, v3  }
0xe0: {  	v8 =	vld [tilespmem:$0x1FF90]  }
0xe1: {  	v3 =	vadd.f32 v6, v3  }
0xe2: {  	v6 =	vmul.f32 v15, v27;
	v4 =	vmul.f32 v18, v4  }
0xe3: {  	v3 =	vadd.f32 v5, v3;
	v5 =	vbroadcast v7, $0x0  }
0xe4: {  	v0 =	vadd.f32 v6, v0;
	v1 =	vadd.f32 v4, v1;
	v4 =	vmul.f32 v15, v26  }
0xe5: {  	v2 =	vadd.f32 v2, v8;
	v6 =	vbroadcast v7, $0x2;
	v5 =	vmul.f32 v5, v9  }
0xe6: {  	v1 =	vadd.f32 v4, v1;
	v4 =	vbroadcast v7, $0x1  }
0xe7: {  	v0 =	vadd.f32 v0, v8;
	v2 =	vadd.f32 v2, v5;
	v5 =	vmul.f32 v6, v9  }
0xe8: {  	v3 =	vadd.f32 v3, v8;
	v7 =	vbroadcast v7, $0x3;
	v4 =	vmul.f32 v4, v9  }
0xe9: {  	v0 =	vadd.f32 v0, v5  }
0xea: {  	v1 =	vadd.f32 v1, v8;
	v3 =	vadd.f32 v3, v4;
	v4 =	vmul.f32 v7, v9  }
0xeb: {  	[tilespmem:$0x6100] =	vst v2  }
0xec: {  	[tilespmem:$0x6120] =	vst v0;
	v1 =	vadd.f32 v1, v4  }
0xed: {  	s31 =	simm.s32 $0x0;
	[tilespmem:$0x6110] =	vst v3  }
0xee: {  	s15 =	sand.u32 $0x3F0, s31;
	[tilespmem:$0x6130] =	vst v1  }
0xef: {  	v0 =	vld [tilespmem:s15+$0xC00]  }
0xf0: {  	v4 =	vld [tilespmem:s15+$0xF00]  }
0xf1: {  	v5 =	vld [tilespmem:s15+$0x1200]  }
0xf2: {  	v8 =	vld [tilespmem:s15+$0x1500];
	_ =	sdelay $0x3  }
0xf3: {  	v14 =	vbroadcast v0, $0xF;
	v21 =	vbroadcast v4, $0xF  }
0xf4: {  	v28 =	vbroadcast v5, $0xF;
	v26 =	vbroadcast v8, $0xF  }
0xf5: {  	v23 =	vbroadcast v0, $0xE;
	v25 =	vbroadcast v4, $0xE  }
0xf6: {  	v1 =	vbroadcast v5, $0xE;
	v29 =	vbroadcast v0, $0xD  }
0xf7: {  	v30 =	vbroadcast v4, $0xD;
	v34 =	vbroadcast v0, $0xC  }
0xf8: {  	v35 =	vbroadcast v4, $0xC;
	v39 =	vbroadcast v0, $0xB  }
0xf9: {  	v40 =	vbroadcast v4, $0xB;
	v44 =	vbroadcast v0, $0xA  }
0xfa: {  	v45 =	vbroadcast v4, $0xA;
	v47 =	vbroadcast v0, $0x9  }
0xfb: {  	v48 =	vbroadcast v4, $0x9;
	v53 =	vbroadcast v0, $0x8  }
0xfc: {  	v56 =	vbroadcast v4, $0x8;
	v57 =	vbroadcast v0, $0x7  }
0xfd: {  	v58 =	vbroadcast v4, $0x7;
	v51 =	vbroadcast v0, $0x6  }
0xfe: {  	v52 =	vbroadcast v4, $0x6;
	[tilespmem:$0x1FD40] =	vst v1;
	v1 =	vbroadcast v8, $0xE  }
0xff: {  	v33 =	vbroadcast v5, $0x6;
	v31 =	vbroadcast v8, $0x6  }
0x100: {  	v54 =	vbroadcast v0, $0x5;
	[tilespmem:$0x1FD50] =	vst v1;
	v1 =	vbroadcast v5, $0xD  }
0x101: {  	v55 =	vbroadcast v4, $0x5;
	v38 =	vbroadcast v5, $0x5  }
0x102: {  	v37 =	vbroadcast v8, $0x5;
	[tilespmem:$0x1FD60] =	vst v1;
	v1 =	vbroadcast v8, $0xD  }
0x103: {  	v60 =	vbroadcast v0, $0x4;
	v61 =	vbroadcast v4, $0x4  }
0x104: {  	v43 =	vbroadcast v5, $0x4;
	[tilespmem:$0x1FD70] =	vst v1;
	v1 =	vbroadcast v5, $0xC  }
0x105: {  	v42 =	vbroadcast v8, $0x4;
	v2 =	vbroadcast v0, $0x3  }
0x106: {  	v3 =	vbroadcast v4, $0x3;
	[tilespmem:$0x1FD80] =	vst v1;
	v1 =	vbroadcast v8, $0xC  }
0x107: {  	v49 =	vbroadcast v5, $0x3;
	v7 =	vbroadcast v0, $0x2  }
0x108: {  	v9 =	vbroadcast v4, $0x2;
	[tilespmem:$0x1FD90] =	vst v1;
	v1 =	vbroadcast v5, $0xB  }
0x109: {  	s15 =	simm.s32 $0x3080;
	v13 =	vbroadcast v0, $0x1;
	v12 =	vbroadcast v4, $0x1  }
0x10a: {  	v15 =	vld [tilespmem:s15+$0x70];
	v10 =	vbroadcast v5, $0x1;
	[tilespmem:$0x1FDA0] =	vst v1;
	v1 =	vbroadcast v8, $0xB  }
0x10b: {  	v22 =	vld [tilespmem:s15+$0x50];
	v16 =	vbroadcast v0, $0x0;
	v18 =	vbroadcast v4, $0x0  }
0x10c: {  	v27 =	vld [tilespmem:s15+$0x40];
	v19 =	vbroadcast v5, $0x0;
	[tilespmem:$0x1FDB0] =	vst v1;
	v1 =	vbroadcast v5, $0xA  }
0x10d: {  	v59 =	vbroadcast v8, $0x3;
	v6 =	vbroadcast v8, $0x2  }
0x10e: {  	v32 =	vld [tilespmem:s15+$0x30];
	v11 =	vbroadcast v8, $0x1;
	[tilespmem:$0x1FDC0] =	vst v1;
	v1 =	vbroadcast v8, $0xA  }
0x10f: {  	v17 =	vld [tilespmem:s15+$0x60];
	v20 =	vbroadcast v8, $0x0;
	v0 =	vmul.f32 v15, v14  }
0x110: {  	v36 =	vld [tilespmem:s15+$0x20];
	v29 =	vmul.f32 v22, v29;
	[tilespmem:$0x1FDD0] =	vst v1;
	v1 =	vbroadcast v5, $0x9  }
0x111: {  	v30 =	vmul.f32 v22, v30;
	v34 =	vmul.f32 v27, v34  }
0x112: {  	v41 =	vld [tilespmem:s15+$0x10];
	v35 =	vmul.f32 v27, v35;
	[tilespmem:$0x1FDE0] =	vst v1;
	v1 =	vbroadcast v8, $0x9  }
0x113: {  	v39 =	vmul.f32 v32, v39;
	[tilespmem:$0x1FE40] =	vst v0;
	v0 =	vmul.f32 v15, v21  }
0x114: {  	v46 =	vld [tilespmem:s15+$0x0];
	v40 =	vmul.f32 v32, v40;
	[tilespmem:$0x1FDF0] =	vst v1;
	v1 =	vbroadcast v5, $0x8  }
0x115: {  	v50 =	vld [tilespmem:s15+$0xFFFFFFF0];
	v44 =	vmul.f32 v36, v44;
	[tilespmem:$0x1FE50] =	vst v0;
	v0 =	vmul.f32 v17, v23  }
0x116: {  	v45 =	vmul.f32 v36, v45;
	[tilespmem:$0x1FE00] =	vst v1;
	v1 =	vbroadcast v8, $0x8  }
0x117: {  	v47 =	vmul.f32 v41, v47;
	[tilespmem:$0x1FE60] =	vst v0;
	v0 =	vmul.f32 v17, v25  }
0x118: {  	v48 =	vmul.f32 v41, v48;
	v14 =	vld [tilespmem:s15+$0xFFFFFFC0];
	[tilespmem:$0x1FE10] =	vst v1;
	v1 =	vbroadcast v5, $0x7  }
0x119: {  	v62 =	vmul.f32 v46, v53;
	v63 =	vmul.f32 v46, v56;
	[tilespmem:$0x1FE70] =	vst v0;
	v0 =	vld [tilespmem:s15+$0xFFFFFFE0]  }
0x11a: {  	v4 =	vmul.f32 v50, v57;
	[tilespmem:$0x1FE20] =	vst v1;
	v1 =	vbroadcast v8, $0x7;
	v8 =	vld [tilespmem:s15+$0xFFFFFFD0]  }
0x11b: {  	v53 =	vimm.f32 $0.0e+00;
	v56 =	vimm.f32 $0.0e+00;
	v57 =	vimm.f32 $0.0e+00;
	v21 =	vld [tilespmem:s15+$0xFFFFFFB0]  }
0x11c: {  	s16 =	simm.s32 $0x10;
	v23 =	vld [tilespmem:s15+$0xFFFFFFA0];
	[tilespmem:$0x1FE30] =	vst v1;
	v1 =	vbroadcast v5, $0x2;
	v5 =	vmul.f32 v50, v58;
	v58 =	vimm.f32 $0.0e+00  }
.LBB2_4:
0x11d: {  	v24 =	vld [tilespmem:s15+$0xFFFFFF90]  }
0x11e: {  	v25 =	vld [tilespmem:s15+$0xFFFFFF80];
	v51 =	vmul.f32 v0, v51;
	v52 =	vmul.f32 v0, v52  }
0x11f: {  	v54 =	vmul.f32 v8, v54;
	v60 =	vmul.f32 v14, v60  }
0x120: {  	v2 =	vmul.f32 v21, v2;
	v3 =	vmul.f32 v21, v3  }
0x121: {  	v7 =	vmul.f32 v23, v7;
	v9 =	vmul.f32 v23, v9  }
0x122: {  	v13 =	vmul.f32 v24, v13;
	v12 =	vmul.f32 v24, v12  }
0x123: {  	v16 =	vmul.f32 v25, v16;
	v18 =	vmul.f32 v25, v18  }
0x124: {  	v19 =	vmul.f32 v25, v19;
	v20 =	vmul.f32 v25, v20  }
0x125: {  	v10 =	vmul.f32 v24, v10;
	v16 =	vadd.f32 v16, v53;
	v18 =	vadd.f32 v18, v58  }
0x126: {  	v11 =	vmul.f32 v24, v11;
	v19 =	vadd.f32 v19, v56;
	v20 =	vadd.f32 v20, v57  }
0x127: {  	v1 =	vmul.f32 v23, v1;
	v13 =	vadd.f32 v13, v16;
	v12 =	vadd.f32 v12, v18  }
0x128: {  	v6 =	vmul.f32 v23, v6;
	v10 =	vadd.f32 v10, v19;
	v11 =	vadd.f32 v11, v20  }
0x129: {  	v7 =	vadd.f32 v7, v13;
	v9 =	vadd.f32 v9, v12;
	v12 =	vmul.f32 v21, v49  }
0x12a: {  	v1 =	vadd.f32 v1, v10;
	v6 =	vadd.f32 v6, v11;
	v10 =	vmul.f32 v21, v59  }
0x12b: {  	v2 =	vadd.f32 v2, v7;
	v3 =	vadd.f32 v3, v9;
	v7 =	vmul.f32 v14, v43  }
0x12c: {  	v1 =	vadd.f32 v12, v1;
	v6 =	vadd.f32 v10, v6;
	v9 =	vmul.f32 v14, v42  }
0x12d: {  	v55 =	vmul.f32 v8, v55;
	v61 =	vmul.f32 v14, v61;
	v2 =	vadd.f32 v60, v2  }
0x12e: {  	v1 =	vadd.f32 v7, v1;
	v6 =	vadd.f32 v9, v6;
	v7 =	vmul.f32 v8, v37  }
0x12f: {  	v10 =	vmul.f32 v8, v38;
	v8 =	vmul.f32 v0, v33  }
0x130: {  	v0 =	vmul.f32 v0, v31;
	v2 =	vadd.f32 v54, v2;
	v6 =	vadd.f32 v7, v6  }
0x131: {  	v3 =	vadd.f32 v61, v3;
	v7 =	vld [tilespmem:$0x1FE20]  }
0x132: {  	v2 =	vadd.f32 v51, v2;
	v0 =	vadd.f32 v0, v6;
	v6 =	vld [tilespmem:$0x1FE30]  }
0x133: {  	v3 =	vadd.f32 v55, v3  }
0x134: {  	v1 =	vadd.f32 v10, v1;
	v2 =	vadd.f32 v4, v2;
	v4 =	vld [tilespmem:$0x1FE00]  }
0x135: {  	v3 =	vadd.f32 v52, v3  }
0x136: {  	v1 =	vadd.f32 v8, v1  }
0x137: {  	v3 =	vadd.f32 v5, v3;
	v5 =	vld [tilespmem:$0x1FE10];
	v7 =	vmul.f32 v50, v7;
	v6 =	vmul.f32 v50, v6;
	_ =	sdelay $0x1  }
0x138: {  	v1 =	vadd.f32 v7, v1;
	v4 =	vmul.f32 v46, v4;
	v0 =	vadd.f32 v6, v0;
	v6 =	vld [tilespmem:$0x1FDE0];
	_ =	sdelay $0x1  }
0x139: {  	v1 =	vadd.f32 v4, v1;
	v4 =	vld [tilespmem:$0x1FDF0]  }
0x13a: {  	v5 =	vmul.f32 v46, v5;
	_ =	sdelay $0x1  }
0x13b: {  	v0 =	vadd.f32 v5, v0;
	v5 =	vld [tilespmem:$0x1FDC0];
	v6 =	vmul.f32 v41, v6;
	_ =	sdelay $0x1  }
0x13c: {  	v4 =	vmul.f32 v41, v4;
	v1 =	vadd.f32 v6, v1;
	v6 =	vld [tilespmem:$0x1FDA0];
	_ =	sdelay $0x1  }
0x13d: {  	v0 =	vadd.f32 v4, v0;
	v4 =	vld [tilespmem:$0x1FDD0]  }
0x13e: {  	v5 =	vmul.f32 v36, v5;
	_ =	sdelay $0x1  }
0x13f: {  	v1 =	vadd.f32 v5, v1;
	v5 =	vld [tilespmem:$0x1FD80];
	v6 =	vmul.f32 v32, v6;
	_ =	sdelay $0x1  }
0x140: {  	v2 =	vadd.f32 v62, v2;
	v4 =	vmul.f32 v36, v4;
	v1 =	vadd.f32 v6, v1;
	v6 =	vld [tilespmem:$0x1FD60];
	_ =	sdelay $0x1  }
0x141: {  	v2 =	vadd.f32 v47, v2;
	v0 =	vadd.f32 v4, v0;
	v4 =	vld [tilespmem:$0x1FDB0]  }
0x142: {  	v5 =	vmul.f32 v27, v5  }
0x143: {  	v2 =	vadd.f32 v44, v2  }
0x144: {  	v3 =	vadd.f32 v63, v3;
	v1 =	vadd.f32 v5, v1;
	v6 =	vmul.f32 v22, v6  }
0x145: {  	v2 =	vadd.f32 v39, v2  }
0x146: {  	s17 =	sand.u32 $0x3F0, s16;
	v3 =	vadd.f32 v48, v3;
	v4 =	vmul.f32 v32, v4;
	v1 =	vadd.f32 v6, v1;
	v6 =	vld [tilespmem:$0x1FE60]  }
0x147: {  	v20 =	vld [tilespmem:s17+$0x1500];
	v2 =	vadd.f32 v34, v2  }
0x148: {  	v3 =	vadd.f32 v45, v3;
	v0 =	vadd.f32 v4, v0;
	v4 =	vld [tilespmem:$0x1FD90]  }
0x149: {  	v7 =	vld [tilespmem:$0x1FD40];
	v2 =	vadd.f32 v29, v2  }
0x14a: {  	v14 =	vld [tilespmem:s17+$0xF00];
	v3 =	vadd.f32 v40, v3  }
0x14b: {  	v2 =	vadd.f32 v6, v2;
	v6 =	vld [tilespmem:$0x1FE70]  }
0x14c: {  	v42 =	vbroadcast v20, $0x4;
	v59 =	vbroadcast v20, $0x3;
	v3 =	vadd.f32 v35, v3  }
0x14d: {  	v11 =	vbroadcast v20, $0x1;
	v5 =	vld [tilespmem:s17+$0x1200];
	v4 =	vmul.f32 v27, v4  }
0x14e: {  	v31 =	vbroadcast v20, $0x6;
	v7 =	vmul.f32 v17, v7;
	v3 =	vadd.f32 v30, v3  }
0x14f: {  	v37 =	vbroadcast v20, $0x5;
	v23 =	vbroadcast v14, $0xF;
	v0 =	vadd.f32 v4, v0;
	v4 =	vld [tilespmem:$0x1FD70]  }
0x150: {  	v1 =	vadd.f32 v7, v1;
	v3 =	vadd.f32 v6, v3;
	v6 =	vmul.f32 v15, v28  }
0x151: {  	v25 =	vbroadcast v14, $0xD;
	v55 =	vbroadcast v14, $0x5  }
0x152: {  	v61 =	vbroadcast v14, $0x4;
	v8 =	vld [tilespmem:s17+$0xC00];
	v56 =	vadd.f32 v6, v1;
	v1 =	vbroadcast v5, $0xE  }
0x153: {  	v9 =	vbroadcast v14, $0x2;
	v12 =	vbroadcast v14, $0x1  }
0x154: {  	v4 =	vmul.f32 v22, v4;
	[tilespmem:$0x1FD40] =	vst v1;
	v1 =	vbroadcast v20, $0xE  }
0x155: {  	v18 =	vbroadcast v14, $0x0;
	v52 =	vbroadcast v14, $0x6  }
0x156: {  	v63 =	vbroadcast v14, $0x8;
	v0 =	vadd.f32 v4, v0;
	v4 =	vld [tilespmem:$0x1FD50];
	[tilespmem:$0x1FD50] =	vst v1;
	v1 =	vbroadcast v5, $0xD  }
0x157: {  	v21 =	vbroadcast v8, $0xF;
	v24 =	vbroadcast v8, $0xD  }
0x158: {  	v62 =	vbroadcast v8, $0x8;
	[tilespmem:$0x1FD60] =	vst v1;
	v1 =	vbroadcast v20, $0xD  }
0x159: {  	v51 =	vbroadcast v8, $0x6;
	v54 =	vbroadcast v8, $0x5  }
0x15a: {  	v60 =	vbroadcast v8, $0x4;
	[tilespmem:$0x1FD70] =	vst v1;
	v1 =	vbroadcast v5, $0xC  }
0x15b: {  	s15 =	sadd.s32 $0x100, s15;
	v13 =	vbroadcast v8, $0x1;
	v16 =	vbroadcast v8, $0x0  }
0x15c: {  	v47 =	vbroadcast v8, $0x9;
	v46 =	vld [tilespmem:s15+$0x0];
	[tilespmem:$0x1FD80] =	vst v1;
	v1 =	vbroadcast v20, $0xC  }
0x15d: {  	v48 =	vbroadcast v14, $0x9;
	v44 =	vbroadcast v8, $0xA  }
0x15e: {  	v45 =	vbroadcast v14, $0xA;
	v41 =	vld [tilespmem:s15+$0x10];
	[tilespmem:$0x1FD90] =	vst v1;
	v1 =	vbroadcast v5, $0xB  }
0x15f: {  	v39 =	vbroadcast v8, $0xB;
	v40 =	vbroadcast v14, $0xB  }
0x160: {  	v34 =	vbroadcast v8, $0xC;
	v36 =	vld [tilespmem:s15+$0x20];
	[tilespmem:$0x1FDA0] =	vst v1;
	v1 =	vbroadcast v20, $0xB  }
0x161: {  	v35 =	vbroadcast v14, $0xC;
	v62 =	vmul.f32 v46, v62  }
0x162: {  	v63 =	vmul.f32 v46, v63;
	[tilespmem:$0x1FDB0] =	vst v1;
	v1 =	vbroadcast v5, $0xA  }
0x163: {  	v29 =	vbroadcast v20, $0xF;
	v47 =	vmul.f32 v41, v47  }
0x164: {  	v48 =	vmul.f32 v41, v48;
	[tilespmem:$0x1FDC0] =	vst v1;
	v1 =	vbroadcast v20, $0xA  }
0x165: {  	v44 =	vmul.f32 v36, v44;
	v45 =	vmul.f32 v36, v45  }
0x166: {  	v33 =	vbroadcast v5, $0x6;
	v7 =	vld [tilespmem:$0x1FE40];
	[tilespmem:$0x1FDD0] =	vst v1;
	v1 =	vbroadcast v5, $0x9  }
0x167: {  	v38 =	vbroadcast v5, $0x5;
	v43 =	vbroadcast v5, $0x4;
	v32 =	vld [tilespmem:s15+$0x30]  }
0x168: {  	v49 =	vbroadcast v5, $0x3;
	[tilespmem:$0x1FDE0] =	vst v1;
	v1 =	vbroadcast v20, $0x9  }
0x169: {  	v10 =	vbroadcast v5, $0x1;
	v4 =	vmul.f32 v17, v4  }
0x16a: {  	v19 =	vbroadcast v5, $0x0;
	[tilespmem:$0x1FDF0] =	vst v1;
	v1 =	vbroadcast v5, $0x8  }
0x16b: {  	v53 =	vadd.f32 v7, v2;
	v2 =	vld [tilespmem:$0x1FE50];
	v0 =	vadd.f32 v4, v0;
	v4 =	vmul.f32 v15, v26  }
0x16c: {  	v39 =	vmul.f32 v32, v39;
	v17 =	vld [tilespmem:s15+$0x60];
	[tilespmem:$0x1FE00] =	vst v1;
	v1 =	vbroadcast v20, $0x8  }
0x16d: {  	v40 =	vmul.f32 v32, v40;
	v15 =	vld [tilespmem:s15+$0x70];
	v57 =	vadd.f32 v4, v0;
	v0 =	vbroadcast v5, $0xF  }
0x16e: {  	v7 =	vbroadcast v8, $0x2;
	[tilespmem:$0x1FE10] =	vst v1;
	v1 =	vbroadcast v5, $0x7  }
0x16f: {  	v28 =	vbroadcast v14, $0x7;
	[tilespmem:$0x1FD30] =	vst v0;
	v0 =	vbroadcast v8, $0xE  }
0x170: {  	v27 =	vld [tilespmem:s15+$0x40];
	v58 =	vadd.f32 v2, v3;
	v2 =	vbroadcast v8, $0x3;
	[tilespmem:$0x1FE20] =	vst v1;
	v1 =	vbroadcast v20, $0x7  }
0x171: {  	v22 =	vld [tilespmem:s15+$0x50];
	v4 =	vbroadcast v14, $0xE;
	v0 =	vmul.f32 v17, v0  }
0x172: {  	v50 =	vld [tilespmem:s15+$0xFFFFFFF0];
	[tilespmem:$0x1FE30] =	vst v1;
	v1 =	vbroadcast v5, $0x2;
	v5 =	vmul.f32 v15, v21  }
0x173: {  	p0 =	sne.s32 s16, $0x2F0;
	v3 =	vbroadcast v14, $0x3;
	v14 =	vld [tilespmem:s15+$0xFFFFFFC0];
	[tilespmem:$0x1FE60] =	vst v0;
	v0 =	vmul.f32 v17, v4  }
.Ltmp1:
0x174: {  	v26 =	vbroadcast v8, $0x7;
	v8 =	vld [tilespmem:s15+$0xFFFFFFD0];
	[tilespmem:$0x1FE40] =	vst v5;
	v5 =	vmul.f32 v15, v23;
	(pc) =	sbr.rel @p0 .LBB2_4-.Ltmp1, $4  }
0x175: {  	v6 =	vbroadcast v20, $0x2;
	v34 =	vmul.f32 v27, v34;
	[tilespmem:$0x1FE70] =	vst v0;
	v0 =	vld [tilespmem:s15+$0xFFFFFFE0]  }
0x176: {  	v35 =	vmul.f32 v27, v35;
	v21 =	vld [tilespmem:s15+$0xFFFFFFB0];
	[tilespmem:$0x1FE50] =	vst v5;
	v5 =	vmul.f32 v22, v24  }
0x177: {  	v30 =	vmul.f32 v22, v25;
	v4 =	vmul.f32 v50, v26;
	v23 =	vld [tilespmem:s15+$0xFFFFFFA0]  }
0x178: {  	s16 =	sadd.s32 $0x10, s16;
	v26 =	vmovc v29;
	v20 =	vbroadcast v20, $0x0;
	v29 =	vmov v5;
	v5 =	vmul.f32 v50, v28;
	v28 =	vld [tilespmem:$0x1FD30]  }
0x179: {  	v24 =	vld [tilespmem:s15+$0xFFFFFF80]  }
0x17a: {  	v25 =	vld [tilespmem:s15+$0xFFFFFF90];
	_ =	sdelay $0x2  }
0x17b: {  	v2 =	vmul.f32 v21, v2;
	v3 =	vmul.f32 v21, v3  }
0x17c: {  	v16 =	vmul.f32 v24, v16;
	v19 =	vmul.f32 v24, v19  }
0x17d: {  	v18 =	vmul.f32 v24, v18;
	v13 =	vmul.f32 v25, v13  }
0x17e: {  	v10 =	vmul.f32 v25, v10;
	v16 =	vadd.f32 v16, v53;
	v19 =	vadd.f32 v19, v56  }
0x17f: {  	v7 =	vmul.f32 v23, v7;
	v12 =	vmul.f32 v25, v12;
	v18 =	vadd.f32 v18, v58  }
0x180: {  	v1 =	vmul.f32 v23, v1;
	v13 =	vadd.f32 v13, v16;
	v10 =	vadd.f32 v10, v19  }
0x181: {  	v9 =	vmul.f32 v23, v9;
	v20 =	vmul.f32 v24, v20;
	v12 =	vadd.f32 v12, v18  }
0x182: {  	v7 =	vadd.f32 v7, v13;
	v1 =	vadd.f32 v1, v10;
	v10 =	vmul.f32 v21, v49  }
0x183: {  	v11 =	vmul.f32 v25, v11;
	v20 =	vadd.f32 v20, v57;
	v9 =	vadd.f32 v9, v12  }
0x184: {  	v2 =	vadd.f32 v2, v7;
	v1 =	vadd.f32 v10, v1;
	v10 =	vmul.f32 v14, v60  }
0x185: {  	v6 =	vmul.f32 v23, v6;
	v11 =	vadd.f32 v11, v20;
	v16 =	vmul.f32 v14, v61  }
0x186: {  	v3 =	vadd.f32 v3, v9;
	v9 =	vmul.f32 v8, v54;
	v2 =	vadd.f32 v10, v2  }
0x187: {  	v6 =	vadd.f32 v6, v11;
	v11 =	vmul.f32 v21, v59;
	v12 =	vmul.f32 v0, v52  }
0x188: {  	v13 =	vmul.f32 v8, v55;
	v7 =	vmul.f32 v0, v51;
	v2 =	vadd.f32 v9, v2  }
0x189: {  	v6 =	vadd.f32 v11, v6;
	v11 =	vmul.f32 v14, v43;
	v14 =	vmul.f32 v14, v42  }
0x18a: {  	v3 =	vadd.f32 v16, v3;
	v10 =	vmul.f32 v8, v38;
	v2 =	vadd.f32 v7, v2;
	v7 =	vld [tilespmem:$0x1FE20]  }
0x18b: {  	v1 =	vadd.f32 v11, v1;
	v6 =	vadd.f32 v14, v6;
	v8 =	vmul.f32 v8, v37  }
0x18c: {  	v3 =	vadd.f32 v13, v3;
	v9 =	vmul.f32 v0, v33;
	v2 =	vadd.f32 v4, v2;
	v4 =	vld [tilespmem:$0x1FE00]  }
0x18d: {  	v1 =	vadd.f32 v10, v1;
	v6 =	vadd.f32 v8, v6;
	v0 =	vmul.f32 v0, v31  }
0x18e: {  	v3 =	vadd.f32 v12, v3  }
0x18f: {  	v1 =	vadd.f32 v9, v1;
	v0 =	vadd.f32 v0, v6;
	v6 =	vld [tilespmem:$0x1FE30];
	v7 =	vmul.f32 v50, v7;
	_ =	sdelay $0x1  }
0x190: {  	v3 =	vadd.f32 v5, v3;
	v5 =	vld [tilespmem:$0x1FE10];
	v4 =	vmul.f32 v46, v4;
	v1 =	vadd.f32 v7, v1;
	_ =	sdelay $0x1  }
0x191: {  	v1 =	vadd.f32 v4, v1;
	v4 =	vld [tilespmem:$0x1FDF0]  }
0x192: {  	v6 =	vmul.f32 v50, v6;
	_ =	sdelay $0x1  }
0x193: {  	v0 =	vadd.f32 v6, v0;
	v5 =	vmul.f32 v46, v5;
	_ =	sdelay $0x1  }
0x194: {  	v0 =	vadd.f32 v5, v0;
	v4 =	vmul.f32 v41, v4;
	_ =	sdelay $0x1  }
0x195: {  	v0 =	vadd.f32 v4, v0;
	v4 =	vld [tilespmem:$0x1FDD0]  }
0x196: {  	v6 =	vld [tilespmem:$0x1FDE0];
	_ =	sdelay $0x1  }
0x197: {  	v5 =	vld [tilespmem:$0x1FDC0];
	_ =	sdelay $0x1  }
0x198: {  	v4 =	vmul.f32 v36, v4  }
0x199: {  	v6 =	vmul.f32 v41, v6  }
0x19a: {  	v0 =	vadd.f32 v4, v0;
	v4 =	vld [tilespmem:$0x1FDB0]  }
0x19b: {  	v5 =	vmul.f32 v36, v5;
	v1 =	vadd.f32 v6, v1;
	v6 =	vld [tilespmem:$0x1FDA0];
	_ =	sdelay $0x1  }
0x19c: {  	v1 =	vadd.f32 v5, v1;
	v5 =	vld [tilespmem:$0x1FD80];
	_ =	sdelay $0x1  }
0x19d: {  	v4 =	vmul.f32 v32, v4  }
0x19e: {  	v6 =	vmul.f32 v32, v6  }
0x19f: {  	v0 =	vadd.f32 v4, v0;
	v4 =	vld [tilespmem:$0x1FD90]  }
0x1a0: {  	v2 =	vadd.f32 v62, v2;
	v5 =	vmul.f32 v27, v5;
	v1 =	vadd.f32 v6, v1;
	v6 =	vld [tilespmem:$0x1FD60];
	_ =	sdelay $0x1  }
0x1a1: {  	v2 =	vadd.f32 v47, v2;
	v1 =	vadd.f32 v5, v1;
	v5 =	vld [tilespmem:$0x1FD40];
	_ =	sdelay $0x1  }
0x1a2: {  	v2 =	vadd.f32 v44, v2;
	v4 =	vmul.f32 v27, v4  }
0x1a3: {  	v3 =	vadd.f32 v63, v3;
	v6 =	vmul.f32 v22, v6  }
0x1a4: {  	v2 =	vadd.f32 v39, v2;
	v0 =	vadd.f32 v4, v0;
	v4 =	vld [tilespmem:$0x1FD70]  }
0x1a5: {  	v3 =	vadd.f32 v48, v3;
	v5 =	vmul.f32 v17, v5;
	v1 =	vadd.f32 v6, v1;
	v6 =	vld [tilespmem:$0x1FE60]  }
0x1a6: {  	v2 =	vadd.f32 v34, v2  }
0x1a7: {  	v3 =	vadd.f32 v45, v3;
	v1 =	vadd.f32 v5, v1;
	v5 =	vld [tilespmem:$0x1FE40]  }
0x1a8: {  	v2 =	vadd.f32 v29, v2  }
0x1a9: {  	v7 =	vld [tilespmem:$0x1FFF0];
	v3 =	vadd.f32 v40, v3;
	v4 =	vmul.f32 v22, v4  }
0x1aa: {  	v2 =	vadd.f32 v6, v2;
	v6 =	vld [tilespmem:$0x1FE70]  }
0x1ab: {  	v3 =	vadd.f32 v35, v3;
	v0 =	vadd.f32 v4, v0;
	v4 =	vld [tilespmem:$0x1FD50]  }
0x1ac: {  	v2 =	vadd.f32 v5, v2;
	v5 =	vld [tilespmem:$0x1FE50]  }
0x1ad: {  	v8 =	vld [tilespmem:$0x1FF90];
	v3 =	vadd.f32 v30, v3  }
0x1ae: {  	v9 =	vld [tilespmem:$0x1FFA0]  }
0x1af: {  	v3 =	vadd.f32 v6, v3  }
0x1b0: {  	v4 =	vmul.f32 v17, v4  }
0x1b1: {  	v6 =	vmul.f32 v15, v28;
	v3 =	vadd.f32 v5, v3;
	v5 =	vbroadcast v7, $0x4  }
0x1b2: {  	v2 =	vadd.f32 v2, v8;
	v0 =	vadd.f32 v4, v0;
	v4 =	vmul.f32 v15, v26  }
0x1b3: {  	v1 =	vadd.f32 v6, v1;
	v6 =	vbroadcast v7, $0x6;
	v5 =	vmul.f32 v5, v9  }
0x1b4: {  	v0 =	vadd.f32 v4, v0;
	v4 =	vbroadcast v7, $0x5  }
0x1b5: {  	v1 =	vadd.f32 v1, v8;
	v2 =	vadd.f32 v2, v5;
	v5 =	vmul.f32 v6, v9  }
0x1b6: {  	v3 =	vadd.f32 v3, v8;
	v7 =	vbroadcast v7, $0x7;
	v4 =	vmul.f32 v4, v9  }
0x1b7: {  	v1 =	vadd.f32 v1, v5  }
0x1b8: {  	v0 =	vadd.f32 v0, v8;
	v3 =	vadd.f32 v3, v4;
	v4 =	vmul.f32 v7, v9  }
0x1b9: {  	[tilespmem:$0x6140] =	vst v2  }
0x1ba: {  	[tilespmem:$0x6160] =	vst v1;
	v0 =	vadd.f32 v0, v4  }
0x1bb: {  	s31 =	simm.s32 $0x0;
	[tilespmem:$0x6150] =	vst v3  }
0x1bc: {  	s15 =	sand.u32 $0x3F0, s31;
	[tilespmem:$0x6170] =	vst v0  }
0x1bd: {  	v0 =	vld [tilespmem:s15+$0x1800]  }
0x1be: {  	v4 =	vld [tilespmem:s15+$0x1B00]  }
0x1bf: {  	v5 =	vld [tilespmem:s15+$0x1E00]  }
0x1c0: {  	v8 =	vld [tilespmem:s15+$0x2100];
	_ =	sdelay $0x3  }
0x1c1: {  	v14 =	vbroadcast v0, $0xF;
	v21 =	vbroadcast v4, $0xF  }
0x1c2: {  	v28 =	vbroadcast v5, $0xF;
	v26 =	vbroadcast v8, $0xF  }
0x1c3: {  	v23 =	vbroadcast v0, $0xE;
	v25 =	vbroadcast v4, $0xE  }
0x1c4: {  	v1 =	vbroadcast v5, $0xE;
	v29 =	vbroadcast v0, $0xD  }
0x1c5: {  	v30 =	vbroadcast v4, $0xD;
	v34 =	vbroadcast v0, $0xC  }
0x1c6: {  	v35 =	vbroadcast v4, $0xC;
	v39 =	vbroadcast v0, $0xB  }
0x1c7: {  	v40 =	vbroadcast v4, $0xB;
	v44 =	vbroadcast v0, $0xA  }
0x1c8: {  	v45 =	vbroadcast v4, $0xA;
	v47 =	vbroadcast v0, $0x9  }
0x1c9: {  	v48 =	vbroadcast v4, $0x9;
	v53 =	vbroadcast v0, $0x8  }
0x1ca: {  	v56 =	vbroadcast v4, $0x8;
	v57 =	vbroadcast v0, $0x7  }
0x1cb: {  	v58 =	vbroadcast v4, $0x7;
	v51 =	vbroadcast v0, $0x6  }
0x1cc: {  	v52 =	vbroadcast v4, $0x6;
	[tilespmem:$0x1FBF0] =	vst v1;
	v1 =	vbroadcast v8, $0xE  }
0x1cd: {  	v33 =	vbroadcast v5, $0x6;
	v31 =	vbroadcast v8, $0x6  }
0x1ce: {  	v54 =	vbroadcast v0, $0x5;
	[tilespmem:$0x1FC00] =	vst v1;
	v1 =	vbroadcast v5, $0xD  }
0x1cf: {  	v55 =	vbroadcast v4, $0x5;
	v38 =	vbroadcast v5, $0x5  }
0x1d0: {  	v37 =	vbroadcast v8, $0x5;
	[tilespmem:$0x1FC10] =	vst v1;
	v1 =	vbroadcast v8, $0xD  }
0x1d1: {  	v60 =	vbroadcast v0, $0x4;
	v61 =	vbroadcast v4, $0x4  }
0x1d2: {  	v43 =	vbroadcast v5, $0x4;
	[tilespmem:$0x1FC20] =	vst v1;
	v1 =	vbroadcast v5, $0xC  }
0x1d3: {  	v42 =	vbroadcast v8, $0x4;
	v2 =	vbroadcast v0, $0x3  }
0x1d4: {  	v3 =	vbroadcast v4, $0x3;
	[tilespmem:$0x1FC30] =	vst v1;
	v1 =	vbroadcast v8, $0xC  }
0x1d5: {  	v49 =	vbroadcast v5, $0x3;
	v7 =	vbroadcast v0, $0x2  }
0x1d6: {  	v9 =	vbroadcast v4, $0x2;
	[tilespmem:$0x1FC40] =	vst v1;
	v1 =	vbroadcast v5, $0xB  }
0x1d7: {  	s15 =	simm.s32 $0x3080;
	v13 =	vbroadcast v0, $0x1;
	v12 =	vbroadcast v4, $0x1  }
0x1d8: {  	v15 =	vld [tilespmem:s15+$0x70];
	v10 =	vbroadcast v5, $0x1;
	[tilespmem:$0x1FC50] =	vst v1;
	v1 =	vbroadcast v8, $0xB  }
0x1d9: {  	v22 =	vld [tilespmem:s15+$0x50];
	v16 =	vbroadcast v0, $0x0;
	v18 =	vbroadcast v4, $0x0  }
0x1da: {  	v27 =	vld [tilespmem:s15+$0x40];
	v19 =	vbroadcast v5, $0x0;
	[tilespmem:$0x1FC60] =	vst v1;
	v1 =	vbroadcast v5, $0xA  }
0x1db: {  	v59 =	vbroadcast v8, $0x3;
	v6 =	vbroadcast v8, $0x2  }
0x1dc: {  	v32 =	vld [tilespmem:s15+$0x30];
	v11 =	vbroadcast v8, $0x1;
	[tilespmem:$0x1FC70] =	vst v1;
	v1 =	vbroadcast v8, $0xA  }
0x1dd: {  	v17 =	vld [tilespmem:s15+$0x60];
	v20 =	vbroadcast v8, $0x0;
	v0 =	vmul.f32 v15, v14  }
0x1de: {  	v36 =	vld [tilespmem:s15+$0x20];
	v29 =	vmul.f32 v22, v29;
	[tilespmem:$0x1FC80] =	vst v1;
	v1 =	vbroadcast v5, $0x9  }
0x1df: {  	v30 =	vmul.f32 v22, v30;
	v34 =	vmul.f32 v27, v34  }
0x1e0: {  	v41 =	vld [tilespmem:s15+$0x10];
	v35 =	vmul.f32 v27, v35;
	[tilespmem:$0x1FC90] =	vst v1;
	v1 =	vbroadcast v8, $0x9  }
0x1e1: {  	v39 =	vmul.f32 v32, v39;
	[tilespmem:$0x1FCF0] =	vst v0;
	v0 =	vmul.f32 v15, v21  }
0x1e2: {  	v46 =	vld [tilespmem:s15+$0x0];
	v40 =	vmul.f32 v32, v40;
	[tilespmem:$0x1FCA0] =	vst v1;
	v1 =	vbroadcast v5, $0x8  }
0x1e3: {  	v50 =	vld [tilespmem:s15+$0xFFFFFFF0];
	v44 =	vmul.f32 v36, v44;
	[tilespmem:$0x1FD00] =	vst v0;
	v0 =	vmul.f32 v17, v23  }
0x1e4: {  	v45 =	vmul.f32 v36, v45;
	[tilespmem:$0x1FCB0] =	vst v1;
	v1 =	vbroadcast v8, $0x8  }
0x1e5: {  	v47 =	vmul.f32 v41, v47;
	[tilespmem:$0x1FD10] =	vst v0;
	v0 =	vmul.f32 v17, v25  }
0x1e6: {  	v48 =	vmul.f32 v41, v48;
	v14 =	vld [tilespmem:s15+$0xFFFFFFC0];
	[tilespmem:$0x1FCC0] =	vst v1;
	v1 =	vbroadcast v5, $0x7  }
0x1e7: {  	v62 =	vmul.f32 v46, v53;
	v63 =	vmul.f32 v46, v56;
	[tilespmem:$0x1FD20] =	vst v0;
	v0 =	vld [tilespmem:s15+$0xFFFFFFE0]  }
0x1e8: {  	v4 =	vmul.f32 v50, v57;
	[tilespmem:$0x1FCD0] =	vst v1;
	v1 =	vbroadcast v8, $0x7;
	v8 =	vld [tilespmem:s15+$0xFFFFFFD0]  }
0x1e9: {  	v53 =	vimm.f32 $0.0e+00;
	v56 =	vimm.f32 $0.0e+00;
	v57 =	vimm.f32 $0.0e+00;
	v21 =	vld [tilespmem:s15+$0xFFFFFFB0]  }
0x1ea: {  	s16 =	simm.s32 $0x10;
	v23 =	vld [tilespmem:s15+$0xFFFFFFA0];
	[tilespmem:$0x1FCE0] =	vst v1;
	v1 =	vbroadcast v5, $0x2;
	v5 =	vmul.f32 v50, v58;
	v58 =	vimm.f32 $0.0e+00  }
.LBB2_6:
0x1eb: {  	v24 =	vld [tilespmem:s15+$0xFFFFFF90]  }
0x1ec: {  	v25 =	vld [tilespmem:s15+$0xFFFFFF80];
	v51 =	vmul.f32 v0, v51;
	v52 =	vmul.f32 v0, v52  }
0x1ed: {  	v54 =	vmul.f32 v8, v54;
	v60 =	vmul.f32 v14, v60  }
0x1ee: {  	v2 =	vmul.f32 v21, v2;
	v3 =	vmul.f32 v21, v3  }
0x1ef: {  	v7 =	vmul.f32 v23, v7;
	v9 =	vmul.f32 v23, v9  }
0x1f0: {  	v13 =	vmul.f32 v24, v13;
	v12 =	vmul.f32 v24, v12  }
0x1f1: {  	v16 =	vmul.f32 v25, v16;
	v18 =	vmul.f32 v25, v18  }
0x1f2: {  	v19 =	vmul.f32 v25, v19;
	v20 =	vmul.f32 v25, v20  }
0x1f3: {  	v10 =	vmul.f32 v24, v10;
	v16 =	vadd.f32 v16, v53;
	v18 =	vadd.f32 v18, v58  }
0x1f4: {  	v11 =	vmul.f32 v24, v11;
	v19 =	vadd.f32 v19, v56;
	v20 =	vadd.f32 v20, v57  }
0x1f5: {  	v1 =	vmul.f32 v23, v1;
	v13 =	vadd.f32 v13, v16;
	v12 =	vadd.f32 v12, v18  }
0x1f6: {  	v6 =	vmul.f32 v23, v6;
	v10 =	vadd.f32 v10, v19;
	v11 =	vadd.f32 v11, v20  }
0x1f7: {  	v7 =	vadd.f32 v7, v13;
	v9 =	vadd.f32 v9, v12;
	v12 =	vmul.f32 v21, v49  }
0x1f8: {  	v1 =	vadd.f32 v1, v10;
	v6 =	vadd.f32 v6, v11;
	v10 =	vmul.f32 v21, v59  }
0x1f9: {  	v2 =	vadd.f32 v2, v7;
	v3 =	vadd.f32 v3, v9;
	v7 =	vmul.f32 v14, v43  }
0x1fa: {  	v1 =	vadd.f32 v12, v1;
	v6 =	vadd.f32 v10, v6;
	v9 =	vmul.f32 v14, v42  }
0x1fb: {  	v55 =	vmul.f32 v8, v55;
	v61 =	vmul.f32 v14, v61;
	v2 =	vadd.f32 v60, v2  }
0x1fc: {  	v1 =	vadd.f32 v7, v1;
	v6 =	vadd.f32 v9, v6;
	v7 =	vmul.f32 v8, v37  }
0x1fd: {  	v10 =	vmul.f32 v8, v38;
	v8 =	vmul.f32 v0, v33  }
0x1fe: {  	v0 =	vmul.f32 v0, v31;
	v2 =	vadd.f32 v54, v2;
	v6 =	vadd.f32 v7, v6  }
0x1ff: {  	v3 =	vadd.f32 v61, v3;
	v7 =	vld [tilespmem:$0x1FCD0]  }
0x200: {  	v2 =	vadd.f32 v51, v2;
	v0 =	vadd.f32 v0, v6;
	v6 =	vld [tilespmem:$0x1FCE0]  }
0x201: {  	v3 =	vadd.f32 v55, v3  }
0x202: {  	v1 =	vadd.f32 v10, v1;
	v2 =	vadd.f32 v4, v2;
	v4 =	vld [tilespmem:$0x1FCB0]  }
0x203: {  	v3 =	vadd.f32 v52, v3  }
0x204: {  	v1 =	vadd.f32 v8, v1  }
0x205: {  	v3 =	vadd.f32 v5, v3;
	v5 =	vld [tilespmem:$0x1FCC0];
	v7 =	vmul.f32 v50, v7;
	v6 =	vmul.f32 v50, v6;
	_ =	sdelay $0x1  }
0x206: {  	v1 =	vadd.f32 v7, v1;
	v4 =	vmul.f32 v46, v4;
	v0 =	vadd.f32 v6, v0;
	v6 =	vld [tilespmem:$0x1FC90];
	_ =	sdelay $0x1  }
0x207: {  	v1 =	vadd.f32 v4, v1;
	v4 =	vld [tilespmem:$0x1FCA0]  }
0x208: {  	v5 =	vmul.f32 v46, v5;
	_ =	sdelay $0x1  }
0x209: {  	v0 =	vadd.f32 v5, v0;
	v5 =	vld [tilespmem:$0x1FC70];
	v6 =	vmul.f32 v41, v6;
	_ =	sdelay $0x1  }
0x20a: {  	v4 =	vmul.f32 v41, v4;
	v1 =	vadd.f32 v6, v1;
	v6 =	vld [tilespmem:$0x1FC50];
	_ =	sdelay $0x1  }
0x20b: {  	v0 =	vadd.f32 v4, v0;
	v4 =	vld [tilespmem:$0x1FC80]  }
0x20c: {  	v5 =	vmul.f32 v36, v5;
	_ =	sdelay $0x1  }
0x20d: {  	v1 =	vadd.f32 v5, v1;
	v5 =	vld [tilespmem:$0x1FC30];
	v6 =	vmul.f32 v32, v6;
	_ =	sdelay $0x1  }
0x20e: {  	v2 =	vadd.f32 v62, v2;
	v4 =	vmul.f32 v36, v4;
	v1 =	vadd.f32 v6, v1;
	v6 =	vld [tilespmem:$0x1FC10];
	_ =	sdelay $0x1  }
0x20f: {  	v2 =	vadd.f32 v47, v2;
	v0 =	vadd.f32 v4, v0;
	v4 =	vld [tilespmem:$0x1FC60]  }
0x210: {  	v5 =	vmul.f32 v27, v5  }
0x211: {  	v2 =	vadd.f32 v44, v2  }
0x212: {  	v3 =	vadd.f32 v63, v3;
	v1 =	vadd.f32 v5, v1;
	v6 =	vmul.f32 v22, v6  }
0x213: {  	v2 =	vadd.f32 v39, v2  }
0x214: {  	s17 =	sand.u32 $0x3F0, s16;
	v3 =	vadd.f32 v48, v3;
	v4 =	vmul.f32 v32, v4;
	v1 =	vadd.f32 v6, v1;
	v6 =	vld [tilespmem:$0x1FD10]  }
0x215: {  	v20 =	vld [tilespmem:s17+$0x2100];
	v2 =	vadd.f32 v34, v2  }
0x216: {  	v3 =	vadd.f32 v45, v3;
	v0 =	vadd.f32 v4, v0;
	v4 =	vld [tilespmem:$0x1FC40]  }
0x217: {  	v7 =	vld [tilespmem:$0x1FBF0];
	v2 =	vadd.f32 v29, v2  }
0x218: {  	v14 =	vld [tilespmem:s17+$0x1B00];
	v3 =	vadd.f32 v40, v3  }
0x219: {  	v2 =	vadd.f32 v6, v2;
	v6 =	vld [tilespmem:$0x1FD20]  }
0x21a: {  	v42 =	vbroadcast v20, $0x4;
	v59 =	vbroadcast v20, $0x3;
	v3 =	vadd.f32 v35, v3  }
0x21b: {  	v11 =	vbroadcast v20, $0x1;
	v5 =	vld [tilespmem:s17+$0x1E00];
	v4 =	vmul.f32 v27, v4  }
0x21c: {  	v31 =	vbroadcast v20, $0x6;
	v7 =	vmul.f32 v17, v7;
	v3 =	vadd.f32 v30, v3  }
0x21d: {  	v37 =	vbroadcast v20, $0x5;
	v23 =	vbroadcast v14, $0xF;
	v0 =	vadd.f32 v4, v0;
	v4 =	vld [tilespmem:$0x1FC20]  }
0x21e: {  	v1 =	vadd.f32 v7, v1;
	v3 =	vadd.f32 v6, v3;
	v6 =	vmul.f32 v15, v28  }
0x21f: {  	v25 =	vbroadcast v14, $0xD;
	v55 =	vbroadcast v14, $0x5  }
0x220: {  	v61 =	vbroadcast v14, $0x4;
	v8 =	vld [tilespmem:s17+$0x1800];
	v56 =	vadd.f32 v6, v1;
	v1 =	vbroadcast v5, $0xE  }
0x221: {  	v9 =	vbroadcast v14, $0x2;
	v12 =	vbroadcast v14, $0x1  }
0x222: {  	v4 =	vmul.f32 v22, v4;
	[tilespmem:$0x1FBF0] =	vst v1;
	v1 =	vbroadcast v20, $0xE  }
0x223: {  	v18 =	vbroadcast v14, $0x0;
	v52 =	vbroadcast v14, $0x6  }
0x224: {  	v63 =	vbroadcast v14, $0x8;
	v0 =	vadd.f32 v4, v0;
	v4 =	vld [tilespmem:$0x1FC00];
	[tilespmem:$0x1FC00] =	vst v1;
	v1 =	vbroadcast v5, $0xD  }
0x225: {  	v21 =	vbroadcast v8, $0xF;
	v24 =	vbroadcast v8, $0xD  }
0x226: {  	v62 =	vbroadcast v8, $0x8;
	[tilespmem:$0x1FC10] =	vst v1;
	v1 =	vbroadcast v20, $0xD  }
0x227: {  	v51 =	vbroadcast v8, $0x6;
	v54 =	vbroadcast v8, $0x5  }
0x228: {  	v60 =	vbroadcast v8, $0x4;
	[tilespmem:$0x1FC20] =	vst v1;
	v1 =	vbroadcast v5, $0xC  }
0x229: {  	s15 =	sadd.s32 $0x100, s15;
	v13 =	vbroadcast v8, $0x1;
	v16 =	vbroadcast v8, $0x0  }
0x22a: {  	v47 =	vbroadcast v8, $0x9;
	v46 =	vld [tilespmem:s15+$0x0];
	[tilespmem:$0x1FC30] =	vst v1;
	v1 =	vbroadcast v20, $0xC  }
0x22b: {  	v48 =	vbroadcast v14, $0x9;
	v44 =	vbroadcast v8, $0xA  }
0x22c: {  	v45 =	vbroadcast v14, $0xA;
	v41 =	vld [tilespmem:s15+$0x10];
	[tilespmem:$0x1FC40] =	vst v1;
	v1 =	vbroadcast v5, $0xB  }
0x22d: {  	v39 =	vbroadcast v8, $0xB;
	v40 =	vbroadcast v14, $0xB  }
0x22e: {  	v34 =	vbroadcast v8, $0xC;
	v36 =	vld [tilespmem:s15+$0x20];
	[tilespmem:$0x1FC50] =	vst v1;
	v1 =	vbroadcast v20, $0xB  }
0x22f: {  	v35 =	vbroadcast v14, $0xC;
	v62 =	vmul.f32 v46, v62  }
0x230: {  	v63 =	vmul.f32 v46, v63;
	[tilespmem:$0x1FC60] =	vst v1;
	v1 =	vbroadcast v5, $0xA  }
0x231: {  	v29 =	vbroadcast v20, $0xF;
	v47 =	vmul.f32 v41, v47  }
0x232: {  	v48 =	vmul.f32 v41, v48;
	[tilespmem:$0x1FC70] =	vst v1;
	v1 =	vbroadcast v20, $0xA  }
0x233: {  	v44 =	vmul.f32 v36, v44;
	v45 =	vmul.f32 v36, v45  }
0x234: {  	v33 =	vbroadcast v5, $0x6;
	v7 =	vld [tilespmem:$0x1FCF0];
	[tilespmem:$0x1FC80] =	vst v1;
	v1 =	vbroadcast v5, $0x9  }
0x235: {  	v38 =	vbroadcast v5, $0x5;
	v43 =	vbroadcast v5, $0x4;
	v32 =	vld [tilespmem:s15+$0x30]  }
0x236: {  	v49 =	vbroadcast v5, $0x3;
	[tilespmem:$0x1FC90] =	vst v1;
	v1 =	vbroadcast v20, $0x9  }
0x237: {  	v10 =	vbroadcast v5, $0x1;
	v4 =	vmul.f32 v17, v4  }
0x238: {  	v19 =	vbroadcast v5, $0x0;
	[tilespmem:$0x1FCA0] =	vst v1;
	v1 =	vbroadcast v5, $0x8  }
0x239: {  	v53 =	vadd.f32 v7, v2;
	v2 =	vld [tilespmem:$0x1FD00];
	v0 =	vadd.f32 v4, v0;
	v4 =	vmul.f32 v15, v26  }
0x23a: {  	v39 =	vmul.f32 v32, v39;
	v17 =	vld [tilespmem:s15+$0x60];
	[tilespmem:$0x1FCB0] =	vst v1;
	v1 =	vbroadcast v20, $0x8  }
0x23b: {  	v40 =	vmul.f32 v32, v40;
	v15 =	vld [tilespmem:s15+$0x70];
	v57 =	vadd.f32 v4, v0;
	v0 =	vbroadcast v5, $0xF  }
0x23c: {  	v7 =	vbroadcast v8, $0x2;
	[tilespmem:$0x1FCC0] =	vst v1;
	v1 =	vbroadcast v5, $0x7  }
0x23d: {  	v28 =	vbroadcast v14, $0x7;
	[tilespmem:$0x1FBE0] =	vst v0;
	v0 =	vbroadcast v8, $0xE  }
0x23e: {  	v27 =	vld [tilespmem:s15+$0x40];
	v58 =	vadd.f32 v2, v3;
	v2 =	vbroadcast v8, $0x3;
	[tilespmem:$0x1FCD0] =	vst v1;
	v1 =	vbroadcast v20, $0x7  }
0x23f: {  	v22 =	vld [tilespmem:s15+$0x50];
	v4 =	vbroadcast v14, $0xE;
	v0 =	vmul.f32 v17, v0  }
0x240: {  	v50 =	vld [tilespmem:s15+$0xFFFFFFF0];
	[tilespmem:$0x1FCE0] =	vst v1;
	v1 =	vbroadcast v5, $0x2;
	v5 =	vmul.f32 v15, v21  }
0x241: {  	p0 =	sne.s32 s16, $0x2F0;
	v3 =	vbroadcast v14, $0x3;
	v14 =	vld [tilespmem:s15+$0xFFFFFFC0];
	[tilespmem:$0x1FD10] =	vst v0;
	v0 =	vmul.f32 v17, v4  }
.Ltmp2:
0x242: {  	v26 =	vbroadcast v8, $0x7;
	v8 =	vld [tilespmem:s15+$0xFFFFFFD0];
	[tilespmem:$0x1FCF0] =	vst v5;
	v5 =	vmul.f32 v15, v23;
	(pc) =	sbr.rel @p0 .LBB2_6-.Ltmp2, $4  }
0x243: {  	v6 =	vbroadcast v20, $0x2;
	v34 =	vmul.f32 v27, v34;
	[tilespmem:$0x1FD20] =	vst v0;
	v0 =	vld [tilespmem:s15+$0xFFFFFFE0]  }
0x244: {  	v35 =	vmul.f32 v27, v35;
	v21 =	vld [tilespmem:s15+$0xFFFFFFB0];
	[tilespmem:$0x1FD00] =	vst v5;
	v5 =	vmul.f32 v22, v24  }
0x245: {  	v30 =	vmul.f32 v22, v25;
	v4 =	vmul.f32 v50, v26;
	v23 =	vld [tilespmem:s15+$0xFFFFFFA0]  }
0x246: {  	s16 =	sadd.s32 $0x10, s16;
	v26 =	vmovc v29;
	v20 =	vbroadcast v20, $0x0;
	v29 =	vmov v5;
	v5 =	vmul.f32 v50, v28;
	v28 =	vld [tilespmem:$0x1FBE0]  }
0x247: {  	v24 =	vld [tilespmem:s15+$0xFFFFFF80]  }
0x248: {  	v25 =	vld [tilespmem:s15+$0xFFFFFF90];
	_ =	sdelay $0x2  }
0x249: {  	v2 =	vmul.f32 v21, v2;
	v3 =	vmul.f32 v21, v3  }
0x24a: {  	v16 =	vmul.f32 v24, v16;
	v19 =	vmul.f32 v24, v19  }
0x24b: {  	v18 =	vmul.f32 v24, v18;
	v13 =	vmul.f32 v25, v13  }
0x24c: {  	v10 =	vmul.f32 v25, v10;
	v16 =	vadd.f32 v16, v53;
	v19 =	vadd.f32 v19, v56  }
0x24d: {  	v7 =	vmul.f32 v23, v7;
	v12 =	vmul.f32 v25, v12;
	v18 =	vadd.f32 v18, v58  }
0x24e: {  	v1 =	vmul.f32 v23, v1;
	v13 =	vadd.f32 v13, v16;
	v10 =	vadd.f32 v10, v19  }
0x24f: {  	v9 =	vmul.f32 v23, v9;
	v20 =	vmul.f32 v24, v20;
	v12 =	vadd.f32 v12, v18  }
0x250: {  	v7 =	vadd.f32 v7, v13;
	v1 =	vadd.f32 v1, v10;
	v10 =	vmul.f32 v21, v49  }
0x251: {  	v11 =	vmul.f32 v25, v11;
	v20 =	vadd.f32 v20, v57;
	v9 =	vadd.f32 v9, v12  }
0x252: {  	v2 =	vadd.f32 v2, v7;
	v1 =	vadd.f32 v10, v1;
	v10 =	vmul.f32 v14, v60  }
0x253: {  	v6 =	vmul.f32 v23, v6;
	v11 =	vadd.f32 v11, v20;
	v16 =	vmul.f32 v14, v61  }
0x254: {  	v3 =	vadd.f32 v3, v9;
	v9 =	vmul.f32 v8, v54;
	v2 =	vadd.f32 v10, v2  }
0x255: {  	v6 =	vadd.f32 v6, v11;
	v11 =	vmul.f32 v21, v59;
	v12 =	vmul.f32 v0, v52  }
0x256: {  	v13 =	vmul.f32 v8, v55;
	v7 =	vmul.f32 v0, v51;
	v2 =	vadd.f32 v9, v2  }
0x257: {  	v6 =	vadd.f32 v11, v6;
	v11 =	vmul.f32 v14, v43;
	v14 =	vmul.f32 v14, v42  }
0x258: {  	v3 =	vadd.f32 v16, v3;
	v10 =	vmul.f32 v8, v38;
	v2 =	vadd.f32 v7, v2;
	v7 =	vld [tilespmem:$0x1FCD0]  }
0x259: {  	v1 =	vadd.f32 v11, v1;
	v6 =	vadd.f32 v14, v6;
	v8 =	vmul.f32 v8, v37  }
0x25a: {  	v3 =	vadd.f32 v13, v3;
	v9 =	vmul.f32 v0, v33;
	v2 =	vadd.f32 v4, v2;
	v4 =	vld [tilespmem:$0x1FCB0]  }
0x25b: {  	v1 =	vadd.f32 v10, v1;
	v6 =	vadd.f32 v8, v6;
	v0 =	vmul.f32 v0, v31  }
0x25c: {  	v3 =	vadd.f32 v12, v3  }
0x25d: {  	v1 =	vadd.f32 v9, v1;
	v0 =	vadd.f32 v0, v6;
	v6 =	vld [tilespmem:$0x1FCE0];
	v7 =	vmul.f32 v50, v7;
	_ =	sdelay $0x1  }
0x25e: {  	v3 =	vadd.f32 v5, v3;
	v5 =	vld [tilespmem:$0x1FCC0];
	v4 =	vmul.f32 v46, v4;
	v1 =	vadd.f32 v7, v1;
	_ =	sdelay $0x1  }
0x25f: {  	v1 =	vadd.f32 v4, v1;
	v4 =	vld [tilespmem:$0x1FCA0]  }
0x260: {  	v6 =	vmul.f32 v50, v6;
	_ =	sdelay $0x1  }
0x261: {  	v0 =	vadd.f32 v6, v0;
	v5 =	vmul.f32 v46, v5;
	_ =	sdelay $0x1  }
0x262: {  	v0 =	vadd.f32 v5, v0;
	v4 =	vmul.f32 v41, v4;
	_ =	sdelay $0x1  }
0x263: {  	v0 =	vadd.f32 v4, v0;
	v4 =	vld [tilespmem:$0x1FC80]  }
0x264: {  	v6 =	vld [tilespmem:$0x1FC90];
	_ =	sdelay $0x1  }
0x265: {  	v5 =	vld [tilespmem:$0x1FC70];
	_ =	sdelay $0x1  }
0x266: {  	v4 =	vmul.f32 v36, v4  }
0x267: {  	v6 =	vmul.f32 v41, v6  }
0x268: {  	v0 =	vadd.f32 v4, v0;
	v4 =	vld [tilespmem:$0x1FC60]  }
0x269: {  	v5 =	vmul.f32 v36, v5;
	v1 =	vadd.f32 v6, v1;
	v6 =	vld [tilespmem:$0x1FC50];
	_ =	sdelay $0x1  }
0x26a: {  	v1 =	vadd.f32 v5, v1;
	v5 =	vld [tilespmem:$0x1FC30];
	_ =	sdelay $0x1  }
0x26b: {  	v4 =	vmul.f32 v32, v4  }
0x26c: {  	v6 =	vmul.f32 v32, v6  }
0x26d: {  	v0 =	vadd.f32 v4, v0;
	v4 =	vld [tilespmem:$0x1FC40]  }
0x26e: {  	v2 =	vadd.f32 v62, v2;
	v5 =	vmul.f32 v27, v5;
	v1 =	vadd.f32 v6, v1;
	v6 =	vld [tilespmem:$0x1FC10];
	_ =	sdelay $0x1  }
0x26f: {  	v2 =	vadd.f32 v47, v2;
	v1 =	vadd.f32 v5, v1;
	v5 =	vld [tilespmem:$0x1FBF0];
	_ =	sdelay $0x1  }
0x270: {  	v2 =	vadd.f32 v44, v2;
	v4 =	vmul.f32 v27, v4  }
0x271: {  	v3 =	vadd.f32 v63, v3;
	v6 =	vmul.f32 v22, v6  }
0x272: {  	v2 =	vadd.f32 v39, v2;
	v0 =	vadd.f32 v4, v0;
	v4 =	vld [tilespmem:$0x1FC20]  }
0x273: {  	v3 =	vadd.f32 v48, v3;
	v5 =	vmul.f32 v17, v5;
	v1 =	vadd.f32 v6, v1;
	v6 =	vld [tilespmem:$0x1FD10]  }
0x274: {  	v2 =	vadd.f32 v34, v2  }
0x275: {  	v3 =	vadd.f32 v45, v3;
	v1 =	vadd.f32 v5, v1;
	v5 =	vld [tilespmem:$0x1FCF0]  }
0x276: {  	v2 =	vadd.f32 v29, v2  }
0x277: {  	v7 =	vld [tilespmem:$0x1FFF0];
	v3 =	vadd.f32 v40, v3;
	v4 =	vmul.f32 v22, v4  }
0x278: {  	v2 =	vadd.f32 v6, v2;
	v6 =	vld [tilespmem:$0x1FD20]  }
0x279: {  	v3 =	vadd.f32 v35, v3;
	v0 =	vadd.f32 v4, v0;
	v4 =	vld [tilespmem:$0x1FC00]  }
0x27a: {  	v2 =	vadd.f32 v5, v2;
	v5 =	vld [tilespmem:$0x1FD00]  }
0x27b: {  	v8 =	vld [tilespmem:$0x1FF90];
	v3 =	vadd.f32 v30, v3  }
0x27c: {  	v9 =	vld [tilespmem:$0x1FFA0]  }
0x27d: {  	v3 =	vadd.f32 v6, v3  }
0x27e: {  	v4 =	vmul.f32 v17, v4  }
0x27f: {  	v6 =	vmul.f32 v15, v28;
	v3 =	vadd.f32 v5, v3;
	v5 =	vbroadcast v7, $0x8  }
0x280: {  	v2 =	vadd.f32 v2, v8;
	v0 =	vadd.f32 v4, v0;
	v4 =	vmul.f32 v15, v26  }
0x281: {  	v1 =	vadd.f32 v6, v1;
	v6 =	vbroadcast v7, $0xA;
	v5 =	vmul.f32 v5, v9  }
0x282: {  	v0 =	vadd.f32 v4, v0;
	v4 =	vbroadcast v7, $0x9  }
0x283: {  	v1 =	vadd.f32 v1, v8;
	v2 =	vadd.f32 v2, v5;
	v5 =	vmul.f32 v6, v9  }
0x284: {  	v3 =	vadd.f32 v3, v8;
	v7 =	vbroadcast v7, $0xB;
	v4 =	vmul.f32 v4, v9  }
0x285: {  	v1 =	vadd.f32 v1, v5  }
0x286: {  	v0 =	vadd.f32 v0, v8;
	v3 =	vadd.f32 v3, v4;
	v4 =	vmul.f32 v7, v9  }
0x287: {  	[tilespmem:$0x6180] =	vst v2  }
0x288: {  	[tilespmem:$0x61A0] =	vst v1;
	v0 =	vadd.f32 v0, v4  }
0x289: {  	s31 =	simm.s32 $0x0;
	[tilespmem:$0x6190] =	vst v3  }
0x28a: {  	s15 =	sand.u32 $0x3F0, s31;
	[tilespmem:$0x61B0] =	vst v0  }
0x28b: {  	v0 =	vld [tilespmem:s15+$0x2400]  }
0x28c: {  	v4 =	vld [tilespmem:s15+$0x2700]  }
0x28d: {  	v5 =	vld [tilespmem:s15+$0x2A00]  }
0x28e: {  	v9 =	vld [tilespmem:s15+$0x2D00];
	_ =	sdelay $0x3  }
0x28f: {  	v14 =	vbroadcast v0, $0xF;
	v21 =	vbroadcast v4, $0xF  }
0x290: {  	v27 =	vbroadcast v5, $0xF;
	v26 =	vbroadcast v9, $0xF  }
0x291: {  	v23 =	vbroadcast v0, $0xE;
	v25 =	vbroadcast v4, $0xE  }
0x292: {  	v1 =	vbroadcast v5, $0xE;
	v29 =	vbroadcast v0, $0xD  }
0x293: {  	v30 =	vbroadcast v4, $0xD;
	v34 =	vbroadcast v0, $0xC  }
0x294: {  	v35 =	vbroadcast v4, $0xC;
	v39 =	vbroadcast v0, $0xB  }
0x295: {  	v40 =	vbroadcast v4, $0xB;
	v42 =	vbroadcast v0, $0xA  }
0x296: {  	v43 =	vbroadcast v4, $0xA;
	v49 =	vbroadcast v0, $0x9  }
0x297: {  	v50 =	vbroadcast v4, $0x9;
	v55 =	vbroadcast v0, $0x8  }
0x298: {  	v56 =	vbroadcast v4, $0x8;
	v57 =	vbroadcast v0, $0x7  }
0x299: {  	v58 =	vbroadcast v4, $0x7;
	v48 =	vbroadcast v0, $0x6  }
0x29a: {  	v47 =	vbroadcast v4, $0x6;
	[tilespmem:$0x1FAA0] =	vst v1;
	v1 =	vbroadcast v9, $0xE  }
0x29b: {  	v33 =	vbroadcast v5, $0x6;
	v31 =	vbroadcast v9, $0x6  }
0x29c: {  	v52 =	vbroadcast v0, $0x5;
	[tilespmem:$0x1FAB0] =	vst v1;
	v1 =	vbroadcast v5, $0xD  }
0x29d: {  	v53 =	vbroadcast v4, $0x5;
	v38 =	vbroadcast v5, $0x5  }
0x29e: {  	v37 =	vbroadcast v9, $0x5;
	[tilespmem:$0x1FAC0] =	vst v1;
	v1 =	vbroadcast v9, $0xD  }
0x29f: {  	v62 =	vbroadcast v0, $0x4;
	v63 =	vbroadcast v4, $0x4  }
0x2a0: {  	v45 =	vbroadcast v5, $0x4;
	[tilespmem:$0x1FAD0] =	vst v1;
	v1 =	vbroadcast v5, $0xC  }
0x2a1: {  	v44 =	vbroadcast v9, $0x4;
	v3 =	vbroadcast v0, $0x3  }
0x2a2: {  	v2 =	vbroadcast v4, $0x3;
	[tilespmem:$0x1FAE0] =	vst v1;
	v1 =	vbroadcast v9, $0xC  }
0x2a3: {  	v51 =	vbroadcast v5, $0x3;
	v7 =	vbroadcast v0, $0x2  }
0x2a4: {  	v8 =	vbroadcast v4, $0x2;
	[tilespmem:$0x1FAF0] =	vst v1;
	v1 =	vbroadcast v5, $0xB  }
0x2a5: {  	s15 =	simm.s32 $0x3080;
	v12 =	vbroadcast v0, $0x1;
	v13 =	vbroadcast v4, $0x1  }
0x2a6: {  	v15 =	vld [tilespmem:s15+$0x70];
	v10 =	vbroadcast v5, $0x1;
	[tilespmem:$0x1FB00] =	vst v1;
	v1 =	vbroadcast v9, $0xB  }
0x2a7: {  	v22 =	vld [tilespmem:s15+$0x50];
	v16 =	vbroadcast v0, $0x0;
	v17 =	vbroadcast v4, $0x0  }
0x2a8: {  	v28 =	vld [tilespmem:s15+$0x40];
	v19 =	vbroadcast v5, $0x0;
	[tilespmem:$0x1FB10] =	vst v1;
	v1 =	vbroadcast v5, $0xA  }
0x2a9: {  	v59 =	vbroadcast v9, $0x3;
	v6 =	vbroadcast v9, $0x2  }
0x2aa: {  	v32 =	vld [tilespmem:s15+$0x30];
	v11 =	vbroadcast v9, $0x1;
	[tilespmem:$0x1FB20] =	vst v1;
	v1 =	vbroadcast v9, $0xA  }
0x2ab: {  	v18 =	vld [tilespmem:s15+$0x60];
	v20 =	vbroadcast v9, $0x0;
	v0 =	vmul.f32 v15, v14  }
0x2ac: {  	v36 =	vld [tilespmem:s15+$0x20];
	v29 =	vmul.f32 v22, v29;
	[tilespmem:$0x1FB30] =	vst v1;
	v1 =	vbroadcast v5, $0x9  }
0x2ad: {  	v30 =	vmul.f32 v22, v30;
	v34 =	vmul.f32 v28, v34  }
0x2ae: {  	v41 =	vld [tilespmem:s15+$0x10];
	v35 =	vmul.f32 v28, v35;
	[tilespmem:$0x1FB40] =	vst v1;
	v1 =	vbroadcast v9, $0x9  }
0x2af: {  	v39 =	vmul.f32 v32, v39;
	[tilespmem:$0x1FBA0] =	vst v0;
	v0 =	vmul.f32 v15, v21  }
0x2b0: {  	v46 =	vld [tilespmem:s15+$0x0];
	v40 =	vmul.f32 v32, v40;
	[tilespmem:$0x1FB50] =	vst v1;
	v1 =	vbroadcast v5, $0x8  }
0x2b1: {  	v54 =	vld [tilespmem:s15+$0xFFFFFFF0];
	v42 =	vmul.f32 v36, v42;
	[tilespmem:$0x1FBB0] =	vst v0;
	v0 =	vmul.f32 v18, v23  }
0x2b2: {  	v43 =	vmul.f32 v36, v43;
	[tilespmem:$0x1FB60] =	vst v1;
	v1 =	vbroadcast v9, $0x8  }
0x2b3: {  	v49 =	vmul.f32 v41, v49;
	[tilespmem:$0x1FBC0] =	vst v0;
	v0 =	vmul.f32 v18, v25  }
0x2b4: {  	v50 =	vmul.f32 v41, v50;
	v14 =	vld [tilespmem:s15+$0xFFFFFFC0];
	[tilespmem:$0x1FB70] =	vst v1;
	v1 =	vbroadcast v5, $0x7  }
0x2b5: {  	v60 =	vmul.f32 v46, v55;
	v61 =	vmul.f32 v46, v56;
	v21 =	vld [tilespmem:s15+$0xFFFFFFB0];
	[tilespmem:$0x1FBD0] =	vst v0  }
0x2b6: {  	v4 =	vmul.f32 v54, v57;
	v0 =	vld [tilespmem:s15+$0xFFFFFFE0];
	[tilespmem:$0x1FB80] =	vst v1;
	v1 =	vbroadcast v9, $0x7  }
0x2b7: {  	v55 =	vimm.f32 $0.0e+00;
	v56 =	vimm.f32 $0.0e+00;
	v57 =	vimm.f32 $0.0e+00;
	v23 =	vld [tilespmem:s15+$0xFFFFFFA0]  }
0x2b8: {  	s16 =	simm.s32 $0x10;
	v9 =	vld [tilespmem:s15+$0xFFFFFFD0];
	[tilespmem:$0x1FB90] =	vst v1;
	v1 =	vbroadcast v5, $0x2;
	v5 =	vmul.f32 v54, v58;
	v58 =	vimm.f32 $0.0e+00  }
.LBB2_8:
0x2b9: {  	v24 =	vld [tilespmem:s15+$0xFFFFFF90]  }
0x2ba: {  	v25 =	vld [tilespmem:s15+$0xFFFFFF80]  }
0x2bb: {  	v48 =	vmul.f32 v0, v48;
	v62 =	vmul.f32 v14, v62  }
0x2bc: {  	v3 =	vmul.f32 v21, v3;
	v2 =	vmul.f32 v21, v2  }
0x2bd: {  	v7 =	vmul.f32 v23, v7;
	v8 =	vmul.f32 v23, v8  }
0x2be: {  	v12 =	vmul.f32 v24, v12;
	v13 =	vmul.f32 v24, v13  }
0x2bf: {  	v16 =	vmul.f32 v25, v16;
	v17 =	vmul.f32 v25, v17  }
0x2c0: {  	v19 =	vmul.f32 v25, v19;
	v20 =	vmul.f32 v25, v20  }
0x2c1: {  	v10 =	vmul.f32 v24, v10;
	v16 =	vadd.f32 v16, v55;
	v17 =	vadd.f32 v17, v58  }
0x2c2: {  	v11 =	vmul.f32 v24, v11;
	v19 =	vadd.f32 v19, v56;
	v20 =	vadd.f32 v20, v57  }
0x2c3: {  	v1 =	vmul.f32 v23, v1;
	v12 =	vadd.f32 v12, v16;
	v13 =	vadd.f32 v13, v17  }
0x2c4: {  	v6 =	vmul.f32 v23, v6;
	v10 =	vadd.f32 v10, v19;
	v11 =	vadd.f32 v11, v20  }
0x2c5: {  	v7 =	vadd.f32 v7, v12;
	v8 =	vadd.f32 v8, v13;
	v12 =	vmul.f32 v21, v51  }
0x2c6: {  	v1 =	vadd.f32 v1, v10;
	v6 =	vadd.f32 v6, v11;
	v10 =	vmul.f32 v21, v59  }
0x2c7: {  	v3 =	vadd.f32 v3, v7;
	v2 =	vadd.f32 v2, v8;
	v7 =	vmul.f32 v14, v45  }
0x2c8: {  	v1 =	vadd.f32 v12, v1;
	v6 =	vadd.f32 v10, v6;
	v8 =	vmul.f32 v14, v44  }
0x2c9: {  	v47 =	vmul.f32 v0, v47;
	v52 =	vmul.f32 v9, v52;
	v3 =	vadd.f32 v62, v3  }
0x2ca: {  	v1 =	vadd.f32 v7, v1;
	v6 =	vadd.f32 v8, v6;
	v7 =	vmul.f32 v9, v37  }
0x2cb: {  	v63 =	vmul.f32 v14, v63;
	v8 =	vmul.f32 v0, v33  }
0x2cc: {  	v0 =	vmul.f32 v0, v31;
	v3 =	vadd.f32 v52, v3;
	v6 =	vadd.f32 v7, v6  }
0x2cd: {  	v53 =	vmul.f32 v9, v53;
	v2 =	vadd.f32 v63, v2;
	v7 =	vld [tilespmem:$0x1FB80]  }
0x2ce: {  	v10 =	vmul.f32 v9, v38;
	v3 =	vadd.f32 v48, v3;
	v0 =	vadd.f32 v0, v6;
	v6 =	vld [tilespmem:$0x1FB90]  }
0x2cf: {  	v2 =	vadd.f32 v53, v2  }
0x2d0: {  	v1 =	vadd.f32 v10, v1;
	v3 =	vadd.f32 v4, v3;
	v4 =	vld [tilespmem:$0x1FB60]  }
0x2d1: {  	v2 =	vadd.f32 v47, v2  }
0x2d2: {  	v1 =	vadd.f32 v8, v1  }
0x2d3: {  	v2 =	vadd.f32 v5, v2;
	v5 =	vld [tilespmem:$0x1FB70];
	v7 =	vmul.f32 v54, v7;
	v6 =	vmul.f32 v54, v6;
	_ =	sdelay $0x1  }
0x2d4: {  	v1 =	vadd.f32 v7, v1;
	v4 =	vmul.f32 v46, v4;
	v0 =	vadd.f32 v6, v0;
	v6 =	vld [tilespmem:$0x1FB40];
	_ =	sdelay $0x1  }
0x2d5: {  	v1 =	vadd.f32 v4, v1;
	v4 =	vld [tilespmem:$0x1FB50]  }
0x2d6: {  	v5 =	vmul.f32 v46, v5;
	_ =	sdelay $0x1  }
0x2d7: {  	v0 =	vadd.f32 v5, v0;
	v5 =	vld [tilespmem:$0x1FB20];
	v6 =	vmul.f32 v41, v6;
	_ =	sdelay $0x1  }
0x2d8: {  	v4 =	vmul.f32 v41, v4;
	v1 =	vadd.f32 v6, v1;
	v6 =	vld [tilespmem:$0x1FB00];
	_ =	sdelay $0x1  }
0x2d9: {  	v0 =	vadd.f32 v4, v0;
	v4 =	vld [tilespmem:$0x1FB30]  }
0x2da: {  	v5 =	vmul.f32 v36, v5;
	_ =	sdelay $0x1  }
0x2db: {  	v1 =	vadd.f32 v5, v1;
	v5 =	vld [tilespmem:$0x1FAE0];
	v6 =	vmul.f32 v32, v6;
	_ =	sdelay $0x1  }
0x2dc: {  	v3 =	vadd.f32 v60, v3;
	v4 =	vmul.f32 v36, v4;
	v1 =	vadd.f32 v6, v1;
	v6 =	vld [tilespmem:$0x1FAC0];
	_ =	sdelay $0x1  }
0x2dd: {  	v3 =	vadd.f32 v49, v3;
	v0 =	vadd.f32 v4, v0;
	v4 =	vld [tilespmem:$0x1FB10]  }
0x2de: {  	v5 =	vmul.f32 v28, v5  }
0x2df: {  	v3 =	vadd.f32 v42, v3  }
0x2e0: {  	v2 =	vadd.f32 v61, v2;
	v1 =	vadd.f32 v5, v1;
	v6 =	vmul.f32 v22, v6  }
0x2e1: {  	v3 =	vadd.f32 v39, v3  }
0x2e2: {  	s17 =	sand.u32 $0x3F0, s16;
	v2 =	vadd.f32 v50, v2;
	v4 =	vmul.f32 v32, v4;
	v1 =	vadd.f32 v6, v1;
	v6 =	vld [tilespmem:$0x1FBC0]  }
0x2e3: {  	v20 =	vld [tilespmem:s17+$0x2D00];
	v3 =	vadd.f32 v34, v3  }
0x2e4: {  	v2 =	vadd.f32 v43, v2;
	v0 =	vadd.f32 v4, v0;
	v4 =	vld [tilespmem:$0x1FAF0]  }
0x2e5: {  	v7 =	vld [tilespmem:$0x1FAA0];
	v3 =	vadd.f32 v29, v3  }
0x2e6: {  	v14 =	vld [tilespmem:s17+$0x2700];
	v2 =	vadd.f32 v40, v2  }
0x2e7: {  	v3 =	vadd.f32 v6, v3;
	v6 =	vld [tilespmem:$0x1FBD0]  }
0x2e8: {  	v44 =	vbroadcast v20, $0x4;
	v59 =	vbroadcast v20, $0x3;
	v2 =	vadd.f32 v35, v2  }
0x2e9: {  	v11 =	vbroadcast v20, $0x1;
	v5 =	vld [tilespmem:s17+$0x2A00];
	v4 =	vmul.f32 v28, v4  }
0x2ea: {  	v31 =	vbroadcast v20, $0x6;
	v7 =	vmul.f32 v18, v7;
	v2 =	vadd.f32 v30, v2  }
0x2eb: {  	v37 =	vbroadcast v20, $0x5;
	v23 =	vbroadcast v14, $0xF;
	v0 =	vadd.f32 v4, v0;
	v4 =	vld [tilespmem:$0x1FAD0]  }
0x2ec: {  	v1 =	vadd.f32 v7, v1;
	v2 =	vadd.f32 v6, v2;
	v6 =	vmul.f32 v15, v27  }
0x2ed: {  	v9 =	vld [tilespmem:s17+$0x2400];
	v25 =	vbroadcast v14, $0xD;
	v53 =	vbroadcast v14, $0x5  }
0x2ee: {  	v63 =	vbroadcast v14, $0x4;
	v56 =	vadd.f32 v6, v1;
	v1 =	vbroadcast v5, $0xE  }
0x2ef: {  	v13 =	vbroadcast v14, $0x1;
	v17 =	vbroadcast v14, $0x0  }
0x2f0: {  	v4 =	vmul.f32 v22, v4;
	[tilespmem:$0x1FAA0] =	vst v1;
	v1 =	vbroadcast v20, $0xE  }
0x2f1: {  	v47 =	vbroadcast v14, $0x6;
	v8 =	vbroadcast v14, $0x2  }
0x2f2: {  	v21 =	vbroadcast v9, $0xF;
	v0 =	vadd.f32 v4, v0;
	v4 =	vld [tilespmem:$0x1FAB0];
	[tilespmem:$0x1FAB0] =	vst v1;
	v1 =	vbroadcast v5, $0xD  }
0x2f3: {  	v24 =	vbroadcast v9, $0xD;
	v48 =	vbroadcast v9, $0x6  }
0x2f4: {  	v52 =	vbroadcast v9, $0x5;
	[tilespmem:$0x1FAC0] =	vst v1;
	v1 =	vbroadcast v20, $0xD  }
0x2f5: {  	v62 =	vbroadcast v9, $0x4;
	v12 =	vbroadcast v9, $0x1  }
0x2f6: {  	v16 =	vbroadcast v9, $0x0;
	[tilespmem:$0x1FAD0] =	vst v1;
	v1 =	vbroadcast v5, $0xC  }
0x2f7: {  	s15 =	sadd.s32 $0x100, s15;
	v60 =	vbroadcast v9, $0x8;
	v61 =	vbroadcast v14, $0x8  }
0x2f8: {  	v49 =	vbroadcast v9, $0x9;
	v46 =	vld [tilespmem:s15+$0x0];
	[tilespmem:$0x1FAE0] =	vst v1;
	v1 =	vbroadcast v20, $0xC  }
0x2f9: {  	v50 =	vbroadcast v14, $0x9;
	v42 =	vbroadcast v9, $0xA  }
0x2fa: {  	v43 =	vbroadcast v14, $0xA;
	v41 =	vld [tilespmem:s15+$0x10];
	[tilespmem:$0x1FAF0] =	vst v1;
	v1 =	vbroadcast v5, $0xB  }
0x2fb: {  	v39 =	vbroadcast v9, $0xB;
	v40 =	vbroadcast v14, $0xB  }
0x2fc: {  	v34 =	vbroadcast v9, $0xC;
	v36 =	vld [tilespmem:s15+$0x20];
	[tilespmem:$0x1FB00] =	vst v1;
	v1 =	vbroadcast v20, $0xB  }
0x2fd: {  	v35 =	vbroadcast v14, $0xC;
	v60 =	vmul.f32 v46, v60  }
0x2fe: {  	v61 =	vmul.f32 v46, v61;
	[tilespmem:$0x1FB10] =	vst v1;
	v1 =	vbroadcast v5, $0xA  }
0x2ff: {  	v29 =	vbroadcast v20, $0xF;
	v49 =	vmul.f32 v41, v49  }
0x300: {  	v50 =	vmul.f32 v41, v50;
	[tilespmem:$0x1FB20] =	vst v1;
	v1 =	vbroadcast v20, $0xA  }
0x301: {  	v42 =	vmul.f32 v36, v42;
	v43 =	vmul.f32 v36, v43  }
0x302: {  	v33 =	vbroadcast v5, $0x6;
	v7 =	vld [tilespmem:$0x1FBA0];
	[tilespmem:$0x1FB30] =	vst v1;
	v1 =	vbroadcast v5, $0x9  }
0x303: {  	v38 =	vbroadcast v5, $0x5;
	v45 =	vbroadcast v5, $0x4;
	v32 =	vld [tilespmem:s15+$0x30]  }
0x304: {  	v51 =	vbroadcast v5, $0x3;
	[tilespmem:$0x1FB40] =	vst v1;
	v1 =	vbroadcast v20, $0x9  }
0x305: {  	v10 =	vbroadcast v5, $0x1;
	v4 =	vmul.f32 v18, v4  }
0x306: {  	v19 =	vbroadcast v5, $0x0;
	[tilespmem:$0x1FB50] =	vst v1;
	v1 =	vbroadcast v5, $0x8  }
0x307: {  	v55 =	vadd.f32 v7, v3;
	v3 =	vld [tilespmem:$0x1FBB0];
	v0 =	vadd.f32 v4, v0;
	v4 =	vmul.f32 v15, v26  }
0x308: {  	v39 =	vmul.f32 v32, v39;
	v18 =	vld [tilespmem:s15+$0x60];
	[tilespmem:$0x1FB60] =	vst v1;
	v1 =	vbroadcast v20, $0x8  }
0x309: {  	v40 =	vmul.f32 v32, v40;
	v15 =	vld [tilespmem:s15+$0x70];
	v57 =	vadd.f32 v4, v0;
	v0 =	vbroadcast v5, $0xF  }
0x30a: {  	v7 =	vbroadcast v9, $0x2;
	[tilespmem:$0x1FB70] =	vst v1;
	v1 =	vbroadcast v5, $0x7  }
0x30b: {  	v27 =	vbroadcast v14, $0x7;
	[tilespmem:$0x1FA90] =	vst v0;
	v0 =	vbroadcast v9, $0xE  }
0x30c: {  	v28 =	vld [tilespmem:s15+$0x40];
	v58 =	vadd.f32 v3, v2;
	v3 =	vbroadcast v9, $0x3;
	[tilespmem:$0x1FB80] =	vst v1;
	v1 =	vbroadcast v20, $0x7  }
0x30d: {  	v22 =	vld [tilespmem:s15+$0x50];
	v4 =	vbroadcast v14, $0xE;
	v0 =	vmul.f32 v18, v0  }
0x30e: {  	v54 =	vld [tilespmem:s15+$0xFFFFFFF0];
	[tilespmem:$0x1FB90] =	vst v1;
	v1 =	vbroadcast v5, $0x2;
	v5 =	vmul.f32 v15, v21  }
0x30f: {  	p0 =	sne.s32 s16, $0x2F0;
	v2 =	vbroadcast v14, $0x3;
	v14 =	vld [tilespmem:s15+$0xFFFFFFC0];
	[tilespmem:$0x1FBC0] =	vst v0;
	v0 =	vmul.f32 v18, v4  }
.Ltmp3:
0x310: {  	v26 =	vbroadcast v9, $0x7;
	v9 =	vld [tilespmem:s15+$0xFFFFFFD0];
	[tilespmem:$0x1FBA0] =	vst v5;
	v5 =	vmul.f32 v15, v23;
	(pc) =	sbr.rel @p0 .LBB2_8-.Ltmp3, $4  }
0x311: {  	v6 =	vbroadcast v20, $0x2;
	v34 =	vmul.f32 v28, v34;
	[tilespmem:$0x1FBD0] =	vst v0;
	v0 =	vld [tilespmem:s15+$0xFFFFFFE0]  }
0x312: {  	v35 =	vmul.f32 v28, v35;
	v21 =	vld [tilespmem:s15+$0xFFFFFFB0];
	[tilespmem:$0x1FBB0] =	vst v5;
	v5 =	vmul.f32 v22, v24  }
0x313: {  	v30 =	vmul.f32 v22, v25;
	v4 =	vmul.f32 v54, v26;
	v23 =	vld [tilespmem:s15+$0xFFFFFFA0]  }
0x314: {  	s16 =	sadd.s32 $0x10, s16;
	v26 =	vmovc v29;
	v20 =	vbroadcast v20, $0x0;
	v29 =	vmov v5;
	v5 =	vmul.f32 v54, v27;
	v27 =	vld [tilespmem:$0x1FA90]  }
0x315: {  	v24 =	vld [tilespmem:s15+$0xFFFFFF80];
	_ =	sdelay $0x1  }
0x316: {  	v25 =	vld [tilespmem:s15+$0xFFFFFF90];
	v3 =	vmul.f32 v21, v3;
	v2 =	vmul.f32 v21, v2  }
0x317: {  	v7 =	vmul.f32 v23, v7;
	v8 =	vmul.f32 v23, v8  }
0x318: {  	v1 =	vmul.f32 v23, v1;
	v6 =	vmul.f32 v23, v6  }
0x319: {  	v16 =	vmul.f32 v24, v16;
	v17 =	vmul.f32 v24, v17  }
0x31a: {  	v19 =	vmul.f32 v24, v19;
	v20 =	vmul.f32 v24, v20  }
0x31b: {  	v12 =	vmul.f32 v25, v12;
	v13 =	vmul.f32 v25, v13  }
0x31c: {  	v10 =	vmul.f32 v25, v10;
	v16 =	vadd.f32 v16, v55;
	v17 =	vadd.f32 v17, v58  }
0x31d: {  	v11 =	vmul.f32 v25, v11;
	v19 =	vadd.f32 v19, v56;
	v20 =	vadd.f32 v20, v57  }
0x31e: {  	v55 =	vmul.f32 v21, v51;
	v56 =	vmul.f32 v21, v59;
	v12 =	vadd.f32 v12, v16  }
0x31f: {  	v57 =	vmul.f32 v14, v62;
	v58 =	vmul.f32 v14, v63;
	v13 =	vadd.f32 v13, v17  }
0x320: {  	v59 =	vmul.f32 v14, v45;
	v10 =	vadd.f32 v10, v19;
	v7 =	vadd.f32 v7, v12  }
0x321: {  	v62 =	vmul.f32 v14, v44;
	v11 =	vadd.f32 v11, v20;
	v8 =	vadd.f32 v8, v13  }
0x322: {  	v63 =	vmul.f32 v9, v52;
	v1 =	vadd.f32 v1, v10;
	v3 =	vadd.f32 v3, v7  }
0x323: {  	v23 =	vld [tilespmem:$0x1FB90];
	v14 =	vmul.f32 v9, v37;
	v6 =	vadd.f32 v6, v11;
	v2 =	vadd.f32 v2, v8  }
0x324: {  	v24 =	vld [tilespmem:$0x1FB60];
	v16 =	vmul.f32 v0, v48;
	v1 =	vadd.f32 v55, v1;
	v3 =	vadd.f32 v57, v3  }
0x325: {  	v21 =	vld [tilespmem:$0x1FB80];
	v12 =	vmul.f32 v9, v53;
	v6 =	vadd.f32 v56, v6;
	v2 =	vadd.f32 v58, v2  }
0x326: {  	v25 =	vld [tilespmem:$0x1FB70];
	v13 =	vmul.f32 v9, v38;
	v1 =	vadd.f32 v59, v1;
	v3 =	vadd.f32 v63, v3  }
0x327: {  	v37 =	vld [tilespmem:$0x1FB20];
	v17 =	vmul.f32 v0, v47;
	v6 =	vadd.f32 v62, v6;
	v2 =	vadd.f32 v12, v2  }
0x328: {  	v44 =	vld [tilespmem:$0x1FAF0];
	v19 =	vmul.f32 v0, v33;
	v1 =	vadd.f32 v13, v1;
	v3 =	vadd.f32 v16, v3  }
0x329: {  	v20 =	vmul.f32 v0, v31;
	v31 =	vld [tilespmem:$0x1FB40];
	v6 =	vadd.f32 v14, v6;
	v2 =	vadd.f32 v17, v2  }
0x32a: {  	v33 =	vld [tilespmem:$0x1FB50];
	v7 =	vmul.f32 v54, v21;
	v1 =	vadd.f32 v19, v1;
	v3 =	vadd.f32 v4, v3  }
0x32b: {  	v45 =	vld [tilespmem:$0x1FAC0];
	v0 =	vadd.f32 v20, v6;
	v6 =	vmul.f32 v54, v23;
	v2 =	vadd.f32 v5, v2  }
0x32c: {  	v47 =	vld [tilespmem:$0x1FAA0];
	v1 =	vadd.f32 v7, v1;
	v4 =	vmul.f32 v46, v24;
	v3 =	vadd.f32 v60, v3  }
0x32d: {  	v55 =	vld [tilespmem:$0x1FFF0];
	v0 =	vadd.f32 v6, v0;
	v5 =	vmul.f32 v46, v25;
	v2 =	vadd.f32 v61, v2  }
0x32e: {  	v38 =	vld [tilespmem:$0x1FB30];
	v1 =	vadd.f32 v4, v1;
	v4 =	vmul.f32 v41, v31;
	v3 =	vadd.f32 v49, v3  }
0x32f: {  	v0 =	vadd.f32 v5, v0;
	v5 =	vmul.f32 v41, v33;
	v41 =	vld [tilespmem:$0x1FB00];
	v2 =	vadd.f32 v50, v2  }
0x330: {  	v3 =	vadd.f32 v42, v3;
	v42 =	vld [tilespmem:$0x1FB10]  }
0x331: {  	v51 =	vmul.f32 v15, v27;
	v52 =	vmul.f32 v15, v26;
	v2 =	vadd.f32 v43, v2;
	v43 =	vld [tilespmem:$0x1FAE0]  }
0x332: {  	v48 =	vld [tilespmem:$0x1FAB0];
	v56 =	vbroadcast v55, $0xC;
	v1 =	vadd.f32 v4, v1;
	v4 =	vmul.f32 v36, v37  }
0x333: {  	v53 =	vld [tilespmem:$0x1FBA0];
	v57 =	vbroadcast v55, $0xD;
	v0 =	vadd.f32 v5, v0;
	v5 =	vmul.f32 v36, v38  }
0x334: {  	v46 =	vld [tilespmem:$0x1FAD0];
	v1 =	vadd.f32 v4, v1;
	v4 =	vmul.f32 v32, v41;
	v3 =	vadd.f32 v39, v3  }
0x335: {  	v49 =	vld [tilespmem:$0x1FBC0];
	v0 =	vadd.f32 v5, v0;
	v2 =	vadd.f32 v40, v2;
	v5 =	vmul.f32 v32, v42  }
0x336: {  	v50 =	vld [tilespmem:$0x1FBD0];
	v1 =	vadd.f32 v4, v1;
	v3 =	vadd.f32 v34, v3;
	v4 =	vmul.f32 v28, v43  }
0x337: {  	v59 =	vld [tilespmem:$0x1FFA0];
	v2 =	vadd.f32 v35, v2;
	v0 =	vadd.f32 v5, v0;
	v5 =	vmul.f32 v28, v44  }
0x338: {  	v54 =	vld [tilespmem:$0x1FBB0];
	v3 =	vadd.f32 v29, v3;
	v1 =	vadd.f32 v4, v1;
	v4 =	vmul.f32 v22, v45  }
0x339: {  	v58 =	vld [tilespmem:$0x1FF90];
	v2 =	vadd.f32 v30, v2;
	v0 =	vadd.f32 v5, v0;
	v5 =	vmul.f32 v22, v46  }
0x33a: {  	v3 =	vadd.f32 v49, v3;
	v1 =	vadd.f32 v4, v1;
	v4 =	vmul.f32 v18, v47  }
0x33b: {  	v2 =	vadd.f32 v50, v2;
	v0 =	vadd.f32 v5, v0;
	v5 =	vmul.f32 v18, v48  }
0x33c: {  	v7 =	vbroadcast v55, $0xF;
	v3 =	vadd.f32 v53, v3;
	v1 =	vadd.f32 v4, v1  }
0x33d: {  	v60 =	vmul.f32 v56, v59;
	v2 =	vadd.f32 v54, v2;
	v0 =	vadd.f32 v5, v0  }
0x33e: {  	v61 =	vbroadcast v55, $0xE;
	v3 =	vadd.f32 v3, v58;
	v1 =	vadd.f32 v51, v1  }
0x33f: {  	v4 =	vmul.f32 v57, v59;
	v2 =	vadd.f32 v2, v58;
	v0 =	vadd.f32 v52, v0  }
0x340: {  	v62 =	vmul.f32 v61, v59;
	v3 =	vadd.f32 v3, v60;
	v1 =	vadd.f32 v1, v58  }
0x341: {  	v63 =	vmul.f32 v7, v59;
	v2 =	vadd.f32 v2, v4;
	v0 =	vadd.f32 v0, v58  }
0x342: {  	[tilespmem:$0x61C0] =	vst v3;
	v1 =	vadd.f32 v1, v62  }
0x343: {  	s14 =	sadd.s32 $0x1, s14;
	[tilespmem:$0x61D0] =	vst v2;
	v0 =	vadd.f32 v0, v63  }
0x344: {  	p0 =	sne.s32 s14, s8;
	[tilespmem:$0x61E0] =	vst v1  }
.Ltmp4:
0x345: {  	[tilespmem:$0x61F0] =	vst v0;
	(pc) =	sbr.rel @p0 .LBB2_1-.Ltmp4, $4  }
0x346: {  	[hbm4b:s7+s3] =	stream.linear.scatter [tilespmem:s13], [sflag:$0x1], $0x100, $0x38;
	[tilespmem:$0x6200] =	vst v63  }
0x347: {  	_ =	swait.ge [sflag:s9], $0x100  }
0x348: {  	[sflag:s9] =	ssyncset.done $0x0  }
0x349: {  	[sflag:s9] =	ssyncadd.s32 $0xFFFFFF00  }
0x34a: {  	_ =	sfence.sel $0x180000  }
0x34b: {  	[bflag:$0x0] =	sbarrier.arrive $0xFFFF  }
0x34c: {  	p0 =	sne.s32 s0, $0x0;
	_ =	strace $0x90000047  }
0x34d: {  	s0 =	sadd.s32 @!p0 $0x100000, s1;
	[bflag:$0x2] =	sbarrier.arrive $0xFFFF  }
0x34e: {  	[sflag:s0] =	ssyncadd.tile.s32 @!p0 $0x1;
	_ =	shalt  }
.Lfunc_end2:
_tile_overlayer_lowered:
.L_overlay_start_2:
0x34f: {  	(tag) =	ssettag $0x2  }
0x350: {  	s0 =	rddreg [dreg:$0x0];
	s2 =	stileid.u32  }
0x351: {  	s1 =	rddreg [dreg:$0x1];
	p0 =	sne.s32 s2, $0x0  }
0x352: {  	s3 =	rddreg [dreg:$0x2];
	[bflag:$0x3] =	sbarrier.arrive $0xFFFF;
	s2 =	simm.s32 @!p0 $0x1C01  }
0x353: {  	[timem:s3], [sflag:s2] =	dma.local @!p0 [hbm:s0], s1  }
0x354: {  	s0 =	simm.s32 @!p0 $0x1  }
0x355: {  	_ =	swait.ge @!p0 [sflag:s0], s1  }
0x356: {  	s1 =	ssub.s32 @!p0 $0x0, s1;
	[sflag:s0] =	ssyncset.done @!p0 $0x0  }
0x357: {  	[sflag:s0] =	ssyncadd.s32 @!p0 s1  }
0x358: {  	[bflag:$0x3] =	sbarrier.arrive $0xFFFF  }
0x359: {  	_ =	shalt  }

</sc_bundles>
